<compile_context>
chip_gen: v7x
topology: tpu7x:2x2x1
jax: 0.10.2.dev20260603
libtpu: 0.0.44.dev20260713+nightly
codegen_flags: <defaults>
</compile_context>

<pallas_src>
import functools

import jax
import jax.numpy as jnp
from jax import lax
from jax.experimental import pallas as pl
from jax.experimental.pallas import tpu as pltpu
from jax.experimental.pallas import tpu_sc as plsc

NC = 2
NS = 16
LANES = 16
NW = NC * NS

DEGW = 128


_C = 80


def _epad(e):
    unit = NW * _C
    return ((e + unit - 1) // unit) * unit


def _npad(n):
    unit = NS * _C
    return ((n + 1 + unit - 1) // unit) * unit


def _sc_mesh():
    return plsc.VectorSubcoreMesh(
        core_axis_name="c", subcore_axis_name="s", num_cores=NC, num_subcores=NS
    )


@functools.cache
def _sc_degree(E, N):
    EW = E // NW
    C = _C
    NCHUNK = EW // C
    NPAD = _npad(N)
    RPT = NPAD // NS
    KOUT = RPT // C

    @functools.partial(
        pl.kernel,
        out_type=jax.ShapeDtypeStruct((NC * NPAD, DEGW), jnp.float32),
        mesh=_sc_mesh(),
        scratch_types=[
            pltpu.VMEM((C,), jnp.int32),
            pltpu.VMEM((C, DEGW), jnp.float32),
            pltpu.VMEM((C, DEGW), jnp.float32),
            pltpu.VMEM_SHARED((NPAD, DEGW), jnp.float32),
        ],
    )
    def deg_kernel(dst_hbm, ones_hbm, out_hbm, dst_v, ones_v, zbuf_v, acc_sh):
        c = lax.axis_index("c")
        s = lax.axis_index("s")
        wid = c * NS + s
        row0 = s * RPT
        ebase = wid * EW

        pltpu.sync_copy(ones_hbm, ones_v)

        def zrow(r, carry):
            for j in range(DEGW // LANES):
                zbuf_v[r, pl.ds(j * LANES, LANES)] = jnp.zeros((LANES,), jnp.float32)
            return carry

        lax.fori_loop(0, C, zrow, 0)

        def zstripe(k, carry):
            pltpu.sync_copy(zbuf_v, acc_sh.at[pl.ds(row0 + k * C, C)])
            return carry

        lax.fori_loop(0, KOUT, zstripe, 0)

        plsc.subcore_barrier()

        def chunk(i, carry):
            b = ebase + i * C
            pltpu.sync_copy(dst_hbm.at[pl.ds(b, C)], dst_v)
            pltpu.sync_copy(ones_v, acc_sh.at[dst_v], add=True)
            return carry

        lax.fori_loop(0, NCHUNK, chunk, 0)

        plsc.subcore_barrier()

        obase = c * NPAD + row0

        def wout(k, carry):
            pltpu.sync_copy(acc_sh.at[pl.ds(row0 + k * C, C)], zbuf_v)
            pltpu.sync_copy(zbuf_v, out_hbm.at[pl.ds(obase + k * C, C)])
            return carry

        lax.fori_loop(0, KOUT, wout, 0)

    return deg_kernel


@functools.cache
def _sc_row_scatter(E, N, D):
    EW = E // NW
    C = _C
    NCHUNK = EW // C
    NPAD = _npad(N)
    RPT = NPAD // NS
    KOUT = RPT // C

    @functools.partial(
        pl.kernel,
        out_type=jax.ShapeDtypeStruct((NC * NPAD, D), jnp.float32),
        mesh=_sc_mesh(),
        scratch_types=[
            pltpu.VMEM((C,), jnp.int32),
            pltpu.VMEM((C,), jnp.int32),
            pltpu.VMEM((C, D), jnp.float32),
            pltpu.VMEM((C, D), jnp.float32),
            pltpu.VMEM_SHARED((NPAD, D), jnp.float32),
            pltpu.SemaphoreType.DMA,
        ],
    )
    def scat_kernel(hs_hbm, src_hbm, dst_hbm, out_hbm,
                    src_v, dst_v, rows_v, zbuf_v, acc_sh, sem):
        c = lax.axis_index("c")
        s = lax.axis_index("s")
        wid = c * NS + s
        row0 = s * RPT
        ebase = wid * EW

        def zrow(r, carry):
            for j in range(D // LANES):
                zbuf_v[r, pl.ds(j * LANES, LANES)] = jnp.zeros((LANES,), jnp.float32)
            return carry

        lax.fori_loop(0, C, zrow, 0)

        def zstripe(k, carry):
            pltpu.sync_copy(zbuf_v, acc_sh.at[pl.ds(row0 + k * C, C)])
            return carry

        lax.fori_loop(0, KOUT, zstripe, 0)

        plsc.subcore_barrier()

        def chunk(i, carry):
            b = ebase + i * C
            pltpu.sync_copy(src_hbm.at[pl.ds(b, C)], src_v)
            pltpu.sync_copy(dst_hbm.at[pl.ds(b, C)], dst_v)
            pltpu.async_copy(hs_hbm.at[src_v], rows_v, sem).wait()
            pltpu.sync_copy(rows_v, acc_sh.at[dst_v], add=True)
            return carry

        lax.fori_loop(0, NCHUNK, chunk, 0)

        plsc.subcore_barrier()

        obase = c * NPAD + row0

        def wout(k, carry):
            pltpu.sync_copy(acc_sh.at[pl.ds(row0 + k * C, C)], zbuf_v)
            pltpu.sync_copy(zbuf_v, out_hbm.at[pl.ds(obase + k * C, C)])
            return carry

        lax.fori_loop(0, KOUT, wout, 0)

    return scat_kernel



_BR = 400


def _dinv_block(d0_ref, d1_ref):
    cnt = d0_ref[0, :, 0:1] + d1_ref[0, :, 0:1]
    return lax.rsqrt(cnt + 1.0)


@functools.cache
def _tc_pre(N, Din, Dout, NPAD):
    G = N // _BR

    def body(x_ref, w_ref, d0_ref, d1_ref, hs_ref):
        dinv = _dinv_block(d0_ref, d1_ref)
        h = jnp.dot(x_ref[...], w_ref[...], preferred_element_type=jnp.float32)
        hs_ref[...] = h * dinv

    return pl.pallas_call(
        body,
        grid=(G,),
        in_specs=[
            pl.BlockSpec((_BR, Din), lambda i: (i, 0)),
            pl.BlockSpec((Din, Dout), lambda i: (0, 0)),
            pl.BlockSpec((1, _BR, DEGW), lambda i: (0, i, 0)),
            pl.BlockSpec((1, _BR, DEGW), lambda i: (1, i, 0)),
        ],
        out_specs=pl.BlockSpec((_BR, Dout), lambda i: (i, 0)),
        out_shape=jax.ShapeDtypeStruct((N, Dout), jnp.float32),
    )


@functools.cache
def _tc_mid(N, D, Dout, NPAD):
    G = N // _BR

    def body(a0_ref, a1_ref, hs_ref, d0_ref, d1_ref, b_ref, w_ref, h_ref, hs2_ref):
        dinv = _dinv_block(d0_ref, d1_ref)
        h = dinv * (a0_ref[0] + a1_ref[0] + hs_ref[...]) + b_ref[...]
        h_ref[...] = h
        hs2_ref[...] = jnp.dot(h, w_ref[...], preferred_element_type=jnp.float32) * dinv

    return pl.pallas_call(
        body,
        grid=(G,),
        in_specs=[
            pl.BlockSpec((1, _BR, D), lambda i: (0, i, 0)),
            pl.BlockSpec((1, _BR, D), lambda i: (1, i, 0)),
            pl.BlockSpec((_BR, D), lambda i: (i, 0)),
            pl.BlockSpec((1, _BR, DEGW), lambda i: (0, i, 0)),
            pl.BlockSpec((1, _BR, DEGW), lambda i: (1, i, 0)),
            pl.BlockSpec((1, D), lambda i: (0, 0)),
            pl.BlockSpec((D, Dout), lambda i: (0, 0)),
        ],
        out_specs=[
            pl.BlockSpec((_BR, D), lambda i: (i, 0)),
            pl.BlockSpec((_BR, Dout), lambda i: (i, 0)),
        ],
        out_shape=[
            jax.ShapeDtypeStruct((N, D), jnp.float32),
            jax.ShapeDtypeStruct((N, Dout), jnp.float32),
        ],
    )


@functools.cache
def _tc_final(N, D, NPAD, NG, DR, DF, DO):
    G = N // _BR

    def body(a0_ref, a1_ref, hs_ref, d0_ref, d1_ref, b_ref, h1_ref, h2_ref,
             bat_ref, wr_ref, br_ref, wf_ref, bf_ref, wo_ref, bo_ref,
             out_ref, p1, p2, p3, pcnt):
        i = pl.program_id(0)
        dinv = _dinv_block(d0_ref, d1_ref)
        h3 = dinv * (a0_ref[0] + a1_ref[0] + hs_ref[...]) + b_ref[...]

        gi = lax.broadcasted_iota(jnp.int32, (NG, _BR), 0)
        oh = (gi == bat_ref[0]).astype(jnp.float32)

        @pl.when(i == 0)
        def _():
            p1[...] = jnp.zeros_like(p1)
            p2[...] = jnp.zeros_like(p2)
            p3[...] = jnp.zeros_like(p3)
            pcnt[...] = jnp.zeros_like(pcnt)

        p1[...] += jnp.dot(oh, h1_ref[...], preferred_element_type=jnp.float32)
        p2[...] += jnp.dot(oh, h2_ref[...], preferred_element_type=jnp.float32)
        p3[...] += jnp.dot(oh, h3, preferred_element_type=jnp.float32)
        pcnt[...] += jnp.sum(oh, axis=1, keepdims=True)

        @pl.when(i == G - 1)
        def _():
            inv = 1.0 / jnp.maximum(pcnt[:, 0:1], 1.0)
            q1 = p1[...] * inv
            q2 = p2[...] * inv
            q3 = p3[...] * inv
            r = (jnp.dot(q1, wr_ref[0:D, :], preferred_element_type=jnp.float32)
                 + jnp.dot(q2, wr_ref[D:2 * D, :], preferred_element_type=jnp.float32)
                 + jnp.dot(q3, wr_ref[2 * D:3 * D, :], preferred_element_type=jnp.float32)
                 + br_ref[...])
            r = jnp.maximum(r, 0.0)
            f = jnp.maximum(jnp.dot(r, wf_ref[...], preferred_element_type=jnp.float32)
                            + bf_ref[...], 0.0)
            out_ref[...] = jnp.dot(f, wo_ref[...], preferred_element_type=jnp.float32) \
                + bo_ref[...]

    return pl.pallas_call(
        body,
        grid=(G,),
        in_specs=[
            pl.BlockSpec((1, _BR, D), lambda i: (0, i, 0)),
            pl.BlockSpec((1, _BR, D), lambda i: (1, i, 0)),
            pl.BlockSpec((_BR, D), lambda i: (i, 0)),
            pl.BlockSpec((1, _BR, DEGW), lambda i: (0, i, 0)),
            pl.BlockSpec((1, _BR, DEGW), lambda i: (1, i, 0)),
            pl.BlockSpec((1, D), lambda i: (0, 0)),
            pl.BlockSpec((_BR, D), lambda i: (i, 0)),
            pl.BlockSpec((_BR, D), lambda i: (i, 0)),
            pl.BlockSpec((1, 1, _BR), lambda i: (i, 0, 0)),
            pl.BlockSpec((3 * D, DR), lambda i: (0, 0)),
            pl.BlockSpec((1, DR), lambda i: (0, 0)),
            pl.BlockSpec((DR, DF), lambda i: (0, 0)),
            pl.BlockSpec((1, DF), lambda i: (0, 0)),
            pl.BlockSpec((DF, DO), lambda i: (0, 0)),
            pl.BlockSpec((1, DO), lambda i: (0, 0)),
        ],
        out_specs=pl.BlockSpec((NG, DO), lambda i: (0, 0)),
        out_shape=jax.ShapeDtypeStruct((NG, DO), jnp.float32),
        scratch_shapes=[
            pltpu.VMEM((NG, D), jnp.float32),
            pltpu.VMEM((NG, D), jnp.float32),
            pltpu.VMEM((NG, D), jnp.float32),
            pltpu.VMEM((NG, 128), jnp.float32),
        ],
    )


def kernel(x, edge_index, batch, W1, b1, W2, b2, W3, b3, Wr, br, Wf, bf, Wo, bo):
    N, Din = x.shape
    E = edge_index.shape[1]
    D = W1.shape[1]
    NG = 16
    DR = Wr.shape[1]
    DF = Wf.shape[1]
    DO = Wo.shape[1]
    EPAD = _epad(E)
    NPAD = _npad(N)

    src = edge_index[0]
    dst = edge_index[1]
    if EPAD != E:
        pad_dst = N + jnp.arange(EPAD - E, dtype=dst.dtype) % (NPAD - N)
        src = jnp.concatenate([src, jnp.zeros((EPAD - E,), src.dtype)])
        dst = jnp.concatenate([dst, pad_dst])
    ones = jnp.ones((_C, DEGW), jnp.float32)
    dega = _sc_degree(EPAD, N)(dst, ones).reshape(NC, NPAD, DEGW)

    hs1 = _tc_pre(N, Din, D, NPAD)(x, W1, dega, dega)

    scat = _sc_row_scatter(EPAD, N, D)
    acc1 = scat(hs1, src, dst).reshape(NC, NPAD, D)

    mid = _tc_mid(N, D, D, NPAD)
    h1, hs2 = mid(acc1, acc1, hs1, dega, dega, b1.reshape(1, D), W2)

    acc2 = scat(hs2, src, dst).reshape(NC, NPAD, D)
    h2, hs3 = mid(acc2, acc2, hs2, dega, dega, b2.reshape(1, D), W3)

    acc3 = scat(hs3, src, dst).reshape(NC, NPAD, D)

    bat3 = batch.reshape(N // _BR, 1, _BR)
    out = _tc_final(N, D, NPAD, NG, DR, DF, DO)(
        acc3, acc3, hs3, dega, dega, b3.reshape(1, D), h1, h2,
        bat3, Wr, br.reshape(1, DR), Wf, bf.reshape(1, DF), Wo, bo.reshape(1, DO))
    return out

# --- scband reference (transcript-rebuilt; emitter-appended) ---
"""Pipeline reference for scband-deep-frimodel-17188459119373 (READ-ONLY COPY).

The authoritative reference and input builder live on the scoring server;
editing this copy changes nothing except your own understanding.
"""

import jax, jax.numpy as jnp
import numpy as np

N = 10000
E = 320000
D_IN = 128
GNN_DIMS = [128, 128, 128]
FC_DIMS = [512, 256]
OUT_DIM = 256
NUM_GRAPHS = 16


def gcn_conv(x, edge_index, W, b):
    # PyG GCNConv (default): add self-loops, symmetric normalization,
    # linear transform, then scatter-add aggregation, then bias.
    n = x.shape[0]
    src = edge_index[0]
    dst = edge_index[1]
    loop = jnp.arange(n, dtype=edge_index.dtype)
    src = jnp.concatenate([src, loop])
    dst = jnp.concatenate([dst, loop])
    deg = jnp.zeros((n,), dtype=x.dtype).at[dst].add(1.0)
    dinv = jnp.where(deg > 0, deg ** -0.5, 0.0)
    norm = dinv[src] * dinv[dst]
    h = x @ W
    msg = h[src] * norm[:, None]
    out = jnp.zeros((n, W.shape[1]), dtype=x.dtype).at[dst].add(msg)
    return out + b


def setup_inputs(seed: int = 0) -> dict:
    key = jax.random.key(seed)
    ks = jax.random.split(key, 16)
    x = jax.random.normal(ks[0], (N, D_IN), dtype=jnp.float32)
    edge_index = jax.random.randint(ks[1], (2, E), 0, N, dtype=jnp.int32)
    batch = jnp.sort(jax.random.randint(ks[2], (N,), 0, NUM_GRAPHS, dtype=jnp.int32))
    s = 0.05
    W1 = jax.random.normal(ks[3], (D_IN, GNN_DIMS[0]), dtype=jnp.float32) * s
    b1 = jnp.zeros((GNN_DIMS[0],), dtype=jnp.float32)
    W2 = jax.random.normal(ks[4], (GNN_DIMS[0], GNN_DIMS[1]), dtype=jnp.float32) * s
    b2 = jnp.zeros((GNN_DIMS[1],), dtype=jnp.float32)
    W3 = jax.random.normal(ks[5], (GNN_DIMS[1], GNN_DIMS[2]), dtype=jnp.float32) * s
    b3 = jnp.zeros((GNN_DIMS[2],), dtype=jnp.float32)
    Wr = jax.random.normal(ks[6], (sum(GNN_DIMS), FC_DIMS[0]), dtype=jnp.float32) * s
    br = jnp.zeros((FC_DIMS[0],), dtype=jnp.float32)
    Wf = jax.random.normal(ks[7], (FC_DIMS[0], FC_DIMS[1]), dtype=jnp.float32) * s
    bf = jnp.zeros((FC_DIMS[1],), dtype=jnp.float32)
    Wo = jax.random.normal(ks[8], (FC_DIMS[1], OUT_DIM), dtype=jnp.float32) * s
    bo = jnp.zeros((OUT_DIM,), dtype=jnp.float32)
    return {"x": x, "edge_index": edge_index, "batch": batch,
            "W1": W1, "b1": b1, "W2": W2, "b2": b2, "W3": W3, "b3": b3,
            "Wr": Wr, "br": br, "Wf": Wf, "bf": bf, "Wo": Wo, "bo": bo}


def reference(x, edge_index, batch, W1, b1, W2, b2, W3, b3, Wr, br, Wf, bf, Wo, bo):
    # 3 stacked GCN layers (no inter-layer activation in the original forward)
    h1 = gcn_conv(x, edge_index, W1, b1)
    h2 = gcn_conv(h1, edge_index, W2, b2)
    h3 = gcn_conv(h2, edge_index, W3, b3)
    cat = jnp.concatenate([h1, h2, h3], axis=-1)
    # global_mean_pool over graph ids
    sums = jax.ops.segment_sum(cat, batch, num_segments=NUM_GRAPHS)
    cnts = jax.ops.segment_sum(jnp.ones((cat.shape[0],), cat.dtype), batch, num_segments=NUM_GRAPHS)
    pooled = sums / jnp.clip(cnts, 1.0)[:, None]
    # readout: Linear + ReLU (Dropout is identity in eval)
    r = jax.nn.relu(pooled @ Wr + br)
    # fc layers: Linear + ReLU (+ Dropout identity)
    f = jax.nn.relu(r @ Wf + bf)
    # output layer
    return f @ Wo + bo

if __name__ == "__main__":
    import jax
    _d = setup_inputs()
    print(jax.jit(kernel)(*tuple(_d.values())))

</pallas_src>

<mosaic_0001>
#map = affine_map<(d0, d1) -> (0, 0)>
#map1 = affine_map<(d0, d1) -> (0)>
module attributes {stable_mosaic.version = 14 : i64} {
  func.func @scat_kernel(%arg0: i32, %arg1: i32, %arg2: memref<10000x128xf32, #tpu.memory_space<hbm>>, %arg3: memref<320000xi32, #tpu.memory_space<hbm>>, %arg4: memref<320000xi32, #tpu.memory_space<hbm>>, %arg5: memref<20480x128xf32, #tpu.memory_space<hbm>>, %arg6: memref<80xi32, #tpu.memory_space<vmem>>, %arg7: memref<80xi32, #tpu.memory_space<vmem>>, %arg8: memref<80x128xf32, #tpu.memory_space<vmem>>, %arg9: memref<80x128xf32, #tpu.memory_space<vmem>>, %arg10: memref<10240x128xf32, #tpu.memory_space<vmem_shared>>, %arg11: memref<!tpu.dma_semaphore, #tpu.memory_space<semaphore_mem>>) attributes {dimension_semantics = [#tpu.dimension_semantics<core_parallel>, #tpu.dimension_semantics<subcore_parallel>], iteration_bounds = array<i64: 2, 16>, scalar_prefetch = 0 : i64, scratch_operands = 6 : i64, tpu.core_type = #tpu.core_type<sc_vector_subcore>, window_params = [{transform_indices = #map}, {transform_indices = #map1}, {transform_indices = #map1}, {transform_indices = #map}]} {
    %mul3A = arith.constant 16 : i32
    %mul3A_0 = arith.muli %arg0, %mul3A : i32
    %add3A = arith.addi %mul3A_0, %arg1 : i32
    %mul3A_1 = arith.constant 640 : i32
    %mul3A_2 = arith.muli %arg1, %mul3A_1 : i32
    %mul3A_3 = arith.constant 10000 : i32
    %mul3A_4 = arith.muli %add3A, %mul3A_3 : i32
    %scan3A = arith.constant 0 : i32
    %scan3A_5 = arith.constant 0 : i32
    %scan3A_6 = arith.constant 80 : i32
    %scan3A_7 = arith.addi %scan3A_5, %scan3A_6 : i32
    %scan3A_8 = arith.constant 1 : i32
    scf.for %scan3A_32 = %scan3A_5 to %scan3A_7 step %scan3A_8  : i32 {
      %broadcast_in_dim3A = arith.constant 0.000000e+00 : f32
      %broadcast_in_dim3A_33 = vector.broadcast %broadcast_in_dim3A : f32 to vector<16xf32>
      %swap3A = arith.index_cast %scan3A_32 : i32 to index
      %swap3A_34 = arith.constant 0 : index
      %swap3A_35 = tpu.vector_load %arg9[%swap3A, %swap3A_34] {strides = array<i32>} : memref<80x128xf32, #tpu.memory_space<vmem>>, vector<1x16xf32>,
      %swap3A_36 = vector.shape_cast %swap3A_35 : vector<1x16xf32> to vector<16xf32>
      %swap3A_37 = vector.shape_cast %broadcast_in_dim3A_33 : vector<16xf32> to vector<1x16xf32>
      tpu.vector_store %arg9[%swap3A, %swap3A_34], %swap3A_37 {strides = array<i32>} : memref<80x128xf32, #tpu.memory_space<vmem>>, vector<1x16xf32>,
      %broadcast_in_dim3A_38 = arith.constant 0.000000e+00 : f32
      %broadcast_in_dim3A_39 = vector.broadcast %broadcast_in_dim3A_38 : f32 to vector<16xf32>
      %swap3A_40 = arith.index_cast %scan3A_32 : i32 to index
      %swap3A_41 = arith.constant 16 : index
      %swap3A_42 = tpu.vector_load %arg9[%swap3A_40, %swap3A_41] {strides = array<i32>} : memref<80x128xf32, #tpu.memory_space<vmem>>, vector<1x16xf32>,
      %swap3A_43 = vector.shape_cast %swap3A_42 : vector<1x16xf32> to vector<16xf32>
      %swap3A_44 = vector.shape_cast %broadcast_in_dim3A_39 : vector<16xf32> to vector<1x16xf32>
      tpu.vector_store %arg9[%swap3A_40, %swap3A_41], %swap3A_44 {strides = array<i32>} : memref<80x128xf32, #tpu.memory_space<vmem>>, vector<1x16xf32>,
      %broadcast_in_dim3A_45 = arith.constant 0.000000e+00 : f32
      %broadcast_in_dim3A_46 = vector.broadcast %broadcast_in_dim3A_45 : f32 to vector<16xf32>
      %swap3A_47 = arith.index_cast %scan3A_32 : i32 to index
      %swap3A_48 = arith.constant 32 : index
      %swap3A_49 = tpu.vector_load %arg9[%swap3A_47, %swap3A_48] {strides = array<i32>} : memref<80x128xf32, #tpu.memory_space<vmem>>, vector<1x16xf32>,
      %swap3A_50 = vector.shape_cast %swap3A_49 : vector<1x16xf32> to vector<16xf32>
      %swap3A_51 = vector.shape_cast %broadcast_in_dim3A_46 : vector<16xf32> to vector<1x16xf32>
      tpu.vector_store %arg9[%swap3A_47, %swap3A_48], %swap3A_51 {strides = array<i32>} : memref<80x128xf32, #tpu.memory_space<vmem>>, vector<1x16xf32>,
      %broadcast_in_dim3A_52 = arith.constant 0.000000e+00 : f32
      %broadcast_in_dim3A_53 = vector.broadcast %broadcast_in_dim3A_52 : f32 to vector<16xf32>
      %swap3A_54 = arith.index_cast %scan3A_32 : i32 to index
      %swap3A_55 = arith.constant 48 : index
      %swap3A_56 = tpu.vector_load %arg9[%swap3A_54, %swap3A_55] {strides = array<i32>} : memref<80x128xf32, #tpu.memory_space<vmem>>, vector<1x16xf32>,
      %swap3A_57 = vector.shape_cast %swap3A_56 : vector<1x16xf32> to vector<16xf32>
      %swap3A_58 = vector.shape_cast %broadcast_in_dim3A_53 : vector<16xf32> to vector<1x16xf32>
      tpu.vector_store %arg9[%swap3A_54, %swap3A_55], %swap3A_58 {strides = array<i32>} : memref<80x128xf32, #tpu.memory_space<vmem>>, vector<1x16xf32>,
      %broadcast_in_dim3A_59 = arith.constant 0.000000e+00 : f32
      %broadcast_in_dim3A_60 = vector.broadcast %broadcast_in_dim3A_59 : f32 to vector<16xf32>
      %swap3A_61 = arith.index_cast %scan3A_32 : i32 to index
      %swap3A_62 = arith.constant 64 : index
      %swap3A_63 = tpu.vector_load %arg9[%swap3A_61, %swap3A_62] {strides = array<i32>} : memref<80x128xf32, #tpu.memory_space<vmem>>, vector<1x16xf32>,
      %swap3A_64 = vector.shape_cast %swap3A_63 : vector<1x16xf32> to vector<16xf32>
      %swap3A_65 = vector.shape_cast %broadcast_in_dim3A_60 : vector<16xf32> to vector<1x16xf32>
      tpu.vector_store %arg9[%swap3A_61, %swap3A_62], %swap3A_65 {strides = array<i32>} : memref<80x128xf32, #tpu.memory_space<vmem>>, vector<1x16xf32>,
      %broadcast_in_dim3A_66 = arith.constant 0.000000e+00 : f32
      %broadcast_in_dim3A_67 = vector.broadcast %broadcast_in_dim3A_66 : f32 to vector<16xf32>
      %swap3A_68 = arith.index_cast %scan3A_32 : i32 to index
      %swap3A_69 = arith.constant 80 : index
      %swap3A_70 = tpu.vector_load %arg9[%swap3A_68, %swap3A_69] {strides = array<i32>} : memref<80x128xf32, #tpu.memory_space<vmem>>, vector<1x16xf32>,
      %swap3A_71 = vector.shape_cast %swap3A_70 : vector<1x16xf32> to vector<16xf32>
      %swap3A_72 = vector.shape_cast %broadcast_in_dim3A_67 : vector<16xf32> to vector<1x16xf32>
      tpu.vector_store %arg9[%swap3A_68, %swap3A_69], %swap3A_72 {strides = array<i32>} : memref<80x128xf32, #tpu.memory_space<vmem>>, vector<1x16xf32>,
      %broadcast_in_dim3A_73 = arith.constant 0.000000e+00 : f32
      %broadcast_in_dim3A_74 = vector.broadcast %broadcast_in_dim3A_73 : f32 to vector<16xf32>
      %swap3A_75 = arith.index_cast %scan3A_32 : i32 to index
      %swap3A_76 = arith.constant 96 : index
      %swap3A_77 = tpu.vector_load %arg9[%swap3A_75, %swap3A_76] {strides = array<i32>} : memref<80x128xf32, #tpu.memory_space<vmem>>, vector<1x16xf32>,
      %swap3A_78 = vector.shape_cast %swap3A_77 : vector<1x16xf32> to vector<16xf32>
      %swap3A_79 = vector.shape_cast %broadcast_in_dim3A_74 : vector<16xf32> to vector<1x16xf32>
      tpu.vector_store %arg9[%swap3A_75, %swap3A_76], %swap3A_79 {strides = array<i32>} : memref<80x128xf32, #tpu.memory_space<vmem>>, vector<1x16xf32>,
      %broadcast_in_dim3A_80 = arith.constant 0.000000e+00 : f32
      %broadcast_in_dim3A_81 = vector.broadcast %broadcast_in_dim3A_80 : f32 to vector<16xf32>
      %swap3A_82 = arith.index_cast %scan3A_32 : i32 to index
      %swap3A_83 = arith.constant 112 : index
      %swap3A_84 = tpu.vector_load %arg9[%swap3A_82, %swap3A_83] {strides = array<i32>} : memref<80x128xf32, #tpu.memory_space<vmem>>, vector<1x16xf32>,
      %swap3A_85 = vector.shape_cast %swap3A_84 : vector<1x16xf32> to vector<16xf32>
      %swap3A_86 = vector.shape_cast %broadcast_in_dim3A_81 : vector<16xf32> to vector<1x16xf32>
      tpu.vector_store %arg9[%swap3A_82, %swap3A_83], %swap3A_86 {strides = array<i32>} : memref<80x128xf32, #tpu.memory_space<vmem>>, vector<1x16xf32>,
    }
    %scan3A_9 = arith.constant 80 : i32
    %scan3A_10 = arith.constant 0 : i32
    %scan3A_11 = arith.constant 0 : i32
    %scan3A_12 = arith.constant 8 : i32
    %scan3A_13 = arith.addi %scan3A_11, %scan3A_12 : i32
    %scan3A_14 = arith.constant 1 : i32
    scf.for %scan3A_32 = %scan3A_11 to %scan3A_13 step %scan3A_14  : i32 {
      %mul3A_33 = arith.constant 80 : i32
      %mul3A_34 = arith.muli %scan3A_32, %mul3A_33 : i32
      %add3A_35 = arith.addi %mul3A_2, %mul3A_34 : i32
      "tpu.region"() ({
        %run_scoped3A = tpu.sem_alloc : memref<!tpu.dma_semaphore, #tpu.memory_space<semaphore_mem>>
        %dma_start3A = arith.constant 0 : i32
        %dma_start3A_36 = tpu.memref_slice %arg10[%add3A_35, %dma_start3A] : memref<10240x128xf32, #tpu.memory_space<vmem_shared>> -> memref<80x128xf32, #tpu.memory_space<vmem_shared>>
        %dma_start3A_37 = arith.constant 0 : i32
        %dma_start3A_38 = tpu.memref_slice %arg10[%add3A_35, %dma_start3A_37] : memref<10240x128xf32, #tpu.memory_space<vmem_shared>> -> memref<80x128xf32, #tpu.memory_space<vmem_shared>>
        tpu.enqueue_dma source(%arg9 : memref<80x128xf32, #tpu.memory_space<vmem>>) target(%dma_start3A_38 : memref<80x128xf32, #tpu.memory_space<vmem_shared>>) target_semaphore(%run_scoped3A : memref<!tpu.dma_semaphore, #tpu.memory_space<semaphore_mem>>)
        %dma_wait3A = arith.constant 0 : i32
        %dma_wait3A_39 = tpu.memref_slice %arg10[%add3A_35, %dma_wait3A] : memref<10240x128xf32, #tpu.memory_space<vmem_shared>> -> memref<80x128xf32, #tpu.memory_space<vmem_shared>>
        %dma_wait3A_40 = arith.constant 0 : i32
        %dma_wait3A_41 = tpu.memref_slice %arg10[%add3A_35, %dma_wait3A_40] : memref<10240x128xf32, #tpu.memory_space<vmem_shared>> -> memref<80x128xf32, #tpu.memory_space<vmem_shared>>
        tpu.wait_dma2 semaphore(%run_scoped3A : memref<!tpu.dma_semaphore, #tpu.memory_space<semaphore_mem>>) src(%arg9 : memref<80x128xf32, #tpu.memory_space<vmem>>) dst(%dma_wait3A_41 : memref<80x128xf32, #tpu.memory_space<vmem_shared>>)
        tpu.yield
      }) : () -> ()
    }
    %scan3A_15 = arith.constant 8 : i32
    %barrier3A = arith.constant 0 : index
    tpu.barrier barrier_id(%barrier3A)
    %scan3A_16 = arith.constant 0 : i32
    %scan3A_17 = arith.constant 0 : i32
    %scan3A_18 = arith.constant 125 : i32
    %scan3A_19 = arith.addi %scan3A_17, %scan3A_18 : i32
    %scan3A_20 = arith.constant 1 : i32
    scf.for %scan3A_32 = %scan3A_17 to %scan3A_19 step %scan3A_20  : i32 {
      %mul3A_33 = arith.constant 80 : i32
      %mul3A_34 = arith.muli %scan3A_32, %mul3A_33 : i32
      %add3A_35 = arith.addi %mul3A_4, %mul3A_34 : i32
      "tpu.region"() ({
        %run_scoped3A = tpu.sem_alloc : memref<!tpu.dma_semaphore, #tpu.memory_space<semaphore_mem>>
        %dma_start3A_40 = tpu.memref_slice %arg3[%add3A_35] : memref<320000xi32, #tpu.memory_space<hbm>> -> memref<80xi32, #tpu.memory_space<hbm>>
        %dma_start3A_41 = tpu.memref_slice %arg3[%add3A_35] : memref<320000xi32, #tpu.memory_space<hbm>> -> memref<80xi32, #tpu.memory_space<hbm>>
        tpu.enqueue_dma source(%dma_start3A_41 : memref<80xi32, #tpu.memory_space<hbm>>) target(%arg6 : memref<80xi32, #tpu.memory_space<vmem>>) target_semaphore(%run_scoped3A : memref<!tpu.dma_semaphore, #tpu.memory_space<semaphore_mem>>)
        %dma_wait3A_42 = tpu.memref_slice %arg3[%add3A_35] : memref<320000xi32, #tpu.memory_space<hbm>> -> memref<80xi32, #tpu.memory_space<hbm>>
        %dma_wait3A_43 = tpu.memref_slice %arg3[%add3A_35] : memref<320000xi32, #tpu.memory_space<hbm>> -> memref<80xi32, #tpu.memory_space<hbm>>
        tpu.wait_dma2 semaphore(%run_scoped3A : memref<!tpu.dma_semaphore, #tpu.memory_space<semaphore_mem>>) src(%dma_wait3A_43 : memref<80xi32, #tpu.memory_space<hbm>>) dst(%arg6 : memref<80xi32, #tpu.memory_space<vmem>>)
        tpu.yield
      }) : () -> ()
      "tpu.region"() ({
        %run_scoped3A = tpu.sem_alloc : memref<!tpu.dma_semaphore, #tpu.memory_space<semaphore_mem>>
        %dma_start3A_40 = tpu.memref_slice %arg4[%add3A_35] : memref<320000xi32, #tpu.memory_space<hbm>> -> memref<80xi32, #tpu.memory_space<hbm>>
        %dma_start3A_41 = tpu.memref_slice %arg4[%add3A_35] : memref<320000xi32, #tpu.memory_space<hbm>> -> memref<80xi32, #tpu.memory_space<hbm>>
        tpu.enqueue_dma source(%dma_start3A_41 : memref<80xi32, #tpu.memory_space<hbm>>) target(%arg7 : memref<80xi32, #tpu.memory_space<vmem>>) target_semaphore(%run_scoped3A : memref<!tpu.dma_semaphore, #tpu.memory_space<semaphore_mem>>)
        %dma_wait3A_42 = tpu.memref_slice %arg4[%add3A_35] : memref<320000xi32, #tpu.memory_space<hbm>> -> memref<80xi32, #tpu.memory_space<hbm>>
        %dma_wait3A_43 = tpu.memref_slice %arg4[%add3A_35] : memref<320000xi32, #tpu.memory_space<hbm>> -> memref<80xi32, #tpu.memory_space<hbm>>
        tpu.wait_dma2 semaphore(%run_scoped3A : memref<!tpu.dma_semaphore, #tpu.memory_space<semaphore_mem>>) src(%dma_wait3A_43 : memref<80xi32, #tpu.memory_space<hbm>>) dst(%arg7 : memref<80xi32, #tpu.memory_space<vmem>>)
        tpu.yield
      }) : () -> ()
      %dma_start3A = arith.constant 0 : i32
      %dma_start3A_36 = arith.constant 0 : i32
      %dma_start3A_37 = tpu.memref_slice %arg2[%dma_start3A, %dma_start3A_36] : memref<10000x128xf32, #tpu.memory_space<hbm>> -> memref<10000x128xf32, #tpu.memory_space<hbm>>
      tpu.enqueue_indirect_dma source(%dma_start3A_37 : memref<10000x128xf32, #tpu.memory_space<hbm>>) target(%arg8 : memref<80x128xf32, #tpu.memory_space<vmem>>) offsets(%arg6 : memref<80xi32, #tpu.memory_space<vmem>>) semaphore(%arg11 : memref<!tpu.dma_semaphore, #tpu.memory_space<semaphore_mem>>)
      %dma_wait3A = arith.constant 0 : i32
      %dma_wait3A_38 = arith.constant 0 : i32
      %dma_wait3A_39 = tpu.memref_slice %arg2[%dma_wait3A, %dma_wait3A_38] : memref<10000x128xf32, #tpu.memory_space<hbm>> -> memref<10000x128xf32, #tpu.memory_space<hbm>>
      tpu.wait_indirect_dma semaphore(%arg11 : memref<!tpu.dma_semaphore, #tpu.memory_space<semaphore_mem>>) src(%dma_wait3A_39 : memref<10000x128xf32, #tpu.memory_space<hbm>>) dst(%arg8 : memref<80x128xf32, #tpu.memory_space<vmem>>)
      "tpu.region"() ({
        %run_scoped3A = tpu.sem_alloc : memref<!tpu.dma_semaphore, #tpu.memory_space<semaphore_mem>>
        %dma_start3A_40 = arith.constant 0 : i32
        %dma_start3A_41 = arith.constant 0 : i32
        %dma_start3A_42 = tpu.memref_slice %arg10[%dma_start3A_40, %dma_start3A_41] : memref<10240x128xf32, #tpu.memory_space<vmem_shared>> -> memref<10240x128xf32, #tpu.memory_space<vmem_shared>>
        tpu.enqueue_indirect_dma source(%arg8 : memref<80x128xf32, #tpu.memory_space<vmem>>) target(%dma_start3A_42 : memref<10240x128xf32, #tpu.memory_space<vmem_shared>>) offsets(%arg7 : memref<80xi32, #tpu.memory_space<vmem>>) semaphore(%run_scoped3A : memref<!tpu.dma_semaphore, #tpu.memory_space<semaphore_mem>>) {add = true}
        %dma_wait3A_43 = arith.constant 0 : i32
        %dma_wait3A_44 = arith.constant 0 : i32
        %dma_wait3A_45 = tpu.memref_slice %arg10[%dma_wait3A_43, %dma_wait3A_44] : memref<10240x128xf32, #tpu.memory_space<vmem_shared>> -> memref<10240x128xf32, #tpu.memory_space<vmem_shared>>
        tpu.wait_indirect_dma semaphore(%run_scoped3A : memref<!tpu.dma_semaphore, #tpu.memory_space<semaphore_mem>>) src(%arg8 : memref<80x128xf32, #tpu.memory_space<vmem>>) dst(%dma_wait3A_45 : memref<10240x128xf32, #tpu.memory_space<vmem_shared>>)
        tpu.yield
      }) : () -> ()
    }
    %scan3A_21 = arith.constant 125 : i32
    %barrier3A_22 = arith.constant 0 : index
    tpu.barrier barrier_id(%barrier3A_22)
    %mul3A_23 = arith.constant 10240 : i32
    %mul3A_24 = arith.muli %arg0, %mul3A_23 : i32
    %add3A_25 = arith.addi %mul3A_24, %mul3A_2 : i32
    %scan3A_26 = arith.constant 0 : i32
    %scan3A_27 = arith.constant 0 : i32
    %scan3A_28 = arith.constant 8 : i32
    %scan3A_29 = arith.addi %scan3A_27, %scan3A_28 : i32
    %scan3A_30 = arith.constant 1 : i32
    scf.for %scan3A_32 = %scan3A_27 to %scan3A_29 step %scan3A_30  : i32 {
      %mul3A_33 = arith.constant 80 : i32
      %mul3A_34 = arith.muli %scan3A_32, %mul3A_33 : i32
      %add3A_35 = arith.addi %mul3A_2, %mul3A_34 : i32
      "tpu.region"() ({
        %run_scoped3A = tpu.sem_alloc : memref<!tpu.dma_semaphore, #tpu.memory_space<semaphore_mem>>
        %dma_start3A = arith.constant 0 : i32
        %dma_start3A_39 = tpu.memref_slice %arg10[%add3A_35, %dma_start3A] : memref<10240x128xf32, #tpu.memory_space<vmem_shared>> -> memref<80x128xf32, #tpu.memory_space<vmem_shared>>
        %dma_start3A_40 = arith.constant 0 : i32
        %dma_start3A_41 = tpu.memref_slice %arg10[%add3A_35, %dma_start3A_40] : memref<10240x128xf32, #tpu.memory_space<vmem_shared>> -> memref<80x128xf32, #tpu.memory_space<vmem_shared>>
        tpu.enqueue_dma source(%dma_start3A_41 : memref<80x128xf32, #tpu.memory_space<vmem_shared>>) target(%arg9 : memref<80x128xf32, #tpu.memory_space<vmem>>) target_semaphore(%run_scoped3A : memref<!tpu.dma_semaphore, #tpu.memory_space<semaphore_mem>>)
        %dma_wait3A = arith.constant 0 : i32
        %dma_wait3A_42 = tpu.memref_slice %arg10[%add3A_35, %dma_wait3A] : memref<10240x128xf32, #tpu.memory_space<vmem_shared>> -> memref<80x128xf32, #tpu.memory_space<vmem_shared>>
        %dma_wait3A_43 = arith.constant 0 : i32
        %dma_wait3A_44 = tpu.memref_slice %arg10[%add3A_35, %dma_wait3A_43] : memref<10240x128xf32, #tpu.memory_space<vmem_shared>> -> memref<80x128xf32, #tpu.memory_space<vmem_shared>>
        tpu.wait_dma2 semaphore(%run_scoped3A : memref<!tpu.dma_semaphore, #tpu.memory_space<semaphore_mem>>) src(%dma_wait3A_44 : memref<80x128xf32, #tpu.memory_space<vmem_shared>>) dst(%arg9 : memref<80x128xf32, #tpu.memory_space<vmem>>)
        tpu.yield
      }) : () -> ()
      %mul3A_36 = arith.constant 80 : i32
      %mul3A_37 = arith.muli %scan3A_32, %mul3A_36 : i32
      %add3A_38 = arith.addi %add3A_25, %mul3A_37 : i32
      "tpu.region"() ({
        %run_scoped3A = tpu.sem_alloc : memref<!tpu.dma_semaphore, #tpu.memory_space<semaphore_mem>>
        %dma_start3A = arith.constant 0 : i32
        %dma_start3A_39 = tpu.memref_slice %arg5[%add3A_38, %dma_start3A] : memref<20480x128xf32, #tpu.memory_space<hbm>> -> memref<80x128xf32, #tpu.memory_space<hbm>>
        %dma_start3A_40 = arith.constant 0 : i32
        %dma_start3A_41 = tpu.memref_slice %arg5[%add3A_38, %dma_start3A_40] : memref<20480x128xf32, #tpu.memory_space<hbm>> -> memref<80x128xf32, #tpu.memory_space<hbm>>
        tpu.enqueue_dma source(%arg9 : memref<80x128xf32, #tpu.memory_space<vmem>>) target(%dma_start3A_41 : memref<80x128xf32, #tpu.memory_space<hbm>>) target_semaphore(%run_scoped3A : memref<!tpu.dma_semaphore, #tpu.memory_space<semaphore_mem>>)
        %dma_wait3A = arith.constant 0 : i32
        %dma_wait3A_42 = tpu.memref_slice %arg5[%add3A_38, %dma_wait3A] : memref<20480x128xf32, #tpu.memory_space<hbm>> -> memref<80x128xf32, #tpu.memory_space<hbm>>
        %dma_wait3A_43 = arith.constant 0 : i32
        %dma_wait3A_44 = tpu.memref_slice %arg5[%add3A_38, %dma_wait3A_43] : memref<20480x128xf32, #tpu.memory_space<hbm>> -> memref<80x128xf32, #tpu.memory_space<hbm>>
        tpu.wait_dma2 semaphore(%run_scoped3A : memref<!tpu.dma_semaphore, #tpu.memory_space<semaphore_mem>>) src(%arg9 : memref<80x128xf32, #tpu.memory_space<vmem>>) dst(%dma_wait3A_44 : memref<80x128xf32, #tpu.memory_space<hbm>>)
        tpu.yield
      }) : () -> ()
    }
    %scan3A_31 = arith.constant 8 : i32
    return
  }
}

#map = affine_map<(d0, d1) -> (0, 0)>
#map1 = affine_map<(d0, d1) -> (0)>
module attributes {stable_mosaic.version = 14 : i64} {
  func.func @scat_kernel(%arg0: i32, %arg1: i32, %arg2: memref<10000x128xf32, #tpu.memory_space<hbm>>, %arg3: memref<320000xi32, #tpu.memory_space<hbm>>, %arg4: memref<320000xi32, #tpu.memory_space<hbm>>, %arg5: memref<20480x128xf32, #tpu.memory_space<hbm>>, %arg6: memref<80xi32, #tpu.memory_space<vmem>>, %arg7: memref<80xi32, #tpu.memory_space<vmem>>, %arg8: memref<80x128xf32, #tpu.memory_space<vmem>>, %arg9: memref<80x128xf32, #tpu.memory_space<vmem>>, %arg10: memref<10240x128xf32, #tpu.memory_space<vmem_shared>>, %arg11: memref<!tpu.dma_semaphore, #tpu.memory_space<semaphore_mem>>) attributes {dimension_semantics = [#tpu.dimension_semantics<core_parallel>, #tpu.dimension_semantics<subcore_parallel>], iteration_bounds = array<i64: 2, 16>, scalar_prefetch = 0 : i64, scratch_operands = 6 : i64, tpu.core_type = #tpu.core_type<sc_vector_subcore>, window_params = [{transform_indices = #map}, {transform_indices = #map1}, {transform_indices = #map1}, {transform_indices = #map}]} {
    %mul3A = arith.constant 16 : i32
    %mul3A_0 = arith.muli %arg0, %mul3A : i32
    %add3A = arith.addi %mul3A_0, %arg1 : i32
    %mul3A_1 = arith.constant 640 : i32
    %mul3A_2 = arith.muli %arg1, %mul3A_1 : i32
    %mul3A_3 = arith.constant 10000 : i32
    %mul3A_4 = arith.muli %add3A, %mul3A_3 : i32
    %scan3A = arith.constant 0 : i32
    %scan3A_5 = arith.constant 0 : i32
    %scan3A_6 = arith.constant 80 : i32
    %scan3A_7 = arith.addi %scan3A_5, %scan3A_6 : i32
    %scan3A_8 = arith.constant 1 : i32
    scf.for %scan3A_32 = %scan3A_5 to %scan3A_7 step %scan3A_8  : i32 {
      %broadcast_in_dim3A = arith.constant 0.000000e+00 : f32
      %broadcast_in_dim3A_33 = vector.broadcast %broadcast_in_dim3A : f32 to vector<16xf32>
      %swap3A = arith.index_cast %scan3A_32 : i32 to index
      %swap3A_34 = arith.constant 0 : index
      %swap3A_35 = tpu.vector_load %arg9[%swap3A, %swap3A_34] {strides = array<i32>} : memref<80x128xf32, #tpu.memory_space<vmem>>, vector<1x16xf32>,
      %swap3A_36 = vector.shape_cast %swap3A_35 : vector<1x16xf32> to vector<16xf32>
      %swap3A_37 = vector.shape_cast %broadcast_in_dim3A_33 : vector<16xf32> to vector<1x16xf32>
      tpu.vector_store %arg9[%swap3A, %swap3A_34], %swap3A_37 {strides = array<i32>} : memref<80x128xf32, #tpu.memory_space<vmem>>, vector<1x16xf32>,
      %broadcast_in_dim3A_38 = arith.constant 0.000000e+00 : f32
      %broadcast_in_dim3A_39 = vector.broadcast %broadcast_in_dim3A_38 : f32 to vector<16xf32>
      %swap3A_40 = arith.index_cast %scan3A_32 : i32 to index
      %swap3A_41 = arith.constant 16 : index
      %swap3A_42 = tpu.vector_load %arg9[%swap3A_40, %swap3A_41] {strides = array<i32>} : memref<80x128xf32, #tpu.memory_space<vmem>>, vector<1x16xf32>,
      %swap3A_43 = vector.shape_cast %swap3A_42 : vector<1x16xf32> to vector<16xf32>
      %swap3A_44 = vector.shape_cast %broadcast_in_dim3A_39 : vector<16xf32> to vector<1x16xf32>
      tpu.vector_store %arg9[%swap3A_40, %swap3A_41], %swap3A_44 {strides = array<i32>} : memref<80x128xf32, #tpu.memory_space<vmem>>, vector<1x16xf32>,
      %broadcast_in_dim3A_45 = arith.constant 0.000000e+00 : f32
      %broadcast_in_dim3A_46 = vector.broadcast %broadcast_in_dim3A_45 : f32 to vector<16xf32>
      %swap3A_47 = arith.index_cast %scan3A_32 : i32 to index
      %swap3A_48 = arith.constant 32 : index
      %swap3A_49 = tpu.vector_load %arg9[%swap3A_47, %swap3A_48] {strides = array<i32>} : memref<80x128xf32, #tpu.memory_space<vmem>>, vector<1x16xf32>,
      %swap3A_50 = vector.shape_cast %swap3A_49 : vector<1x16xf32> to vector<16xf32>
      %swap3A_51 = vector.shape_cast %broadcast_in_dim3A_46 : vector<16xf32> to vector<1x16xf32>
      tpu.vector_store %arg9[%swap3A_47, %swap3A_48], %swap3A_51 {strides = array<i32>} : memref<80x128xf32, #tpu.memory_space<vmem>>, vector<1x16xf32>,
      %broadcast_in_dim3A_52 = arith.constant 0.000000e+00 : f32
      %broadcast_in_dim3A_53 = vector.broadcast %broadcast_in_dim3A_52 : f32 to vector<16xf32>
      %swap3A_54 = arith.index_cast %scan3A_32 : i32 to index
      %swap3A_55 = arith.constant 48 : index
      %swap3A_56 = tpu.vector_load %arg9[%swap3A_54, %swap3A_55] {strides = array<i32>} : memref<80x128xf32, #tpu.memory_space<vmem>>, vector<1x16xf32>,
      %swap3A_57 = vector.shape_cast %swap3A_56 : vector<1x16xf32> to vector<16xf32>
      %swap3A_58 = vector.shape_cast %broadcast_in_dim3A_53 : vector<16xf32> to vector<1x16xf32>
      tpu.vector_store %arg9[%swap3A_54, %swap3A_55], %swap3A_58 {strides = array<i32>} : memref<80x128xf32, #tpu.memory_space<vmem>>, vector<1x16xf32>,
      %broadcast_in_dim3A_59 = arith.constant 0.000000e+00 : f32
      %broadcast_in_dim3A_60 = vector.broadcast %broadcast_in_dim3A_59 : f32 to vector<16xf32>
      %swap3A_61 = arith.index_cast %scan3A_32 : i32 to index
      %swap3A_62 = arith.constant 64 : index
      %swap3A_63 = tpu.vector_load %arg9[%swap3A_61, %swap3A_62] {strides = array<i32>} : memref<80x128xf32, #tpu.memory_space<vmem>>, vector<1x16xf32>,
      %swap3A_64 = vector.shape_cast %swap3A_63 : vector<1x16xf32> to vector<16xf32>
      %swap3A_65 = vector.shape_cast %broadcast_in_dim3A_60 : vector<16xf32> to vector<1x16xf32>
      tpu.vector_store %arg9[%swap3A_61, %swap3A_62], %swap3A_65 {strides = array<i32>} : memref<80x128xf32, #tpu.memory_space<vmem>>, vector<1x16xf32>,
      %broadcast_in_dim3A_66 = arith.constant 0.000000e+00 : f32
      %broadcast_in_dim3A_67 = vector.broadcast %broadcast_in_dim3A_66 : f32 to vector<16xf32>
      %swap3A_68 = arith.index_cast %scan3A_32 : i32 to index
      %swap3A_69 = arith.constant 80 : index
      %swap3A_70 = tpu.vector_load %arg9[%swap3A_68, %swap3A_69] {strides = array<i32>} : memref<80x128xf32, #tpu.memory_space<vmem>>, vector<1x16xf32>,
      %swap3A_71 = vector.shape_cast %swap3A_70 : vector<1x16xf32> to vector<16xf32>
      %swap3A_72 = vector.shape_cast %broadcast_in_dim3A_67 : vector<16xf32> to vector<1x16xf32>
      tpu.vector_store %arg9[%swap3A_68, %swap3A_69], %swap3A_72 {strides = array<i32>} : memref<80x128xf32, #tpu.memory_space<vmem>>, vector<1x16xf32>,
      %broadcast_in_dim3A_73 = arith.constant 0.000000e+00 : f32
      %broadcast_in_dim3A_74 = vector.broadcast %broadcast_in_dim3A_73 : f32 to vector<16xf32>
      %swap3A_75 = arith.index_cast %scan3A_32 : i32 to index
      %swap3A_76 = arith.constant 96 : index
      %swap3A_77 = tpu.vector_load %arg9[%swap3A_75, %swap3A_76] {strides = array<i32>} : memref<80x128xf32, #tpu.memory_space<vmem>>, vector<1x16xf32>,
      %swap3A_78 = vector.shape_cast %swap3A_77 : vector<1x16xf32> to vector<16xf32>
      %swap3A_79 = vector.shape_cast %broadcast_in_dim3A_74 : vector<16xf32> to vector<1x16xf32>
      tpu.vector_store %arg9[%swap3A_75, %swap3A_76], %swap3A_79 {strides = array<i32>} : memref<80x128xf32, #tpu.memory_space<vmem>>, vector<1x16xf32>,
      %broadcast_in_dim3A_80 = arith.constant 0.000000e+00 : f32
      %broadcast_in_dim3A_81 = vector.broadcast %broadcast_in_dim3A_80 : f32 to vector<16xf32>
      %swap3A_82 = arith.index_cast %scan3A_32 : i32 to index
      %swap3A_83 = arith.constant 112 : index
      %swap3A_84 = tpu.vector_load %arg9[%swap3A_82, %swap3A_83] {strides = array<i32>} : memref<80x128xf32, #tpu.memory_space<vmem>>, vector<1x16xf32>,
      %swap3A_85 = vector.shape_cast %swap3A_84 : vector<1x16xf32> to vector<16xf32>
      %swap3A_86 = vector.shape_cast %broadcast_in_dim3A_81 : vector<16xf32> to vector<1x16xf32>
      tpu.vector_store %arg9[%swap3A_82, %swap3A_83], %swap3A_86 {strides = array<i32>} : memref<80x128xf32, #tpu.memory_space<vmem>>, vector<1x16xf32>,
    }
    %scan3A_9 = arith.constant 80 : i32
    %scan3A_10 = arith.constant 0 : i32
    %scan3A_11 = arith.constant 0 : i32
    %scan3A_12 = arith.constant 8 : i32
    %scan3A_13 = arith.addi %scan3A_11, %scan3A_12 : i32
    %scan3A_14 = arith.constant 1 : i32
    scf.for %scan3A_32 = %scan3A_11 to %scan3A_13 step %scan3A_14  : i32 {
      %mul3A_33 = arith.constant 80 : i32
      %mul3A_34 = arith.muli %scan3A_32, %mul3A_33 : i32
      %add3A_35 = arith.addi %mul3A_2, %mul3A_34 : i32
      "tpu.region"() ({
        %run_scoped3A = tpu.sem_alloc : memref<!tpu.dma_semaphore, #tpu.memory_space<semaphore_mem>>
        %dma_start3A = arith.constant 0 : i32
        %dma_start3A_36 = tpu.memref_slice %arg10[%add3A_35, %dma_start3A] : memref<10240x128xf32, #tpu.memory_space<vmem_shared>> -> memref<80x128xf32, #tpu.memory_space<vmem_shared>>
        %dma_start3A_37 = arith.constant 0 : i32
        %dma_start3A_38 = tpu.memref_slice %arg10[%add3A_35, %dma_start3A_37] : memref<10240x128xf32, #tpu.memory_space<vmem_shared>> -> memref<80x128xf32, #tpu.memory_space<vmem_shared>>
        tpu.enqueue_dma source(%arg9 : memref<80x128xf32, #tpu.memory_space<vmem>>) target(%dma_start3A_38 : memref<80x128xf32, #tpu.memory_space<vmem_shared>>) target_semaphore(%run_scoped3A : memref<!tpu.dma_semaphore, #tpu.memory_space<semaphore_mem>>)
        %dma_wait3A = arith.constant 0 : i32
        %dma_wait3A_39 = tpu.memref_slice %arg10[%add3A_35, %dma_wait3A] : memref<10240x128xf32, #tpu.memory_space<vmem_shared>> -> memref<80x128xf32, #tpu.memory_space<vmem_shared>>
        %dma_wait3A_40 = arith.constant 0 : i32
        %dma_wait3A_41 = tpu.memref_slice %arg10[%add3A_35, %dma_wait3A_40] : memref<10240x128xf32, #tpu.memory_space<vmem_shared>> -> memref<80x128xf32, #tpu.memory_space<vmem_shared>>
        tpu.wait_dma2 semaphore(%run_scoped3A : memref<!tpu.dma_semaphore, #tpu.memory_space<semaphore_mem>>) src(%arg9 : memref<80x128xf32, #tpu.memory_space<vmem>>) dst(%dma_wait3A_41 : memref<80x128xf32, #tpu.memory_space<vmem_shared>>)
        tpu.yield
      }) : () -> ()
    }
    %scan3A_15 = arith.constant 8 : i32
    %barrier3A = arith.constant 0 : index
    tpu.barrier barrier_id(%barrier3A)
    %scan3A_16 = arith.constant 0 : i32
    %scan3A_17 = arith.constant 0 : i32
    %scan3A_18 = arith.constant 125 : i32
    %scan3A_19 = arith.addi %scan3A_17, %scan3A_18 : i32
    %scan3A_20 = arith.constant 1 : i32
    scf.for %scan3A_32 = %scan3A_17 to %scan3A_19 step %scan3A_20  : i32 {
      %mul3A_33 = arith.constant 80 : i32
      %mul3A_34 = arith.muli %scan3A_32, %mul3A_33 : i32
      %add3A_35 = arith.addi %mul3A_4, %mul3A_34 : i32
      "tpu.region"() ({
        %run_scoped3A = tpu.sem_alloc : memref<!tpu.dma_semaphore, #tpu.memory_space<semaphore_mem>>
        %dma_start3A_40 = tpu.memref_slice %arg3[%add3A_35] : memref<320000xi32, #tpu.memory_space<hbm>> -> memref<80xi32, #tpu.memory_space<hbm>>
        %dma_start3A_41 = tpu.memref_slice %arg3[%add3A_35] : memref<320000xi32, #tpu.memory_space<hbm>> -> memref<80xi32, #tpu.memory_space<hbm>>
        tpu.enqueue_dma source(%dma_start3A_41 : memref<80xi32, #tpu.memory_space<hbm>>) target(%arg6 : memref<80xi32, #tpu.memory_space<vmem>>) target_semaphore(%run_scoped3A : memref<!tpu.dma_semaphore, #tpu.memory_space<semaphore_mem>>)
        %dma_wait3A_42 = tpu.memref_slice %arg3[%add3A_35] : memref<320000xi32, #tpu.memory_space<hbm>> -> memref<80xi32, #tpu.memory_space<hbm>>
        %dma_wait3A_43 = tpu.memref_slice %arg3[%add3A_35] : memref<320000xi32, #tpu.memory_space<hbm>> -> memref<80xi32, #tpu.memory_space<hbm>>
        tpu.wait_dma2 semaphore(%run_scoped3A : memref<!tpu.dma_semaphore, #tpu.memory_space<semaphore_mem>>) src(%dma_wait3A_43 : memref<80xi32, #tpu.memory_space<hbm>>) dst(%arg6 : memref<80xi32, #tpu.memory_space<vmem>>)
        tpu.yield
      }) : () -> ()
      "tpu.region"() ({
        %run_scoped3A = tpu.sem_alloc : memref<!tpu.dma_semaphore, #tpu.memory_space<semaphore_mem>>
        %dma_start3A_40 = tpu.memref_slice %arg4[%add3A_35] : memref<320000xi32, #tpu.memory_space<hbm>> -> memref<80xi32, #tpu.memory_space<hbm>>
        %dma_start3A_41 = tpu.memref_slice %arg4[%add3A_35] : memref<320000xi32, #tpu.memory_space<hbm>> -> memref<80xi32, #tpu.memory_space<hbm>>
        tpu.enqueue_dma source(%dma_start3A_41 : memref<80xi32, #tpu.memory_space<hbm>>) target(%arg7 : memref<80xi32, #tpu.memory_space<vmem>>) target_semaphore(%run_scoped3A : memref<!tpu.dma_semaphore, #tpu.memory_space<semaphore_mem>>)
        %dma_wait3A_42 = tpu.memref_slice %arg4[%add3A_35] : memref<320000xi32, #tpu.memory_space<hbm>> -> memref<80xi32, #tpu.memory_space<hbm>>
        %dma_wait3A_43 = tpu.memref_slice %arg4[%add3A_35] : memref<320000xi32, #tpu.memory_space<hbm>> -> memref<80xi32, #tpu.memory_space<hbm>>
        tpu.wait_dma2 semaphore(%run_scoped3A : memref<!tpu.dma_semaphore, #tpu.memory_space<semaphore_mem>>) src(%dma_wait3A_43 : memref<80xi32, #tpu.memory_space<hbm>>) dst(%arg7 : memref<80xi32, #tpu.memory_space<vmem>>)
        tpu.yield
      }) : () -> ()
      %dma_start3A = arith.constant 0 : i32
      %dma_start3A_36 = arith.constant 0 : i32
      %dma_start3A_37 = tpu.memref_slice %arg2[%dma_start3A, %dma_start3A_36] : memref<10000x128xf32, #tpu.memory_space<hbm>> -> memref<10000x128xf32, #tpu.memory_space<hbm>>
      tpu.enqueue_indirect_dma source(%dma_start3A_37 : memref<10000x128xf32, #tpu.memory_space<hbm>>) target(%arg8 : memref<80x128xf32, #tpu.memory_space<vmem>>) offsets(%arg6 : memref<80xi32, #tpu.memory_space<vmem>>) semaphore(%arg11 : memref<!tpu.dma_semaphore, #tpu.memory_space<semaphore_mem>>)
      %dma_wait3A = arith.constant 0 : i32
      %dma_wait3A_38 = arith.constant 0 : i32
      %dma_wait3A_39 = tpu.memref_slice %arg2[%dma_wait3A, %dma_wait3A_38] : memref<10000x128xf32, #tpu.memory_space<hbm>> -> memref<10000x128xf32, #tpu.memory_space<hbm>>
      tpu.wait_indirect_dma semaphore(%arg11 : memref<!tpu.dma_semaphore, #tpu.memory_space<semaphore_mem>>) src(%dma_wait3A_39 : memref<10000x128xf32, #tpu.memory_space<hbm>>) dst(%arg8 : memref<80x128xf32, #tpu.memory_space<vmem>>)
      "tpu.region"() ({
        %run_scoped3A = tpu.sem_alloc : memref<!tpu.dma_semaphore, #tpu.memory_space<semaphore_mem>>
        %dma_start3A_40 = arith.constant 0 : i32
        %dma_start3A_41 = arith.constant 0 : i32
        %dma_start3A_42 = tpu.memref_slice %arg10[%dma_start3A_40, %dma_start3A_41] : memref<10240x128xf32, #tpu.memory_space<vmem_shared>> -> memref<10240x128xf32, #tpu.memory_space<vmem_shared>>
        tpu.enqueue_indirect_dma source(%arg8 : memref<80x128xf32, #tpu.memory_space<vmem>>) target(%dma_start3A_42 : memref<10240x128xf32, #tpu.memory_space<vmem_shared>>) offsets(%arg7 : memref<80xi32, #tpu.memory_space<vmem>>) semaphore(%run_scoped3A : memref<!tpu.dma_semaphore, #tpu.memory_space<semaphore_mem>>) {add = true}
        %dma_wait3A_43 = arith.constant 0 : i32
        %dma_wait3A_44 = arith.constant 0 : i32
        %dma_wait3A_45 = tpu.memref_slice %arg10[%dma_wait3A_43, %dma_wait3A_44] : memref<10240x128xf32, #tpu.memory_space<vmem_shared>> -> memref<10240x128xf32, #tpu.memory_space<vmem_shared>>
        tpu.wait_indirect_dma semaphore(%run_scoped3A : memref<!tpu.dma_semaphore, #tpu.memory_space<semaphore_mem>>) src(%arg8 : memref<80x128xf32, #tpu.memory_space<vmem>>) dst(%dma_wait3A_45 : memref<10240x128xf32, #tpu.memory_space<vmem_shared>>)
        tpu.yield
      }) : () -> ()
    }
    %scan3A_21 = arith.constant 125 : i32
    %barrier3A_22 = arith.constant 0 : index
    tpu.barrier barrier_id(%barrier3A_22)
    %mul3A_23 = arith.constant 10240 : i32
    %mul3A_24 = arith.muli %arg0, %mul3A_23 : i32
    %add3A_25 = arith.addi %mul3A_24, %mul3A_2 : i32
    %scan3A_26 = arith.constant 0 : i32
    %scan3A_27 = arith.constant 0 : i32
    %scan3A_28 = arith.constant 8 : i32
    %scan3A_29 = arith.addi %scan3A_27, %scan3A_28 : i32
    %scan3A_30 = arith.constant 1 : i32
    scf.for %scan3A_32 = %scan3A_27 to %scan3A_29 step %scan3A_30  : i32 {
      %mul3A_33 = arith.constant 80 : i32
      %mul3A_34 = arith.muli %scan3A_32, %mul3A_33 : i32
      %add3A_35 = arith.addi %mul3A_2, %mul3A_34 : i32
      "tpu.region"() ({
        %run_scoped3A = tpu.sem_alloc : memref<!tpu.dma_semaphore, #tpu.memory_space<semaphore_mem>>
        %dma_start3A = arith.constant 0 : i32
        %dma_start3A_39 = tpu.memref_slice %arg10[%add3A_35, %dma_start3A] : memref<10240x128xf32, #tpu.memory_space<vmem_shared>> -> memref<80x128xf32, #tpu.memory_space<vmem_shared>>
        %dma_start3A_40 = arith.constant 0 : i32
        %dma_start3A_41 = tpu.memref_slice %arg10[%add3A_35, %dma_start3A_40] : memref<10240x128xf32, #tpu.memory_space<vmem_shared>> -> memref<80x128xf32, #tpu.memory_space<vmem_shared>>
        tpu.enqueue_dma source(%dma_start3A_41 : memref<80x128xf32, #tpu.memory_space<vmem_shared>>) target(%arg9 : memref<80x128xf32, #tpu.memory_space<vmem>>) target_semaphore(%run_scoped3A : memref<!tpu.dma_semaphore, #tpu.memory_space<semaphore_mem>>)
        %dma_wait3A = arith.constant 0 : i32
        %dma_wait3A_42 = tpu.memref_slice %arg10[%add3A_35, %dma_wait3A] : memref<10240x128xf32, #tpu.memory_space<vmem_shared>> -> memref<80x128xf32, #tpu.memory_space<vmem_shared>>
        %dma_wait3A_43 = arith.constant 0 : i32
        %dma_wait3A_44 = tpu.memref_slice %arg10[%add3A_35, %dma_wait3A_43] : memref<10240x128xf32, #tpu.memory_space<vmem_shared>> -> memref<80x128xf32, #tpu.memory_space<vmem_shared>>
        tpu.wait_dma2 semaphore(%run_scoped3A : memref<!tpu.dma_semaphore, #tpu.memory_space<semaphore_mem>>) src(%dma_wait3A_44 : memref<80x128xf32, #tpu.memory_space<vmem_shared>>) dst(%arg9 : memref<80x128xf32, #tpu.memory_space<vmem>>)
        tpu.yield
      }) : () -> ()
      %mul3A_36 = arith.constant 80 : i32
      %mul3A_37 = arith.muli %scan3A_32, %mul3A_36 : i32
      %add3A_38 = arith.addi %add3A_25, %mul3A_37 : i32
      "tpu.region"() ({
        %run_scoped3A = tpu.sem_alloc : memref<!tpu.dma_semaphore, #tpu.memory_space<semaphore_mem>>
        %dma_start3A = arith.constant 0 : i32
        %dma_start3A_39 = tpu.memref_slice %arg5[%add3A_38, %dma_start3A] : memref<20480x128xf32, #tpu.memory_space<hbm>> -> memref<80x128xf32, #tpu.memory_space<hbm>>
        %dma_start3A_40 = arith.constant 0 : i32
        %dma_start3A_41 = tpu.memref_slice %arg5[%add3A_38, %dma_start3A_40] : memref<20480x128xf32, #tpu.memory_space<hbm>> -> memref<80x128xf32, #tpu.memory_space<hbm>>
        tpu.enqueue_dma source(%arg9 : memref<80x128xf32, #tpu.memory_space<vmem>>) target(%dma_start3A_41 : memref<80x128xf32, #tpu.memory_space<hbm>>) target_semaphore(%run_scoped3A : memref<!tpu.dma_semaphore, #tpu.memory_space<semaphore_mem>>)
        %dma_wait3A = arith.constant 0 : i32
        %dma_wait3A_42 = tpu.memref_slice %arg5[%add3A_38, %dma_wait3A] : memref<20480x128xf32, #tpu.memory_space<hbm>> -> memref<80x128xf32, #tpu.memory_space<hbm>>
        %dma_wait3A_43 = arith.constant 0 : i32
        %dma_wait3A_44 = tpu.memref_slice %arg5[%add3A_38, %dma_wait3A_43] : memref<20480x128xf32, #tpu.memory_space<hbm>> -> memref<80x128xf32, #tpu.memory_space<hbm>>
        tpu.wait_dma2 semaphore(%run_scoped3A : memref<!tpu.dma_semaphore, #tpu.memory_space<semaphore_mem>>) src(%arg9 : memref<80x128xf32, #tpu.memory_space<vmem>>) dst(%dma_wait3A_44 : memref<80x128xf32, #tpu.memory_space<hbm>>)
        tpu.yield
      }) : () -> ()
    }
    %scan3A_31 = arith.constant 8 : i32
    return
  }
}

#map = affine_map<(d0, d1) -> (0)>
#map1 = affine_map<(d0, d1) -> (0, 0)>
module attributes {stable_mosaic.version = 14 : i64} {
  func.func @deg_kernel(%arg0: i32, %arg1: i32, %arg2: memref<320000xi32, #tpu.memory_space<hbm>>, %arg3: memref<80x128xf32, #tpu.memory_space<hbm>>, %arg4: memref<20480x128xf32, #tpu.memory_space<hbm>>, %arg5: memref<80xi32, #tpu.memory_space<vmem>>, %arg6: memref<80x128xf32, #tpu.memory_space<vmem>>, %arg7: memref<80x128xf32, #tpu.memory_space<vmem>>, %arg8: memref<10240x128xf32, #tpu.memory_space<vmem_shared>>) attributes {dimension_semantics = [#tpu.dimension_semantics<core_parallel>, #tpu.dimension_semantics<subcore_parallel>], iteration_bounds = array<i64: 2, 16>, scalar_prefetch = 0 : i64, scratch_operands = 4 : i64, tpu.core_type = #tpu.core_type<sc_vector_subcore>, window_params = [{transform_indices = #map}, {transform_indices = #map1}, {transform_indices = #map1}]} {
    %mul3A = arith.constant 16 : i32
    %mul3A_0 = arith.muli %arg0, %mul3A : i32
    %add3A = arith.addi %mul3A_0, %arg1 : i32
    %mul3A_1 = arith.constant 640 : i32
    %mul3A_2 = arith.muli %arg1, %mul3A_1 : i32
    %mul3A_3 = arith.constant 10000 : i32
    %mul3A_4 = arith.muli %add3A, %mul3A_3 : i32
    "tpu.region"() ({
      %run_scoped3A = tpu.sem_alloc : memref<!tpu.dma_semaphore, #tpu.memory_space<semaphore_mem>>
      tpu.enqueue_dma source(%arg3 : memref<80x128xf32, #tpu.memory_space<hbm>>) target(%arg6 : memref<80x128xf32, #tpu.memory_space<vmem>>) target_semaphore(%run_scoped3A : memref<!tpu.dma_semaphore, #tpu.memory_space<semaphore_mem>>)
      tpu.wait_dma2 semaphore(%run_scoped3A : memref<!tpu.dma_semaphore, #tpu.memory_space<semaphore_mem>>) src(%arg3 : memref<80x128xf32, #tpu.memory_space<hbm>>) dst(%arg6 : memref<80x128xf32, #tpu.memory_space<vmem>>)
      tpu.yield
    }) : () -> ()
    %scan3A = arith.constant 0 : i32
    %scan3A_5 = arith.constant 0 : i32
    %scan3A_6 = arith.constant 80 : i32
    %scan3A_7 = arith.addi %scan3A_5, %scan3A_6 : i32
    %scan3A_8 = arith.constant 1 : i32
    scf.for %scan3A_32 = %scan3A_5 to %scan3A_7 step %scan3A_8  : i32 {
      %broadcast_in_dim3A = arith.constant 0.000000e+00 : f32
      %broadcast_in_dim3A_33 = vector.broadcast %broadcast_in_dim3A : f32 to vector<16xf32>
      %swap3A = arith.index_cast %scan3A_32 : i32 to index
      %swap3A_34 = arith.constant 0 : index
      %swap3A_35 = tpu.vector_load %arg7[%swap3A, %swap3A_34] {strides = array<i32>} : memref<80x128xf32, #tpu.memory_space<vmem>>, vector<1x16xf32>,
      %swap3A_36 = vector.shape_cast %swap3A_35 : vector<1x16xf32> to vector<16xf32>
      %swap3A_37 = vector.shape_cast %broadcast_in_dim3A_33 : vector<16xf32> to vector<1x16xf32>
      tpu.vector_store %arg7[%swap3A, %swap3A_34], %swap3A_37 {strides = array<i32>} : memref<80x128xf32, #tpu.memory_space<vmem>>, vector<1x16xf32>,
      %broadcast_in_dim3A_38 = arith.constant 0.000000e+00 : f32
      %broadcast_in_dim3A_39 = vector.broadcast %broadcast_in_dim3A_38 : f32 to vector<16xf32>
      %swap3A_40 = arith.index_cast %scan3A_32 : i32 to index
      %swap3A_41 = arith.constant 16 : index
      %swap3A_42 = tpu.vector_load %arg7[%swap3A_40, %swap3A_41] {strides = array<i32>} : memref<80x128xf32, #tpu.memory_space<vmem>>, vector<1x16xf32>,
      %swap3A_43 = vector.shape_cast %swap3A_42 : vector<1x16xf32> to vector<16xf32>
      %swap3A_44 = vector.shape_cast %broadcast_in_dim3A_39 : vector<16xf32> to vector<1x16xf32>
      tpu.vector_store %arg7[%swap3A_40, %swap3A_41], %swap3A_44 {strides = array<i32>} : memref<80x128xf32, #tpu.memory_space<vmem>>, vector<1x16xf32>,
      %broadcast_in_dim3A_45 = arith.constant 0.000000e+00 : f32
      %broadcast_in_dim3A_46 = vector.broadcast %broadcast_in_dim3A_45 : f32 to vector<16xf32>
      %swap3A_47 = arith.index_cast %scan3A_32 : i32 to index
      %swap3A_48 = arith.constant 32 : index
      %swap3A_49 = tpu.vector_load %arg7[%swap3A_47, %swap3A_48] {strides = array<i32>} : memref<80x128xf32, #tpu.memory_space<vmem>>, vector<1x16xf32>,
      %swap3A_50 = vector.shape_cast %swap3A_49 : vector<1x16xf32> to vector<16xf32>
      %swap3A_51 = vector.shape_cast %broadcast_in_dim3A_46 : vector<16xf32> to vector<1x16xf32>
      tpu.vector_store %arg7[%swap3A_47, %swap3A_48], %swap3A_51 {strides = array<i32>} : memref<80x128xf32, #tpu.memory_space<vmem>>, vector<1x16xf32>,
      %broadcast_in_dim3A_52 = arith.constant 0.000000e+00 : f32
      %broadcast_in_dim3A_53 = vector.broadcast %broadcast_in_dim3A_52 : f32 to vector<16xf32>
      %swap3A_54 = arith.index_cast %scan3A_32 : i32 to index
      %swap3A_55 = arith.constant 48 : index
      %swap3A_56 = tpu.vector_load %arg7[%swap3A_54, %swap3A_55] {strides = array<i32>} : memref<80x128xf32, #tpu.memory_space<vmem>>, vector<1x16xf32>,
      %swap3A_57 = vector.shape_cast %swap3A_56 : vector<1x16xf32> to vector<16xf32>
      %swap3A_58 = vector.shape_cast %broadcast_in_dim3A_53 : vector<16xf32> to vector<1x16xf32>
      tpu.vector_store %arg7[%swap3A_54, %swap3A_55], %swap3A_58 {strides = array<i32>} : memref<80x128xf32, #tpu.memory_space<vmem>>, vector<1x16xf32>,
      %broadcast_in_dim3A_59 = arith.constant 0.000000e+00 : f32
      %broadcast_in_dim3A_60 = vector.broadcast %broadcast_in_dim3A_59 : f32 to vector<16xf32>
      %swap3A_61 = arith.index_cast %scan3A_32 : i32 to index
      %swap3A_62 = arith.constant 64 : index
      %swap3A_63 = tpu.vector_load %arg7[%swap3A_61, %swap3A_62] {strides = array<i32>} : memref<80x128xf32, #tpu.memory_space<vmem>>, vector<1x16xf32>,
      %swap3A_64 = vector.shape_cast %swap3A_63 : vector<1x16xf32> to vector<16xf32>
      %swap3A_65 = vector.shape_cast %broadcast_in_dim3A_60 : vector<16xf32> to vector<1x16xf32>
      tpu.vector_store %arg7[%swap3A_61, %swap3A_62], %swap3A_65 {strides = array<i32>} : memref<80x128xf32, #tpu.memory_space<vmem>>, vector<1x16xf32>,
      %broadcast_in_dim3A_66 = arith.constant 0.000000e+00 : f32
      %broadcast_in_dim3A_67 = vector.broadcast %broadcast_in_dim3A_66 : f32 to vector<16xf32>
      %swap3A_68 = arith.index_cast %scan3A_32 : i32 to index
      %swap3A_69 = arith.constant 80 : index
      %swap3A_70 = tpu.vector_load %arg7[%swap3A_68, %swap3A_69] {strides = array<i32>} : memref<80x128xf32, #tpu.memory_space<vmem>>, vector<1x16xf32>,
      %swap3A_71 = vector.shape_cast %swap3A_70 : vector<1x16xf32> to vector<16xf32>
      %swap3A_72 = vector.shape_cast %broadcast_in_dim3A_67 : vector<16xf32> to vector<1x16xf32>
      tpu.vector_store %arg7[%swap3A_68, %swap3A_69], %swap3A_72 {strides = array<i32>} : memref<80x128xf32, #tpu.memory_space<vmem>>, vector<1x16xf32>,
      %broadcast_in_dim3A_73 = arith.constant 0.000000e+00 : f32
      %broadcast_in_dim3A_74 = vector.broadcast %broadcast_in_dim3A_73 : f32 to vector<16xf32>
      %swap3A_75 = arith.index_cast %scan3A_32 : i32 to index
      %swap3A_76 = arith.constant 96 : index
      %swap3A_77 = tpu.vector_load %arg7[%swap3A_75, %swap3A_76] {strides = array<i32>} : memref<80x128xf32, #tpu.memory_space<vmem>>, vector<1x16xf32>,
      %swap3A_78 = vector.shape_cast %swap3A_77 : vector<1x16xf32> to vector<16xf32>
      %swap3A_79 = vector.shape_cast %broadcast_in_dim3A_74 : vector<16xf32> to vector<1x16xf32>
      tpu.vector_store %arg7[%swap3A_75, %swap3A_76], %swap3A_79 {strides = array<i32>} : memref<80x128xf32, #tpu.memory_space<vmem>>, vector<1x16xf32>,
      %broadcast_in_dim3A_80 = arith.constant 0.000000e+00 : f32
      %broadcast_in_dim3A_81 = vector.broadcast %broadcast_in_dim3A_80 : f32 to vector<16xf32>
      %swap3A_82 = arith.index_cast %scan3A_32 : i32 to index
      %swap3A_83 = arith.constant 112 : index
      %swap3A_84 = tpu.vector_load %arg7[%swap3A_82, %swap3A_83] {strides = array<i32>} : memref<80x128xf32, #tpu.memory_space<vmem>>, vector<1x16xf32>,
      %swap3A_85 = vector.shape_cast %swap3A_84 : vector<1x16xf32> to vector<16xf32>
      %swap3A_86 = vector.shape_cast %broadcast_in_dim3A_81 : vector<16xf32> to vector<1x16xf32>
      tpu.vector_store %arg7[%swap3A_82, %swap3A_83], %swap3A_86 {strides = array<i32>} : memref<80x128xf32, #tpu.memory_space<vmem>>, vector<1x16xf32>,
    }
    %scan3A_9 = arith.constant 80 : i32
    %scan3A_10 = arith.constant 0 : i32
    %scan3A_11 = arith.constant 0 : i32
    %scan3A_12 = arith.constant 8 : i32
    %scan3A_13 = arith.addi %scan3A_11, %scan3A_12 : i32
    %scan3A_14 = arith.constant 1 : i32
    scf.for %scan3A_32 = %scan3A_11 to %scan3A_13 step %scan3A_14  : i32 {
      %mul3A_33 = arith.constant 80 : i32
      %mul3A_34 = arith.muli %scan3A_32, %mul3A_33 : i32
      %add3A_35 = arith.addi %mul3A_2, %mul3A_34 : i32
      "tpu.region"() ({
        %run_scoped3A = tpu.sem_alloc : memref<!tpu.dma_semaphore, #tpu.memory_space<semaphore_mem>>
        %dma_start3A = arith.constant 0 : i32
        %dma_start3A_36 = tpu.memref_slice %arg8[%add3A_35, %dma_start3A] : memref<10240x128xf32, #tpu.memory_space<vmem_shared>> -> memref<80x128xf32, #tpu.memory_space<vmem_shared>>
        %dma_start3A_37 = arith.constant 0 : i32
        %dma_start3A_38 = tpu.memref_slice %arg8[%add3A_35, %dma_start3A_37] : memref<10240x128xf32, #tpu.memory_space<vmem_shared>> -> memref<80x128xf32, #tpu.memory_space<vmem_shared>>
        tpu.enqueue_dma source(%arg7 : memref<80x128xf32, #tpu.memory_space<vmem>>) target(%dma_start3A_38 : memref<80x128xf32, #tpu.memory_space<vmem_shared>>) target_semaphore(%run_scoped3A : memref<!tpu.dma_semaphore, #tpu.memory_space<semaphore_mem>>)
        %dma_wait3A = arith.constant 0 : i32
        %dma_wait3A_39 = tpu.memref_slice %arg8[%add3A_35, %dma_wait3A] : memref<10240x128xf32, #tpu.memory_space<vmem_shared>> -> memref<80x128xf32, #tpu.memory_space<vmem_shared>>
        %dma_wait3A_40 = arith.constant 0 : i32
        %dma_wait3A_41 = tpu.memref_slice %arg8[%add3A_35, %dma_wait3A_40] : memref<10240x128xf32, #tpu.memory_space<vmem_shared>> -> memref<80x128xf32, #tpu.memory_space<vmem_shared>>
        tpu.wait_dma2 semaphore(%run_scoped3A : memref<!tpu.dma_semaphore, #tpu.memory_space<semaphore_mem>>) src(%arg7 : memref<80x128xf32, #tpu.memory_space<vmem>>) dst(%dma_wait3A_41 : memref<80x128xf32, #tpu.memory_space<vmem_shared>>)
        tpu.yield
      }) : () -> ()
    }
    %scan3A_15 = arith.constant 8 : i32
    %barrier3A = arith.constant 0 : index
    tpu.barrier barrier_id(%barrier3A)
    %scan3A_16 = arith.constant 0 : i32
    %scan3A_17 = arith.constant 0 : i32
    %scan3A_18 = arith.constant 125 : i32
    %scan3A_19 = arith.addi %scan3A_17, %scan3A_18 : i32
    %scan3A_20 = arith.constant 1 : i32
    scf.for %scan3A_32 = %scan3A_17 to %scan3A_19 step %scan3A_20  : i32 {
      %mul3A_33 = arith.constant 80 : i32
      %mul3A_34 = arith.muli %scan3A_32, %mul3A_33 : i32
      %add3A_35 = arith.addi %mul3A_4, %mul3A_34 : i32
      "tpu.region"() ({
        %run_scoped3A = tpu.sem_alloc : memref<!tpu.dma_semaphore, #tpu.memory_space<semaphore_mem>>
        %dma_start3A = tpu.memref_slice %arg2[%add3A_35] : memref<320000xi32, #tpu.memory_space<hbm>> -> memref<80xi32, #tpu.memory_space<hbm>>
        %dma_start3A_36 = tpu.memref_slice %arg2[%add3A_35] : memref<320000xi32, #tpu.memory_space<hbm>> -> memref<80xi32, #tpu.memory_space<hbm>>
        tpu.enqueue_dma source(%dma_start3A_36 : memref<80xi32, #tpu.memory_space<hbm>>) target(%arg5 : memref<80xi32, #tpu.memory_space<vmem>>) target_semaphore(%run_scoped3A : memref<!tpu.dma_semaphore, #tpu.memory_space<semaphore_mem>>)
        %dma_wait3A = tpu.memref_slice %arg2[%add3A_35] : memref<320000xi32, #tpu.memory_space<hbm>> -> memref<80xi32, #tpu.memory_space<hbm>>
        %dma_wait3A_37 = tpu.memref_slice %arg2[%add3A_35] : memref<320000xi32, #tpu.memory_space<hbm>> -> memref<80xi32, #tpu.memory_space<hbm>>
        tpu.wait_dma2 semaphore(%run_scoped3A : memref<!tpu.dma_semaphore, #tpu.memory_space<semaphore_mem>>) src(%dma_wait3A_37 : memref<80xi32, #tpu.memory_space<hbm>>) dst(%arg5 : memref<80xi32, #tpu.memory_space<vmem>>)
        tpu.yield
      }) : () -> ()
      "tpu.region"() ({
        %run_scoped3A = tpu.sem_alloc : memref<!tpu.dma_semaphore, #tpu.memory_space<semaphore_mem>>
        %dma_start3A = arith.constant 0 : i32
        %dma_start3A_36 = arith.constant 0 : i32
        %dma_start3A_37 = tpu.memref_slice %arg8[%dma_start3A, %dma_start3A_36] : memref<10240x128xf32, #tpu.memory_space<vmem_shared>> -> memref<10240x128xf32, #tpu.memory_space<vmem_shared>>
        tpu.enqueue_indirect_dma source(%arg6 : memref<80x128xf32, #tpu.memory_space<vmem>>) target(%dma_start3A_37 : memref<10240x128xf32, #tpu.memory_space<vmem_shared>>) offsets(%arg5 : memref<80xi32, #tpu.memory_space<vmem>>) semaphore(%run_scoped3A : memref<!tpu.dma_semaphore, #tpu.memory_space<semaphore_mem>>) {add = true}
        %dma_wait3A = arith.constant 0 : i32
        %dma_wait3A_38 = arith.constant 0 : i32
        %dma_wait3A_39 = tpu.memref_slice %arg8[%dma_wait3A, %dma_wait3A_38] : memref<10240x128xf32, #tpu.memory_space<vmem_shared>> -> memref<10240x128xf32, #tpu.memory_space<vmem_shared>>
        tpu.wait_indirect_dma semaphore(%run_scoped3A : memref<!tpu.dma_semaphore, #tpu.memory_space<semaphore_mem>>) src(%arg6 : memref<80x128xf32, #tpu.memory_space<vmem>>) dst(%dma_wait3A_39 : memref<10240x128xf32, #tpu.memory_space<vmem_shared>>)
        tpu.yield
      }) : () -> ()
    }
    %scan3A_21 = arith.constant 125 : i32
    %barrier3A_22 = arith.constant 0 : index
    tpu.barrier barrier_id(%barrier3A_22)
    %mul3A_23 = arith.constant 10240 : i32
    %mul3A_24 = arith.muli %arg0, %mul3A_23 : i32
    %add3A_25 = arith.addi %mul3A_24, %mul3A_2 : i32
    %scan3A_26 = arith.constant 0 : i32
    %scan3A_27 = arith.constant 0 : i32
    %scan3A_28 = arith.constant 8 : i32
    %scan3A_29 = arith.addi %scan3A_27, %scan3A_28 : i32
    %scan3A_30 = arith.constant 1 : i32
    scf.for %scan3A_32 = %scan3A_27 to %scan3A_29 step %scan3A_30  : i32 {
      %mul3A_33 = arith.constant 80 : i32
      %mul3A_34 = arith.muli %scan3A_32, %mul3A_33 : i32
      %add3A_35 = arith.addi %mul3A_2, %mul3A_34 : i32
      "tpu.region"() ({
        %run_scoped3A = tpu.sem_alloc : memref<!tpu.dma_semaphore, #tpu.memory_space<semaphore_mem>>
        %dma_start3A = arith.constant 0 : i32
        %dma_start3A_39 = tpu.memref_slice %arg8[%add3A_35, %dma_start3A] : memref<10240x128xf32, #tpu.memory_space<vmem_shared>> -> memref<80x128xf32, #tpu.memory_space<vmem_shared>>
        %dma_start3A_40 = arith.constant 0 : i32
        %dma_start3A_41 = tpu.memref_slice %arg8[%add3A_35, %dma_start3A_40] : memref<10240x128xf32, #tpu.memory_space<vmem_shared>> -> memref<80x128xf32, #tpu.memory_space<vmem_shared>>
        tpu.enqueue_dma source(%dma_start3A_41 : memref<80x128xf32, #tpu.memory_space<vmem_shared>>) target(%arg7 : memref<80x128xf32, #tpu.memory_space<vmem>>) target_semaphore(%run_scoped3A : memref<!tpu.dma_semaphore, #tpu.memory_space<semaphore_mem>>)
        %dma_wait3A = arith.constant 0 : i32
        %dma_wait3A_42 = tpu.memref_slice %arg8[%add3A_35, %dma_wait3A] : memref<10240x128xf32, #tpu.memory_space<vmem_shared>> -> memref<80x128xf32, #tpu.memory_space<vmem_shared>>
        %dma_wait3A_43 = arith.constant 0 : i32
        %dma_wait3A_44 = tpu.memref_slice %arg8[%add3A_35, %dma_wait3A_43] : memref<10240x128xf32, #tpu.memory_space<vmem_shared>> -> memref<80x128xf32, #tpu.memory_space<vmem_shared>>
        tpu.wait_dma2 semaphore(%run_scoped3A : memref<!tpu.dma_semaphore, #tpu.memory_space<semaphore_mem>>) src(%dma_wait3A_44 : memref<80x128xf32, #tpu.memory_space<vmem_shared>>) dst(%arg7 : memref<80x128xf32, #tpu.memory_space<vmem>>)
        tpu.yield
      }) : () -> ()
      %mul3A_36 = arith.constant 80 : i32
      %mul3A_37 = arith.muli %scan3A_32, %mul3A_36 : i32
      %add3A_38 = arith.addi %add3A_25, %mul3A_37 : i32
      "tpu.region"() ({
        %run_scoped3A = tpu.sem_alloc : memref<!tpu.dma_semaphore, #tpu.memory_space<semaphore_mem>>
        %dma_start3A = arith.constant 0 : i32
        %dma_start3A_39 = tpu.memref_slice %arg4[%add3A_38, %dma_start3A] : memref<20480x128xf32, #tpu.memory_space<hbm>> -> memref<80x128xf32, #tpu.memory_space<hbm>>
        %dma_start3A_40 = arith.constant 0 : i32
        %dma_start3A_41 = tpu.memref_slice %arg4[%add3A_38, %dma_start3A_40] : memref<20480x128xf32, #tpu.memory_space<hbm>> -> memref<80x128xf32, #tpu.memory_space<hbm>>
        tpu.enqueue_dma source(%arg7 : memref<80x128xf32, #tpu.memory_space<vmem>>) target(%dma_start3A_41 : memref<80x128xf32, #tpu.memory_space<hbm>>) target_semaphore(%run_scoped3A : memref<!tpu.dma_semaphore, #tpu.memory_space<semaphore_mem>>)
        %dma_wait3A = arith.constant 0 : i32
        %dma_wait3A_42 = tpu.memref_slice %arg4[%add3A_38, %dma_wait3A] : memref<20480x128xf32, #tpu.memory_space<hbm>> -> memref<80x128xf32, #tpu.memory_space<hbm>>
        %dma_wait3A_43 = arith.constant 0 : i32
        %dma_wait3A_44 = tpu.memref_slice %arg4[%add3A_38, %dma_wait3A_43] : memref<20480x128xf32, #tpu.memory_space<hbm>> -> memref<80x128xf32, #tpu.memory_space<hbm>>
        tpu.wait_dma2 semaphore(%run_scoped3A : memref<!tpu.dma_semaphore, #tpu.memory_space<semaphore_mem>>) src(%arg7 : memref<80x128xf32, #tpu.memory_space<vmem>>) dst(%dma_wait3A_44 : memref<80x128xf32, #tpu.memory_space<hbm>>)
        tpu.yield
      }) : () -> ()
    }
    %scan3A_31 = arith.constant 8 : i32
    return
  }
}

#map = affine_map<(d0, d1) -> (0, 0)>
#map1 = affine_map<(d0, d1) -> (0)>
module attributes {stable_mosaic.version = 14 : i64} {
  func.func @scat_kernel(%arg0: i32, %arg1: i32, %arg2: memref<10000x128xf32, #tpu.memory_space<hbm>>, %arg3: memref<320000xi32, #tpu.memory_space<hbm>>, %arg4: memref<320000xi32, #tpu.memory_space<hbm>>, %arg5: memref<20480x128xf32, #tpu.memory_space<hbm>>, %arg6: memref<80xi32, #tpu.memory_space<vmem>>, %arg7: memref<80xi32, #tpu.memory_space<vmem>>, %arg8: memref<80x128xf32, #tpu.memory_space<vmem>>, %arg9: memref<80x128xf32, #tpu.memory_space<vmem>>, %arg10: memref<10240x128xf32, #tpu.memory_space<vmem_shared>>, %arg11: memref<!tpu.dma_semaphore, #tpu.memory_space<semaphore_mem>>) attributes {dimension_semantics = [#tpu.dimension_semantics<core_parallel>, #tpu.dimension_semantics<subcore_parallel>], iteration_bounds = array<i64: 2, 16>, scalar_prefetch = 0 : i64, scratch_operands = 6 : i64, tpu.core_type = #tpu.core_type<sc_vector_subcore>, window_params = [{transform_indices = #map}, {transform_indices = #map1}, {transform_indices = #map1}, {transform_indices = #map}]} {
    %mul3A = arith.constant 16 : i32
    %mul3A_0 = arith.muli %arg0, %mul3A : i32
    %add3A = arith.addi %mul3A_0, %arg1 : i32
    %mul3A_1 = arith.constant 640 : i32
    %mul3A_2 = arith.muli %arg1, %mul3A_1 : i32
    %mul3A_3 = arith.constant 10000 : i32
    %mul3A_4 = arith.muli %add3A, %mul3A_3 : i32
    %scan3A = arith.constant 0 : i32
    %scan3A_5 = arith.constant 0 : i32
    %scan3A_6 = arith.constant 80 : i32
    %scan3A_7 = arith.addi %scan3A_5, %scan3A_6 : i32
    %scan3A_8 = arith.constant 1 : i32
    scf.for %scan3A_32 = %scan3A_5 to %scan3A_7 step %scan3A_8  : i32 {
      %broadcast_in_dim3A = arith.constant 0.000000e+00 : f32
      %broadcast_in_dim3A_33 = vector.broadcast %broadcast_in_dim3A : f32 to vector<16xf32>
      %swap3A = arith.index_cast %scan3A_32 : i32 to index
      %swap3A_34 = arith.constant 0 : index
      %swap3A_35 = tpu.vector_load %arg9[%swap3A, %swap3A_34] {strides = array<i32>} : memref<80x128xf32, #tpu.memory_space<vmem>>, vector<1x16xf32>,
      %swap3A_36 = vector.shape_cast %swap3A_35 : vector<1x16xf32> to vector<16xf32>
      %swap3A_37 = vector.shape_cast %broadcast_in_dim3A_33 : vector<16xf32> to vector<1x16xf32>
      tpu.vector_store %arg9[%swap3A, %swap3A_34], %swap3A_37 {strides = array<i32>} : memref<80x128xf32, #tpu.memory_space<vmem>>, vector<1x16xf32>,
      %broadcast_in_dim3A_38 = arith.constant 0.000000e+00 : f32
      %broadcast_in_dim3A_39 = vector.broadcast %broadcast_in_dim3A_38 : f32 to vector<16xf32>
      %swap3A_40 = arith.index_cast %scan3A_32 : i32 to index
      %swap3A_41 = arith.constant 16 : index
      %swap3A_42 = tpu.vector_load %arg9[%swap3A_40, %swap3A_41] {strides = array<i32>} : memref<80x128xf32, #tpu.memory_space<vmem>>, vector<1x16xf32>,
      %swap3A_43 = vector.shape_cast %swap3A_42 : vector<1x16xf32> to vector<16xf32>
      %swap3A_44 = vector.shape_cast %broadcast_in_dim3A_39 : vector<16xf32> to vector<1x16xf32>
      tpu.vector_store %arg9[%swap3A_40, %swap3A_41], %swap3A_44 {strides = array<i32>} : memref<80x128xf32, #tpu.memory_space<vmem>>, vector<1x16xf32>,
      %broadcast_in_dim3A_45 = arith.constant 0.000000e+00 : f32
      %broadcast_in_dim3A_46 = vector.broadcast %broadcast_in_dim3A_45 : f32 to vector<16xf32>
      %swap3A_47 = arith.index_cast %scan3A_32 : i32 to index
      %swap3A_48 = arith.constant 32 : index
      %swap3A_49 = tpu.vector_load %arg9[%swap3A_47, %swap3A_48] {strides = array<i32>} : memref<80x128xf32, #tpu.memory_space<vmem>>, vector<1x16xf32>,
      %swap3A_50 = vector.shape_cast %swap3A_49 : vector<1x16xf32> to vector<16xf32>
      %swap3A_51 = vector.shape_cast %broadcast_in_dim3A_46 : vector<16xf32> to vector<1x16xf32>
      tpu.vector_store %arg9[%swap3A_47, %swap3A_48], %swap3A_51 {strides = array<i32>} : memref<80x128xf32, #tpu.memory_space<vmem>>, vector<1x16xf32>,
      %broadcast_in_dim3A_52 = arith.constant 0.000000e+00 : f32
      %broadcast_in_dim3A_53 = vector.broadcast %broadcast_in_dim3A_52 : f32 to vector<16xf32>
      %swap3A_54 = arith.index_cast %scan3A_32 : i32 to index
      %swap3A_55 = arith.constant 48 : index
      %swap3A_56 = tpu.vector_load %arg9[%swap3A_54, %swap3A_55] {strides = array<i32>} : memref<80x128xf32, #tpu.memory_space<vmem>>, vector<1x16xf32>,
      %swap3A_57 = vector.shape_cast %swap3A_56 : vector<1x16xf32> to vector<16xf32>
      %swap3A_58 = vector.shape_cast %broadcast_in_dim3A_53 : vector<16xf32> to vector<1x16xf32>
      tpu.vector_store %arg9[%swap3A_54, %swap3A_55], %swap3A_58 {strides = array<i32>} : memref<80x128xf32, #tpu.memory_space<vmem>>, vector<1x16xf32>,
      %broadcast_in_dim3A_59 = arith.constant 0.000000e+00 : f32
      %broadcast_in_dim3A_60 = vector.broadcast %broadcast_in_dim3A_59 : f32 to vector<16xf32>
      %swap3A_61 = arith.index_cast %scan3A_32 : i32 to index
      %swap3A_62 = arith.constant 64 : index
      %swap3A_63 = tpu.vector_load %arg9[%swap3A_61, %swap3A_62] {strides = array<i32>} : memref<80x128xf32, #tpu.memory_space<vmem>>, vector<1x16xf32>,
      %swap3A_64 = vector.shape_cast %swap3A_63 : vector<1x16xf32> to vector<16xf32>
      %swap3A_65 = vector.shape_cast %broadcast_in_dim3A_60 : vector<16xf32> to vector<1x16xf32>
      tpu.vector_store %arg9[%swap3A_61, %swap3A_62], %swap3A_65 {strides = array<i32>} : memref<80x128xf32, #tpu.memory_space<vmem>>, vector<1x16xf32>,
      %broadcast_in_dim3A_66 = arith.constant 0.000000e+00 : f32
      %broadcast_in_dim3A_67 = vector.broadcast %broadcast_in_dim3A_66 : f32 to vector<16xf32>
      %swap3A_68 = arith.index_cast %scan3A_32 : i32 to index
      %swap3A_69 = arith.constant 80 : index
      %swap3A_70 = tpu.vector_load %arg9[%swap3A_68, %swap3A_69] {strides = array<i32>} : memref<80x128xf32, #tpu.memory_space<vmem>>, vector<1x16xf32>,
      %swap3A_71 = vector.shape_cast %swap3A_70 : vector<1x16xf32> to vector<16xf32>
      %swap3A_72 = vector.shape_cast %broadcast_in_dim3A_67 : vector<16xf32> to vector<1x16xf32>
      tpu.vector_store %arg9[%swap3A_68, %swap3A_69], %swap3A_72 {strides = array<i32>} : memref<80x128xf32, #tpu.memory_space<vmem>>, vector<1x16xf32>,
      %broadcast_in_dim3A_73 = arith.constant 0.000000e+00 : f32
      %broadcast_in_dim3A_74 = vector.broadcast %broadcast_in_dim3A_73 : f32 to vector<16xf32>
      %swap3A_75 = arith.index_cast %scan3A_32 : i32 to index
      %swap3A_76 = arith.constant 96 : index
      %swap3A_77 = tpu.vector_load %arg9[%swap3A_75, %swap3A_76] {strides = array<i32>} : memref<80x128xf32, #tpu.memory_space<vmem>>, vector<1x16xf32>,
      %swap3A_78 = vector.shape_cast %swap3A_77 : vector<1x16xf32> to vector<16xf32>
      %swap3A_79 = vector.shape_cast %broadcast_in_dim3A_74 : vector<16xf32> to vector<1x16xf32>
      tpu.vector_store %arg9[%swap3A_75, %swap3A_76], %swap3A_79 {strides = array<i32>} : memref<80x128xf32, #tpu.memory_space<vmem>>, vector<1x16xf32>,
      %broadcast_in_dim3A_80 = arith.constant 0.000000e+00 : f32
      %broadcast_in_dim3A_81 = vector.broadcast %broadcast_in_dim3A_80 : f32 to vector<16xf32>
      %swap3A_82 = arith.index_cast %scan3A_32 : i32 to index
      %swap3A_83 = arith.constant 112 : index
      %swap3A_84 = tpu.vector_load %arg9[%swap3A_82, %swap3A_83] {strides = array<i32>} : memref<80x128xf32, #tpu.memory_space<vmem>>, vector<1x16xf32>,
      %swap3A_85 = vector.shape_cast %swap3A_84 : vector<1x16xf32> to vector<16xf32>
      %swap3A_86 = vector.shape_cast %broadcast_in_dim3A_81 : vector<16xf32> to vector<1x16xf32>
      tpu.vector_store %arg9[%swap3A_82, %swap3A_83], %swap3A_86 {strides = array<i32>} : memref<80x128xf32, #tpu.memory_space<vmem>>, vector<1x16xf32>,
    }
    %scan3A_9 = arith.constant 80 : i32
    %scan3A_10 = arith.constant 0 : i32
    %scan3A_11 = arith.constant 0 : i32
    %scan3A_12 = arith.constant 8 : i32
    %scan3A_13 = arith.addi %scan3A_11, %scan3A_12 : i32
    %scan3A_14 = arith.constant 1 : i32
    scf.for %scan3A_32 = %scan3A_11 to %scan3A_13 step %scan3A_14  : i32 {
      %mul3A_33 = arith.constant 80 : i32
      %mul3A_34 = arith.muli %scan3A_32, %mul3A_33 : i32
      %add3A_35 = arith.addi %mul3A_2, %mul3A_34 : i32
      "tpu.region"() ({
        %run_scoped3A = tpu.sem_alloc : memref<!tpu.dma_semaphore, #tpu.memory_space<semaphore_mem>>
        %dma_start3A = arith.constant 0 : i32
        %dma_start3A_36 = tpu.memref_slice %arg10[%add3A_35, %dma_start3A] : memref<10240x128xf32, #tpu.memory_space<vmem_shared>> -> memref<80x128xf32, #tpu.memory_space<vmem_shared>>
        %dma_start3A_37 = arith.constant 0 : i32
        %dma_start3A_38 = tpu.memref_slice %arg10[%add3A_35, %dma_start3A_37] : memref<10240x128xf32, #tpu.memory_space<vmem_shared>> -> memref<80x128xf32, #tpu.memory_space<vmem_shared>>
        tpu.enqueue_dma source(%arg9 : memref<80x128xf32, #tpu.memory_space<vmem>>) target(%dma_start3A_38 : memref<80x128xf32, #tpu.memory_space<vmem_shared>>) target_semaphore(%run_scoped3A : memref<!tpu.dma_semaphore, #tpu.memory_space<semaphore_mem>>)
        %dma_wait3A = arith.constant 0 : i32
        %dma_wait3A_39 = tpu.memref_slice %arg10[%add3A_35, %dma_wait3A] : memref<10240x128xf32, #tpu.memory_space<vmem_shared>> -> memref<80x128xf32, #tpu.memory_space<vmem_shared>>
        %dma_wait3A_40 = arith.constant 0 : i32
        %dma_wait3A_41 = tpu.memref_slice %arg10[%add3A_35, %dma_wait3A_40] : memref<10240x128xf32, #tpu.memory_space<vmem_shared>> -> memref<80x128xf32, #tpu.memory_space<vmem_shared>>
        tpu.wait_dma2 semaphore(%run_scoped3A : memref<!tpu.dma_semaphore, #tpu.memory_space<semaphore_mem>>) src(%arg9 : memref<80x128xf32, #tpu.memory_space<vmem>>) dst(%dma_wait3A_41 : memref<80x128xf32, #tpu.memory_space<vmem_shared>>)
        tpu.yield
      }) : () -> ()
    }
    %scan3A_15 = arith.constant 8 : i32
    %barrier3A = arith.constant 0 : index
    tpu.barrier barrier_id(%barrier3A)
    %scan3A_16 = arith.constant 0 : i32
    %scan3A_17 = arith.constant 0 : i32
    %scan3A_18 = arith.constant 125 : i32
    %scan3A_19 = arith.addi %scan3A_17, %scan3A_18 : i32
    %scan3A_20 = arith.constant 1 : i32
    scf.for %scan3A_32 = %scan3A_17 to %scan3A_19 step %scan3A_20  : i32 {
      %mul3A_33 = arith.constant 80 : i32
      %mul3A_34 = arith.muli %scan3A_32, %mul3A_33 : i32
      %add3A_35 = arith.addi %mul3A_4, %mul3A_34 : i32
      "tpu.region"() ({
        %run_scoped3A = tpu.sem_alloc : memref<!tpu.dma_semaphore, #tpu.memory_space<semaphore_mem>>
        %dma_start3A_40 = tpu.memref_slice %arg3[%add3A_35] : memref<320000xi32, #tpu.memory_space<hbm>> -> memref<80xi32, #tpu.memory_space<hbm>>
        %dma_start3A_41 = tpu.memref_slice %arg3[%add3A_35] : memref<320000xi32, #tpu.memory_space<hbm>> -> memref<80xi32, #tpu.memory_space<hbm>>
        tpu.enqueue_dma source(%dma_start3A_41 : memref<80xi32, #tpu.memory_space<hbm>>) target(%arg6 : memref<80xi32, #tpu.memory_space<vmem>>) target_semaphore(%run_scoped3A : memref<!tpu.dma_semaphore, #tpu.memory_space<semaphore_mem>>)
        %dma_wait3A_42 = tpu.memref_slice %arg3[%add3A_35] : memref<320000xi32, #tpu.memory_space<hbm>> -> memref<80xi32, #tpu.memory_space<hbm>>
        %dma_wait3A_43 = tpu.memref_slice %arg3[%add3A_35] : memref<320000xi32, #tpu.memory_space<hbm>> -> memref<80xi32, #tpu.memory_space<hbm>>
        tpu.wait_dma2 semaphore(%run_scoped3A : memref<!tpu.dma_semaphore, #tpu.memory_space<semaphore_mem>>) src(%dma_wait3A_43 : memref<80xi32, #tpu.memory_space<hbm>>) dst(%arg6 : memref<80xi32, #tpu.memory_space<vmem>>)
        tpu.yield
      }) : () -> ()
      "tpu.region"() ({
        %run_scoped3A = tpu.sem_alloc : memref<!tpu.dma_semaphore, #tpu.memory_space<semaphore_mem>>
        %dma_start3A_40 = tpu.memref_slice %arg4[%add3A_35] : memref<320000xi32, #tpu.memory_space<hbm>> -> memref<80xi32, #tpu.memory_space<hbm>>
        %dma_start3A_41 = tpu.memref_slice %arg4[%add3A_35] : memref<320000xi32, #tpu.memory_space<hbm>> -> memref<80xi32, #tpu.memory_space<hbm>>
        tpu.enqueue_dma source(%dma_start3A_41 : memref<80xi32, #tpu.memory_space<hbm>>) target(%arg7 : memref<80xi32, #tpu.memory_space<vmem>>) target_semaphore(%run_scoped3A : memref<!tpu.dma_semaphore, #tpu.memory_space<semaphore_mem>>)
        %dma_wait3A_42 = tpu.memref_slice %arg4[%add3A_35] : memref<320000xi32, #tpu.memory_space<hbm>> -> memref<80xi32, #tpu.memory_space<hbm>>
        %dma_wait3A_43 = tpu.memref_slice %arg4[%add3A_35] : memref<320000xi32, #tpu.memory_space<hbm>> -> memref<80xi32, #tpu.memory_space<hbm>>
        tpu.wait_dma2 semaphore(%run_scoped3A : memref<!tpu.dma_semaphore, #tpu.memory_space<semaphore_mem>>) src(%dma_wait3A_43 : memref<80xi32, #tpu.memory_space<hbm>>) dst(%arg7 : memref<80xi32, #tpu.memory_space<vmem>>)
        tpu.yield
      }) : () -> ()
      %dma_start3A = arith.constant 0 : i32
      %dma_start3A_36 = arith.constant 0 : i32
      %dma_start3A_37 = tpu.memref_slice %arg2[%dma_start3A, %dma_start3A_36] : memref<10000x128xf32, #tpu.memory_space<hbm>> -> memref<10000x128xf32, #tpu.memory_space<hbm>>
      tpu.enqueue_indirect_dma source(%dma_start3A_37 : memref<10000x128xf32, #tpu.memory_space<hbm>>) target(%arg8 : memref<80x128xf32, #tpu.memory_space<vmem>>) offsets(%arg6 : memref<80xi32, #tpu.memory_space<vmem>>) semaphore(%arg11 : memref<!tpu.dma_semaphore, #tpu.memory_space<semaphore_mem>>)
      %dma_wait3A = arith.constant 0 : i32
      %dma_wait3A_38 = arith.constant 0 : i32
      %dma_wait3A_39 = tpu.memref_slice %arg2[%dma_wait3A, %dma_wait3A_38] : memref<10000x128xf32, #tpu.memory_space<hbm>> -> memref<10000x128xf32, #tpu.memory_space<hbm>>
      tpu.wait_indirect_dma semaphore(%arg11 : memref<!tpu.dma_semaphore, #tpu.memory_space<semaphore_mem>>) src(%dma_wait3A_39 : memref<10000x128xf32, #tpu.memory_space<hbm>>) dst(%arg8 : memref<80x128xf32, #tpu.memory_space<vmem>>)
      "tpu.region"() ({
        %run_scoped3A = tpu.sem_alloc : memref<!tpu.dma_semaphore, #tpu.memory_space<semaphore_mem>>
        %dma_start3A_40 = arith.constant 0 : i32
        %dma_start3A_41 = arith.constant 0 : i32
        %dma_start3A_42 = tpu.memref_slice %arg10[%dma_start3A_40, %dma_start3A_41] : memref<10240x128xf32, #tpu.memory_space<vmem_shared>> -> memref<10240x128xf32, #tpu.memory_space<vmem_shared>>
        tpu.enqueue_indirect_dma source(%arg8 : memref<80x128xf32, #tpu.memory_space<vmem>>) target(%dma_start3A_42 : memref<10240x128xf32, #tpu.memory_space<vmem_shared>>) offsets(%arg7 : memref<80xi32, #tpu.memory_space<vmem>>) semaphore(%run_scoped3A : memref<!tpu.dma_semaphore, #tpu.memory_space<semaphore_mem>>) {add = true}
        %dma_wait3A_43 = arith.constant 0 : i32
        %dma_wait3A_44 = arith.constant 0 : i32
        %dma_wait3A_45 = tpu.memref_slice %arg10[%dma_wait3A_43, %dma_wait3A_44] : memref<10240x128xf32, #tpu.memory_space<vmem_shared>> -> memref<10240x128xf32, #tpu.memory_space<vmem_shared>>
        tpu.wait_indirect_dma semaphore(%run_scoped3A : memref<!tpu.dma_semaphore, #tpu.memory_space<semaphore_mem>>) src(%arg8 : memref<80x128xf32, #tpu.memory_space<vmem>>) dst(%dma_wait3A_45 : memref<10240x128xf32, #tpu.memory_space<vmem_shared>>)
        tpu.yield
      }) : () -> ()
    }
    %scan3A_21 = arith.constant 125 : i32
    %barrier3A_22 = arith.constant 0 : index
    tpu.barrier barrier_id(%barrier3A_22)
    %mul3A_23 = arith.constant 10240 : i32
    %mul3A_24 = arith.muli %arg0, %mul3A_23 : i32
    %add3A_25 = arith.addi %mul3A_24, %mul3A_2 : i32
    %scan3A_26 = arith.constant 0 : i32
    %scan3A_27 = arith.constant 0 : i32
    %scan3A_28 = arith.constant 8 : i32
    %scan3A_29 = arith.addi %scan3A_27, %scan3A_28 : i32
    %scan3A_30 = arith.constant 1 : i32
    scf.for %scan3A_32 = %scan3A_27 to %scan3A_29 step %scan3A_30  : i32 {
      %mul3A_33 = arith.constant 80 : i32
      %mul3A_34 = arith.muli %scan3A_32, %mul3A_33 : i32
      %add3A_35 = arith.addi %mul3A_2, %mul3A_34 : i32
      "tpu.region"() ({
        %run_scoped3A = tpu.sem_alloc : memref<!tpu.dma_semaphore, #tpu.memory_space<semaphore_mem>>
        %dma_start3A = arith.constant 0 : i32
        %dma_start3A_39 = tpu.memref_slice %arg10[%add3A_35, %dma_start3A] : memref<10240x128xf32, #tpu.memory_space<vmem_shared>> -> memref<80x128xf32, #tpu.memory_space<vmem_shared>>
        %dma_start3A_40 = arith.constant 0 : i32
        %dma_start3A_41 = tpu.memref_slice %arg10[%add3A_35, %dma_start3A_40] : memref<10240x128xf32, #tpu.memory_space<vmem_shared>> -> memref<80x128xf32, #tpu.memory_space<vmem_shared>>
        tpu.enqueue_dma source(%dma_start3A_41 : memref<80x128xf32, #tpu.memory_space<vmem_shared>>) target(%arg9 : memref<80x128xf32, #tpu.memory_space<vmem>>) target_semaphore(%run_scoped3A : memref<!tpu.dma_semaphore, #tpu.memory_space<semaphore_mem>>)
        %dma_wait3A = arith.constant 0 : i32
        %dma_wait3A_42 = tpu.memref_slice %arg10[%add3A_35, %dma_wait3A] : memref<10240x128xf32, #tpu.memory_space<vmem_shared>> -> memref<80x128xf32, #tpu.memory_space<vmem_shared>>
        %dma_wait3A_43 = arith.constant 0 : i32
        %dma_wait3A_44 = tpu.memref_slice %arg10[%add3A_35, %dma_wait3A_43] : memref<10240x128xf32, #tpu.memory_space<vmem_shared>> -> memref<80x128xf32, #tpu.memory_space<vmem_shared>>
        tpu.wait_dma2 semaphore(%run_scoped3A : memref<!tpu.dma_semaphore, #tpu.memory_space<semaphore_mem>>) src(%dma_wait3A_44 : memref<80x128xf32, #tpu.memory_space<vmem_shared>>) dst(%arg9 : memref<80x128xf32, #tpu.memory_space<vmem>>)
        tpu.yield
      }) : () -> ()
      %mul3A_36 = arith.constant 80 : i32
      %mul3A_37 = arith.muli %scan3A_32, %mul3A_36 : i32
      %add3A_38 = arith.addi %add3A_25, %mul3A_37 : i32
      "tpu.region"() ({
        %run_scoped3A = tpu.sem_alloc : memref<!tpu.dma_semaphore, #tpu.memory_space<semaphore_mem>>
        %dma_start3A = arith.constant 0 : i32
        %dma_start3A_39 = tpu.memref_slice %arg5[%add3A_38, %dma_start3A] : memref<20480x128xf32, #tpu.memory_space<hbm>> -> memref<80x128xf32, #tpu.memory_space<hbm>>
        %dma_start3A_40 = arith.constant 0 : i32
        %dma_start3A_41 = tpu.memref_slice %arg5[%add3A_38, %dma_start3A_40] : memref<20480x128xf32, #tpu.memory_space<hbm>> -> memref<80x128xf32, #tpu.memory_space<hbm>>
        tpu.enqueue_dma source(%arg9 : memref<80x128xf32, #tpu.memory_space<vmem>>) target(%dma_start3A_41 : memref<80x128xf32, #tpu.memory_space<hbm>>) target_semaphore(%run_scoped3A : memref<!tpu.dma_semaphore, #tpu.memory_space<semaphore_mem>>)
        %dma_wait3A = arith.constant 0 : i32
        %dma_wait3A_42 = tpu.memref_slice %arg5[%add3A_38, %dma_wait3A] : memref<20480x128xf32, #tpu.memory_space<hbm>> -> memref<80x128xf32, #tpu.memory_space<hbm>>
        %dma_wait3A_43 = arith.constant 0 : i32
        %dma_wait3A_44 = tpu.memref_slice %arg5[%add3A_38, %dma_wait3A_43] : memref<20480x128xf32, #tpu.memory_space<hbm>> -> memref<80x128xf32, #tpu.memory_space<hbm>>
        tpu.wait_dma2 semaphore(%run_scoped3A : memref<!tpu.dma_semaphore, #tpu.memory_space<semaphore_mem>>) src(%arg9 : memref<80x128xf32, #tpu.memory_space<vmem>>) dst(%dma_wait3A_44 : memref<80x128xf32, #tpu.memory_space<hbm>>)
        tpu.yield
      }) : () -> ()
    }
    %scan3A_31 = arith.constant 8 : i32
    return
  }
}

module attributes {stable_mosaic.version = 14 : i64} {
  func.func @body(%arg0: i32, %arg1: memref<1x400x128xf32, #tpu.memory_space<vmem>>, %arg2: memref<1x400x128xf32, #tpu.memory_space<vmem>>, %arg3: memref<400x128xf32, #tpu.memory_space<vmem>>, %arg4: memref<1x400x128xf32, #tpu.memory_space<vmem>>, %arg5: memref<1x400x128xf32, #tpu.memory_space<vmem>>, %arg6: memref<1x128xf32, #tpu.memory_space<vmem>>, %arg7: memref<128x128xf32, #tpu.memory_space<vmem>>, %arg8: memref<400x128xf32, #tpu.memory_space<vmem>>, %arg9: memref<400x128xf32, #tpu.memory_space<vmem>>) attributes {dimension_semantics = [#tpu.dimension_semantics<arbitrary>], iteration_bounds = array<i64: 25>, scalar_prefetch = 0 : i64, scratch_operands = 0 : i64, tpu.core_type = #tpu.core_type<tc>, window_params = [{transform_indices = @transform_0, window_bounds = array<i64: 1, 400, 128>}, {transform_indices = @transform_1, window_bounds = array<i64: 1, 400, 128>}, {transform_indices = @transform_2, window_bounds = array<i64: 400, 128>}, {transform_indices = @transform_3, window_bounds = array<i64: 1, 400, 128>}, {transform_indices = @transform_4, window_bounds = array<i64: 1, 400, 128>}, {pipeline_mode = #tpu.pipeline_mode<synchronous>, transform_indices = @transform_5, window_bounds = array<i64: 1, 128>}, {pipeline_mode = #tpu.pipeline_mode<synchronous>, transform_indices = @transform_6, window_bounds = array<i64: 128, 128>}, {transform_indices = @transform_7, window_bounds = array<i64: 400, 128>}, {transform_indices = @transform_8, window_bounds = array<i64: 400, 128>}]} {
    %get3A = arith.constant 0 : index
    %get3A_0 = arith.constant 0 : index
    %get3A_1 = arith.constant 0 : index
    %get3A_2 = vector.load %arg4[%get3A, %get3A_0, %get3A_1] : memref<1x400x128xf32, #tpu.memory_space<vmem>>, vector<1x400x1xf32>
    %get3A_3 = vector.shape_cast %get3A_2 : vector<1x400x1xf32> to vector<400x1xf32>
    %get3A_4 = arith.constant 0 : index
    %get3A_5 = arith.constant 0 : index
    %get3A_6 = arith.constant 0 : index
    %get3A_7 = vector.load %arg5[%get3A_4, %get3A_5, %get3A_6] : memref<1x400x128xf32, #tpu.memory_space<vmem>>, vector<1x400x1xf32>
    %get3A_8 = vector.shape_cast %get3A_7 : vector<1x400x1xf32> to vector<400x1xf32>
    %add3A = arith.addf %get3A_3, %get3A_8 : vector<400x1xf32>
    %add3A_9 = arith.constant 1.000000e+00 : f32
    %add3A_10 = vector.broadcast %add3A_9 : f32 to vector<400x1xf32>
    %add3A_11 = arith.addf %add3A, %add3A_10 : vector<400x1xf32>
    %rsqrt3A = math.rsqrt %add3A_11 : vector<400x1xf32>
    %get3A_12 = arith.constant 0 : index
    %get3A_13 = arith.constant 0 : index
    %get3A_14 = arith.constant 0 : index
    %get3A_15 = vector.load %arg1[%get3A_12, %get3A_13, %get3A_14] : memref<1x400x128xf32, #tpu.memory_space<vmem>>, vector<1x400x128xf32>
    %get3A_16 = vector.shape_cast %get3A_15 : vector<1x400x128xf32> to vector<400x128xf32>
    %get3A_17 = arith.constant 0 : index
    %get3A_18 = arith.constant 0 : index
    %get3A_19 = arith.constant 0 : index
    %get3A_20 = vector.load %arg2[%get3A_17, %get3A_18, %get3A_19] : memref<1x400x128xf32, #tpu.memory_space<vmem>>, vector<1x400x128xf32>
    %get3A_21 = vector.shape_cast %get3A_20 : vector<1x400x128xf32> to vector<400x128xf32>
    %add3A_22 = arith.addf %get3A_16, %get3A_21 : vector<400x128xf32>
    %get3A_23 = arith.constant 0 : index
    %get3A_24 = arith.constant 0 : index
    %get3A_25 = vector.load %arg3[%get3A_23, %get3A_24] : memref<400x128xf32, #tpu.memory_space<vmem>>, vector<400x128xf32>
    %add3A_26 = arith.addf %add3A_22, %get3A_25 : vector<400x128xf32>
    %mul3A = vector.broadcast %rsqrt3A : vector<400x1xf32> to vector<400x128xf32>
    %mul3A_27 = arith.mulf %mul3A, %add3A_26 : vector<400x128xf32>
    %get3A_28 = arith.constant 0 : index
    %get3A_29 = arith.constant 0 : index
    %get3A_30 = vector.load %arg6[%get3A_28, %get3A_29] : memref<1x128xf32, #tpu.memory_space<vmem>>, vector<1x128xf32>
    %add3A_31 = vector.broadcast %get3A_30 : vector<1x128xf32> to vector<400x128xf32>
    %add3A_32 = arith.addf %mul3A_27, %add3A_31 : vector<400x128xf32>
    %swap3A = arith.constant 0 : index
    %swap3A_33 = arith.constant 0 : index
    %swap3A_34 = vector.load %arg8[%swap3A, %swap3A_33] : memref<400x128xf32, #tpu.memory_space<vmem>>, vector<400x128xf32>
    tpu.vector_store %arg8[%swap3A, %swap3A_33], %add3A_32 {strides = array<i32>} : memref<400x128xf32, #tpu.memory_space<vmem>>, vector<400x128xf32>,
    %get3A_35 = arith.constant 0 : index
    %get3A_36 = arith.constant 0 : index
    %get3A_37 = vector.load %arg7[%get3A_35, %get3A_36] : memref<128x128xf32, #tpu.memory_space<vmem>>, vector<128x128xf32>
    %dot_general3A = arith.constant dense<0.000000e+00> : vector<400x128xf32>
    %dot_general3A_38 = tpu.matmul %add3A_32, %get3A_37, %dot_general3A {dimension_numbers = #tpu.dot_dimension_numbers<[1], [0], [0], [1], [0, 0, 1, 1], [], []>, transpose_lhs_hint = false} : vector<400x128xf32>, vector<128x128xf32>, vector<400x128xf32> -> vector<400x128xf32>
    %mul3A_39 = vector.broadcast %rsqrt3A : vector<400x1xf32> to vector<400x128xf32>
    %mul3A_40 = arith.mulf %dot_general3A_38, %mul3A_39 : vector<400x128xf32>
    %swap3A_41 = arith.constant 0 : index
    %swap3A_42 = arith.constant 0 : index
    %swap3A_43 = vector.load %arg9[%swap3A_41, %swap3A_42] : memref<400x128xf32, #tpu.memory_space<vmem>>, vector<400x128xf32>
    tpu.vector_store %arg9[%swap3A_41, %swap3A_42], %mul3A_40 {strides = array<i32>} : memref<400x128xf32, #tpu.memory_space<vmem>>, vector<400x128xf32>,
    return
  }
  func.func @transform_0(%arg0: i32) -> (i32, i32, i32) {
    %c0_i32 = arith.constant 0 : i32
    %c0_i32_0 = arith.constant 0 : i32
    %c0_i32_1 = arith.constant 0 : i32
    return %c0_i32, %arg0, %c0_i32_0 : i32, i32, i32
  }
  func.func @transform_1(%arg0: i32) -> (i32, i32, i32) {
    %c1_i32 = arith.constant 1 : i32
    %c0_i32 = arith.constant 0 : i32
    %c0_i32_0 = arith.constant 0 : i32
    return %c1_i32, %arg0, %c0_i32 : i32, i32, i32
  }
  func.func @transform_2(%arg0: i32) -> (i32, i32) {
    %c0_i32 = arith.constant 0 : i32
    %c0_i32_0 = arith.constant 0 : i32
    return %arg0, %c0_i32 : i32, i32
  }
  func.func @transform_3(%arg0: i32) -> (i32, i32, i32) {
    %c0_i32 = arith.constant 0 : i32
    %c0_i32_0 = arith.constant 0 : i32
    %c0_i32_1 = arith.constant 0 : i32
    return %c0_i32, %arg0, %c0_i32_0 : i32, i32, i32
  }
  func.func @transform_4(%arg0: i32) -> (i32, i32, i32) {
    %c1_i32 = arith.constant 1 : i32
    %c0_i32 = arith.constant 0 : i32
    %c0_i32_0 = arith.constant 0 : i32
    return %c1_i32, %arg0, %c0_i32 : i32, i32, i32
  }
  func.func @transform_5(%arg0: i32) -> (i32, i32) {
    %c0_i32 = arith.constant 0 : i32
    %c0_i32_0 = arith.constant 0 : i32
    %c0_i32_1 = arith.constant 0 : i32
    return %c0_i32, %c0_i32_0 : i32, i32
  }
  func.func @transform_6(%arg0: i32) -> (i32, i32) {
    %c0_i32 = arith.constant 0 : i32
    %c0_i32_0 = arith.constant 0 : i32
    %c0_i32_1 = arith.constant 0 : i32
    return %c0_i32, %c0_i32_0 : i32, i32
  }
  func.func @transform_7(%arg0: i32) -> (i32, i32) {
    %c0_i32 = arith.constant 0 : i32
    %c0_i32_0 = arith.constant 0 : i32
    return %arg0, %c0_i32 : i32, i32
  }
  func.func @transform_8(%arg0: i32) -> (i32, i32) {
    %c0_i32 = arith.constant 0 : i32
    %c0_i32_0 = arith.constant 0 : i32
    return %arg0, %c0_i32 : i32, i32
  }
}

module attributes {stable_mosaic.version = 14 : i64} {
  func.func @body(%arg0: i32, %arg1: memref<400x128xf32, #tpu.memory_space<vmem>>, %arg2: memref<128x128xf32, #tpu.memory_space<vmem>>, %arg3: memref<1x400x128xf32, #tpu.memory_space<vmem>>, %arg4: memref<1x400x128xf32, #tpu.memory_space<vmem>>, %arg5: memref<400x128xf32, #tpu.memory_space<vmem>>) attributes {dimension_semantics = [#tpu.dimension_semantics<arbitrary>], iteration_bounds = array<i64: 25>, scalar_prefetch = 0 : i64, scratch_operands = 0 : i64, tpu.core_type = #tpu.core_type<tc>, window_params = [{transform_indices = @transform_0, window_bounds = array<i64: 400, 128>}, {pipeline_mode = #tpu.pipeline_mode<synchronous>, transform_indices = @transform_1, window_bounds = array<i64: 128, 128>}, {transform_indices = @transform_2, window_bounds = array<i64: 1, 400, 128>}, {transform_indices = @transform_3, window_bounds = array<i64: 1, 400, 128>}, {transform_indices = @transform_4, window_bounds = array<i64: 400, 128>}]} {
    %get3A = arith.constant 0 : index
    %get3A_0 = arith.constant 0 : index
    %get3A_1 = arith.constant 0 : index
    %get3A_2 = vector.load %arg3[%get3A, %get3A_0, %get3A_1] : memref<1x400x128xf32, #tpu.memory_space<vmem>>, vector<1x400x1xf32>
    %get3A_3 = vector.shape_cast %get3A_2 : vector<1x400x1xf32> to vector<400x1xf32>
    %get3A_4 = arith.constant 0 : index
    %get3A_5 = arith.constant 0 : index
    %get3A_6 = arith.constant 0 : index
    %get3A_7 = vector.load %arg4[%get3A_4, %get3A_5, %get3A_6] : memref<1x400x128xf32, #tpu.memory_space<vmem>>, vector<1x400x1xf32>
    %get3A_8 = vector.shape_cast %get3A_7 : vector<1x400x1xf32> to vector<400x1xf32>
    %add3A = arith.addf %get3A_3, %get3A_8 : vector<400x1xf32>
    %add3A_9 = arith.constant 1.000000e+00 : f32
    %add3A_10 = vector.broadcast %add3A_9 : f32 to vector<400x1xf32>
    %add3A_11 = arith.addf %add3A, %add3A_10 : vector<400x1xf32>
    %rsqrt3A = math.rsqrt %add3A_11 : vector<400x1xf32>
    %get3A_12 = arith.constant 0 : index
    %get3A_13 = arith.constant 0 : index
    %get3A_14 = vector.load %arg1[%get3A_12, %get3A_13] : memref<400x128xf32, #tpu.memory_space<vmem>>, vector<400x128xf32>
    %get3A_15 = arith.constant 0 : index
    %get3A_16 = arith.constant 0 : index
    %get3A_17 = vector.load %arg2[%get3A_15, %get3A_16] : memref<128x128xf32, #tpu.memory_space<vmem>>, vector<128x128xf32>
    %dot_general3A = arith.constant dense<0.000000e+00> : vector<400x128xf32>
    %dot_general3A_18 = tpu.matmul %get3A_14, %get3A_17, %dot_general3A {dimension_numbers = #tpu.dot_dimension_numbers<[1], [0], [0], [1], [0, 0, 1, 1], [], []>, transpose_lhs_hint = false} : vector<400x128xf32>, vector<128x128xf32>, vector<400x128xf32> -> vector<400x128xf32>
    %mul3A = vector.broadcast %rsqrt3A : vector<400x1xf32> to vector<400x128xf32>
    %mul3A_19 = arith.mulf %dot_general3A_18, %mul3A : vector<400x128xf32>
    %swap3A = arith.constant 0 : index
    %swap3A_20 = arith.constant 0 : index
    %swap3A_21 = vector.load %arg5[%swap3A, %swap3A_20] : memref<400x128xf32, #tpu.memory_space<vmem>>, vector<400x128xf32>
    tpu.vector_store %arg5[%swap3A, %swap3A_20], %mul3A_19 {strides = array<i32>} : memref<400x128xf32, #tpu.memory_space<vmem>>, vector<400x128xf32>,
    return
  }
  func.func @transform_0(%arg0: i32) -> (i32, i32) {
    %c0_i32 = arith.constant 0 : i32
    %c0_i32_0 = arith.constant 0 : i32
    return %arg0, %c0_i32 : i32, i32
  }
  func.func @transform_1(%arg0: i32) -> (i32, i32) {
    %c0_i32 = arith.constant 0 : i32
    %c0_i32_0 = arith.constant 0 : i32
    %c0_i32_1 = arith.constant 0 : i32
    return %c0_i32, %c0_i32_0 : i32, i32
  }
  func.func @transform_2(%arg0: i32) -> (i32, i32, i32) {
    %c0_i32 = arith.constant 0 : i32
    %c0_i32_0 = arith.constant 0 : i32
    %c0_i32_1 = arith.constant 0 : i32
    return %c0_i32, %arg0, %c0_i32_0 : i32, i32, i32
  }
  func.func @transform_3(%arg0: i32) -> (i32, i32, i32) {
    %c1_i32 = arith.constant 1 : i32
    %c0_i32 = arith.constant 0 : i32
    %c0_i32_0 = arith.constant 0 : i32
    return %c1_i32, %arg0, %c0_i32 : i32, i32, i32
  }
  func.func @transform_4(%arg0: i32) -> (i32, i32) {
    %c0_i32 = arith.constant 0 : i32
    %c0_i32_0 = arith.constant 0 : i32
    return %arg0, %c0_i32 : i32, i32
  }
}

module attributes {stable_mosaic.version = 14 : i64} {
  func.func @body(%arg0: i32, %arg1: memref<1x400x128xf32, #tpu.memory_space<vmem>>, %arg2: memref<1x400x128xf32, #tpu.memory_space<vmem>>, %arg3: memref<400x128xf32, #tpu.memory_space<vmem>>, %arg4: memref<1x400x128xf32, #tpu.memory_space<vmem>>, %arg5: memref<1x400x128xf32, #tpu.memory_space<vmem>>, %arg6: memref<1x128xf32, #tpu.memory_space<vmem>>, %arg7: memref<400x128xf32, #tpu.memory_space<vmem>>, %arg8: memref<400x128xf32, #tpu.memory_space<vmem>>, %arg9: memref<1x1x400xi32, #tpu.memory_space<vmem>>, %arg10: memref<384x512xf32, #tpu.memory_space<vmem>>, %arg11: memref<1x512xf32, #tpu.memory_space<vmem>>, %arg12: memref<512x256xf32, #tpu.memory_space<vmem>>, %arg13: memref<1x256xf32, #tpu.memory_space<vmem>>, %arg14: memref<256x256xf32, #tpu.memory_space<vmem>>, %arg15: memref<1x256xf32, #tpu.memory_space<vmem>>, %arg16: memref<16x256xf32, #tpu.memory_space<vmem>>, %arg17: memref<16x128xf32, #tpu.memory_space<vmem>>, %arg18: memref<16x128xf32, #tpu.memory_space<vmem>>, %arg19: memref<16x128xf32, #tpu.memory_space<vmem>>, %arg20: memref<16x128xf32, #tpu.memory_space<vmem>>) attributes {dimension_semantics = [#tpu.dimension_semantics<arbitrary>], iteration_bounds = array<i64: 25>, scalar_prefetch = 0 : i64, scratch_operands = 4 : i64, tpu.core_type = #tpu.core_type<tc>, window_params = [{transform_indices = @transform_0, window_bounds = array<i64: 1, 400, 128>}, {transform_indices = @transform_1, window_bounds = array<i64: 1, 400, 128>}, {transform_indices = @transform_2, window_bounds = array<i64: 400, 128>}, {transform_indices = @transform_3, window_bounds = array<i64: 1, 400, 128>}, {transform_indices = @transform_4, window_bounds = array<i64: 1, 400, 128>}, {pipeline_mode = #tpu.pipeline_mode<synchronous>, transform_indices = @transform_5, window_bounds = array<i64: 1, 128>}, {transform_indices = @transform_6, window_bounds = array<i64: 400, 128>}, {transform_indices = @transform_7, window_bounds = array<i64: 400, 128>}, {transform_indices = @transform_8, window_bounds = array<i64: 1, 1, 400>}, {pipeline_mode = #tpu.pipeline_mode<synchronous>, transform_indices = @transform_9, window_bounds = array<i64: 384, 512>}, {pipeline_mode = #tpu.pipeline_mode<synchronous>, transform_indices = @transform_10, window_bounds = array<i64: 1, 512>}, {pipeline_mode = #tpu.pipeline_mode<synchronous>, transform_indices = @transform_11, window_bounds = array<i64: 512, 256>}, {pipeline_mode = #tpu.pipeline_mode<synchronous>, transform_indices = @transform_12, window_bounds = array<i64: 1, 256>}, {pipeline_mode = #tpu.pipeline_mode<synchronous>, transform_indices = @transform_13, window_bounds = array<i64: 256, 256>}, {pipeline_mode = #tpu.pipeline_mode<synchronous>, transform_indices = @transform_14, window_bounds = array<i64: 1, 256>}, {pipeline_mode = #tpu.pipeline_mode<synchronous>, transform_indices = @transform_15, window_bounds = array<i64: 16, 256>}]} {
    %get3A = arith.constant 0 : index
    %get3A_0 = arith.constant 0 : index
    %get3A_1 = arith.constant 0 : index
    %get3A_2 = vector.load %arg4[%get3A, %get3A_0, %get3A_1] : memref<1x400x128xf32, #tpu.memory_space<vmem>>, vector<1x400x1xf32>
    %get3A_3 = vector.shape_cast %get3A_2 : vector<1x400x1xf32> to vector<400x1xf32>
    %get3A_4 = arith.constant 0 : index
    %get3A_5 = arith.constant 0 : index
    %get3A_6 = arith.constant 0 : index
    %get3A_7 = vector.load %arg5[%get3A_4, %get3A_5, %get3A_6] : memref<1x400x128xf32, #tpu.memory_space<vmem>>, vector<1x400x1xf32>
    %get3A_8 = vector.shape_cast %get3A_7 : vector<1x400x1xf32> to vector<400x1xf32>
    %add3A = arith.addf %get3A_3, %get3A_8 : vector<400x1xf32>
    %add3A_9 = arith.constant 1.000000e+00 : f32
    %add3A_10 = vector.broadcast %add3A_9 : f32 to vector<400x1xf32>
    %add3A_11 = arith.addf %add3A, %add3A_10 : vector<400x1xf32>
    %rsqrt3A = math.rsqrt %add3A_11 : vector<400x1xf32>
    %get3A_12 = arith.constant 0 : index
    %get3A_13 = arith.constant 0 : index
    %get3A_14 = arith.constant 0 : index
    %get3A_15 = vector.load %arg1[%get3A_12, %get3A_13, %get3A_14] : memref<1x400x128xf32, #tpu.memory_space<vmem>>, vector<1x400x128xf32>
    %get3A_16 = vector.shape_cast %get3A_15 : vector<1x400x128xf32> to vector<400x128xf32>
    %get3A_17 = arith.constant 0 : index
    %get3A_18 = arith.constant 0 : index
    %get3A_19 = arith.constant 0 : index
    %get3A_20 = vector.load %arg2[%get3A_17, %get3A_18, %get3A_19] : memref<1x400x128xf32, #tpu.memory_space<vmem>>, vector<1x400x128xf32>
    %get3A_21 = vector.shape_cast %get3A_20 : vector<1x400x128xf32> to vector<400x128xf32>
    %add3A_22 = arith.addf %get3A_16, %get3A_21 : vector<400x128xf32>
    %get3A_23 = arith.constant 0 : index
    %get3A_24 = arith.constant 0 : index
    %get3A_25 = vector.load %arg3[%get3A_23, %get3A_24] : memref<400x128xf32, #tpu.memory_space<vmem>>, vector<400x128xf32>
    %add3A_26 = arith.addf %add3A_22, %get3A_25 : vector<400x128xf32>
    %mul3A = vector.broadcast %rsqrt3A : vector<400x1xf32> to vector<400x128xf32>
    %mul3A_27 = arith.mulf %mul3A, %add3A_26 : vector<400x128xf32>
    %get3A_28 = arith.constant 0 : index
    %get3A_29 = arith.constant 0 : index
    %get3A_30 = vector.load %arg6[%get3A_28, %get3A_29] : memref<1x128xf32, #tpu.memory_space<vmem>>, vector<1x128xf32>
    %add3A_31 = vector.broadcast %get3A_30 : vector<1x128xf32> to vector<400x128xf32>
    %add3A_32 = arith.addf %mul3A_27, %add3A_31 : vector<400x128xf32>
    %iota3A = tpu.iota {dimensions = array<i32: 0>} : vector<16x400xi32>
    %get3A_33 = arith.constant 0 : index
    %get3A_34 = arith.constant 0 : index
    %get3A_35 = arith.constant 0 : index
    %get3A_36 = vector.load %arg9[%get3A_33, %get3A_34, %get3A_35] : memref<1x1x400xi32, #tpu.memory_space<vmem>>, vector<1x1x400xi32>
    %get3A_37 = vector.shape_cast %get3A_36 : vector<1x1x400xi32> to vector<1x400xi32>
    %eq3A = vector.broadcast %get3A_37 : vector<1x400xi32> to vector<16x400xi32>
    %eq3A_38 = arith.cmpi eq, %iota3A, %eq3A : vector<16x400xi32>
    %convert_element_type3A = arith.extui %eq3A_38 : vector<16x400xi1> to vector<16x400xi32>
    %convert_element_type3A_39 = arith.sitofp %convert_element_type3A : vector<16x400xi32> to vector<16x400xf32>
    %eq3A_40 = arith.constant 0 : i32
    %eq3A_41 = arith.cmpi eq, %arg0, %eq3A_40 : i32
    %convert_element_type3A_42 = arith.extui %eq3A_41 : i1 to i32
    %cond3A = arith.constant 0 : i32
    %cond3A_43 = arith.cmpi ne, %convert_element_type3A_42, %cond3A : i32
    scf.if %cond3A_43 {
      %broadcast_in_dim3A_89 = arith.constant 0.000000e+00 : f32
      %broadcast_in_dim3A_90 = vector.broadcast %broadcast_in_dim3A_89 : f32 to vector<16x128xf32>
      %swap3A_91 = arith.constant 0 : index
      %swap3A_92 = arith.constant 0 : index
      %swap3A_93 = vector.load %arg17[%swap3A_91, %swap3A_92] : memref<16x128xf32, #tpu.memory_space<vmem>>, vector<16x128xf32>
      tpu.vector_store %arg17[%swap3A_91, %swap3A_92], %broadcast_in_dim3A_90 {strides = array<i32>} : memref<16x128xf32, #tpu.memory_space<vmem>>, vector<16x128xf32>,
      %broadcast_in_dim3A_94 = arith.constant 0.000000e+00 : f32
      %broadcast_in_dim3A_95 = vector.broadcast %broadcast_in_dim3A_94 : f32 to vector<16x128xf32>
      %swap3A_96 = arith.constant 0 : index
      %swap3A_97 = arith.constant 0 : index
      %swap3A_98 = vector.load %arg18[%swap3A_96, %swap3A_97] : memref<16x128xf32, #tpu.memory_space<vmem>>, vector<16x128xf32>
      tpu.vector_store %arg18[%swap3A_96, %swap3A_97], %broadcast_in_dim3A_95 {strides = array<i32>} : memref<16x128xf32, #tpu.memory_space<vmem>>, vector<16x128xf32>,
      %broadcast_in_dim3A_99 = arith.constant 0.000000e+00 : f32
      %broadcast_in_dim3A_100 = vector.broadcast %broadcast_in_dim3A_99 : f32 to vector<16x128xf32>
      %swap3A_101 = arith.constant 0 : index
      %swap3A_102 = arith.constant 0 : index
      %swap3A_103 = vector.load %arg19[%swap3A_101, %swap3A_102] : memref<16x128xf32, #tpu.memory_space<vmem>>, vector<16x128xf32>
      tpu.vector_store %arg19[%swap3A_101, %swap3A_102], %broadcast_in_dim3A_100 {strides = array<i32>} : memref<16x128xf32, #tpu.memory_space<vmem>>, vector<16x128xf32>,
      %broadcast_in_dim3A_104 = arith.constant 0.000000e+00 : f32
      %broadcast_in_dim3A_105 = vector.broadcast %broadcast_in_dim3A_104 : f32 to vector<16x128xf32>
      %swap3A_106 = arith.constant 0 : index
      %swap3A_107 = arith.constant 0 : index
      %swap3A_108 = vector.load %arg20[%swap3A_106, %swap3A_107] : memref<16x128xf32, #tpu.memory_space<vmem>>, vector<16x128xf32>
      tpu.vector_store %arg20[%swap3A_106, %swap3A_107], %broadcast_in_dim3A_105 {strides = array<i32>} : memref<16x128xf32, #tpu.memory_space<vmem>>, vector<16x128xf32>,
    } else {
    }
    %get3A_44 = arith.constant 0 : index
    %get3A_45 = arith.constant 0 : index
    %get3A_46 = vector.load %arg17[%get3A_44, %get3A_45] : memref<16x128xf32, #tpu.memory_space<vmem>>, vector<16x128xf32>
    %get3A_47 = arith.constant 0 : index
    %get3A_48 = arith.constant 0 : index
    %get3A_49 = vector.load %arg7[%get3A_47, %get3A_48] : memref<400x128xf32, #tpu.memory_space<vmem>>, vector<400x128xf32>
    %dot_general3A = arith.constant dense<0.000000e+00> : vector<16x128xf32>
    %dot_general3A_50 = tpu.matmul %convert_element_type3A_39, %get3A_49, %dot_general3A {dimension_numbers = #tpu.dot_dimension_numbers<[1], [0], [0], [1], [0, 0, 1, 1], [], []>, transpose_lhs_hint = false} : vector<16x400xf32>, vector<400x128xf32>, vector<16x128xf32> -> vector<16x128xf32>
    %add3A_51 = arith.addf %get3A_46, %dot_general3A_50 : vector<16x128xf32>
    %swap3A = arith.constant 0 : index
    %swap3A_52 = arith.constant 0 : index
    %swap3A_53 = vector.load %arg17[%swap3A, %swap3A_52] : memref<16x128xf32, #tpu.memory_space<vmem>>, vector<16x128xf32>
    tpu.vector_store %arg17[%swap3A, %swap3A_52], %add3A_51 {strides = array<i32>} : memref<16x128xf32, #tpu.memory_space<vmem>>, vector<16x128xf32>,
    %get3A_54 = arith.constant 0 : index
    %get3A_55 = arith.constant 0 : index
    %get3A_56 = vector.load %arg18[%get3A_54, %get3A_55] : memref<16x128xf32, #tpu.memory_space<vmem>>, vector<16x128xf32>
    %get3A_57 = arith.constant 0 : index
    %get3A_58 = arith.constant 0 : index
    %get3A_59 = vector.load %arg8[%get3A_57, %get3A_58] : memref<400x128xf32, #tpu.memory_space<vmem>>, vector<400x128xf32>
    %dot_general3A_60 = arith.constant dense<0.000000e+00> : vector<16x128xf32>
    %dot_general3A_61 = tpu.matmul %convert_element_type3A_39, %get3A_59, %dot_general3A_60 {dimension_numbers = #tpu.dot_dimension_numbers<[1], [0], [0], [1], [0, 0, 1, 1], [], []>, transpose_lhs_hint = false} : vector<16x400xf32>, vector<400x128xf32>, vector<16x128xf32> -> vector<16x128xf32>
    %add3A_62 = arith.addf %get3A_56, %dot_general3A_61 : vector<16x128xf32>
    %swap3A_63 = arith.constant 0 : index
    %swap3A_64 = arith.constant 0 : index
    %swap3A_65 = vector.load %arg18[%swap3A_63, %swap3A_64] : memref<16x128xf32, #tpu.memory_space<vmem>>, vector<16x128xf32>
    tpu.vector_store %arg18[%swap3A_63, %swap3A_64], %add3A_62 {strides = array<i32>} : memref<16x128xf32, #tpu.memory_space<vmem>>, vector<16x128xf32>,
    %get3A_66 = arith.constant 0 : index
    %get3A_67 = arith.constant 0 : index
    %get3A_68 = vector.load %arg19[%get3A_66, %get3A_67] : memref<16x128xf32, #tpu.memory_space<vmem>>, vector<16x128xf32>
    %dot_general3A_69 = arith.constant dense<0.000000e+00> : vector<16x128xf32>
    %dot_general3A_70 = tpu.matmul %convert_element_type3A_39, %add3A_32, %dot_general3A_69 {dimension_numbers = #tpu.dot_dimension_numbers<[1], [0], [0], [1], [0, 0, 1, 1], [], []>, transpose_lhs_hint = false} : vector<16x400xf32>, vector<400x128xf32>, vector<16x128xf32> -> vector<16x128xf32>
    %add3A_71 = arith.addf %get3A_68, %dot_general3A_70 : vector<16x128xf32>
    %swap3A_72 = arith.constant 0 : index
    %swap3A_73 = arith.constant 0 : index
    %swap3A_74 = vector.load %arg19[%swap3A_72, %swap3A_73] : memref<16x128xf32, #tpu.memory_space<vmem>>, vector<16x128xf32>
    tpu.vector_store %arg19[%swap3A_72, %swap3A_73], %add3A_71 {strides = array<i32>} : memref<16x128xf32, #tpu.memory_space<vmem>>, vector<16x128xf32>,
    %get3A_75 = arith.constant 0 : index
    %get3A_76 = arith.constant 0 : index
    %get3A_77 = vector.load %arg20[%get3A_75, %get3A_76] : memref<16x128xf32, #tpu.memory_space<vmem>>, vector<16x128xf32>
    %reduce_sum3A = arith.constant dense<0.000000e+00> : vector<16xf32>
    %reduce_sum3A_78 = vector.multi_reduction <add>, %convert_element_type3A_39, %reduce_sum3A [1] : vector<16x400xf32> to vector<16xf32>
    %broadcast_in_dim3A = vector.shape_cast %reduce_sum3A_78 : vector<16xf32> to vector<16x1xf32>
    %add3A_79 = vector.broadcast %broadcast_in_dim3A : vector<16x1xf32> to vector<16x128xf32>
    %add3A_80 = arith.addf %get3A_77, %add3A_79 : vector<16x128xf32>
    %swap3A_81 = arith.constant 0 : index
    %swap3A_82 = arith.constant 0 : index
    %swap3A_83 = vector.load %arg20[%swap3A_81, %swap3A_82] : memref<16x128xf32, #tpu.memory_space<vmem>>, vector<16x128xf32>
    tpu.vector_store %arg20[%swap3A_81, %swap3A_82], %add3A_80 {strides = array<i32>} : memref<16x128xf32, #tpu.memory_space<vmem>>, vector<16x128xf32>,
    %eq3A_84 = arith.constant 24 : i32
    %eq3A_85 = arith.cmpi eq, %arg0, %eq3A_84 : i32
    %convert_element_type3A_86 = arith.extui %eq3A_85 : i1 to i32
    %cond3A_87 = arith.constant 0 : i32
    %cond3A_88 = arith.cmpi ne, %convert_element_type3A_86, %cond3A_87 : i32
    scf.if %cond3A_88 {
      %get3A_89 = arith.constant 0 : index
      %get3A_90 = arith.constant 0 : index
      %get3A_91 = vector.load %arg20[%get3A_89, %get3A_90] : memref<16x128xf32, #tpu.memory_space<vmem>>, vector<16x1xf32>
      %max3A = arith.constant 1.000000e+00 : f32
      %max3A_92 = vector.broadcast %max3A : f32 to vector<16x1xf32>
      %max3A_93 = arith.maximumf %get3A_91, %max3A_92 : vector<16x1xf32>
      %div3A = arith.constant 1.000000e+00 : f32
      %div3A_94 = vector.broadcast %div3A : f32 to vector<16x1xf32>
      %div3A_95 = arith.divf %div3A_94, %max3A_93 : vector<16x1xf32>
      %get3A_96 = arith.constant 0 : index
      %get3A_97 = arith.constant 0 : index
      %get3A_98 = vector.load %arg17[%get3A_96, %get3A_97] : memref<16x128xf32, #tpu.memory_space<vmem>>, vector<16x128xf32>
      %mul3A_99 = vector.broadcast %div3A_95 : vector<16x1xf32> to vector<16x128xf32>
      %mul3A_100 = arith.mulf %get3A_98, %mul3A_99 : vector<16x128xf32>
      %get3A_101 = arith.constant 0 : index
      %get3A_102 = arith.constant 0 : index
      %get3A_103 = vector.load %arg18[%get3A_101, %get3A_102] : memref<16x128xf32, #tpu.memory_space<vmem>>, vector<16x128xf32>
      %mul3A_104 = vector.broadcast %div3A_95 : vector<16x1xf32> to vector<16x128xf32>
      %mul3A_105 = arith.mulf %get3A_103, %mul3A_104 : vector<16x128xf32>
      %get3A_106 = arith.constant 0 : index
      %get3A_107 = arith.constant 0 : index
      %get3A_108 = vector.load %arg19[%get3A_106, %get3A_107] : memref<16x128xf32, #tpu.memory_space<vmem>>, vector<16x128xf32>
      %mul3A_109 = vector.broadcast %div3A_95 : vector<16x1xf32> to vector<16x128xf32>
      %mul3A_110 = arith.mulf %get3A_108, %mul3A_109 : vector<16x128xf32>
      %get3A_111 = arith.constant 0 : index
      %get3A_112 = arith.constant 0 : index
      %get3A_113 = vector.load %arg10[%get3A_111, %get3A_112] : memref<384x512xf32, #tpu.memory_space<vmem>>, vector<128x512xf32>
      %dot_general3A_114 = arith.constant dense<0.000000e+00> : vector<16x512xf32>
      %dot_general3A_115 = tpu.matmul %mul3A_100, %get3A_113, %dot_general3A_114 {dimension_numbers = #tpu.dot_dimension_numbers<[1], [0], [0], [1], [0, 0, 1, 1], [], []>, transpose_lhs_hint = false} : vector<16x128xf32>, vector<128x512xf32>, vector<16x512xf32> -> vector<16x512xf32>
      %get3A_116 = arith.constant 128 : index
      %get3A_117 = arith.constant 0 : index
      %get3A_118 = vector.load %arg10[%get3A_116, %get3A_117] : memref<384x512xf32, #tpu.memory_space<vmem>>, vector<128x512xf32>
      %dot_general3A_119 = arith.constant dense<0.000000e+00> : vector<16x512xf32>
      %dot_general3A_120 = tpu.matmul %mul3A_105, %get3A_118, %dot_general3A_119 {dimension_numbers = #tpu.dot_dimension_numbers<[1], [0], [0], [1], [0, 0, 1, 1], [], []>, transpose_lhs_hint = false} : vector<16x128xf32>, vector<128x512xf32>, vector<16x512xf32> -> vector<16x512xf32>
      %add3A_121 = arith.addf %dot_general3A_115, %dot_general3A_120 : vector<16x512xf32>
      %get3A_122 = arith.constant 256 : index
      %get3A_123 = arith.constant 0 : index
      %get3A_124 = vector.load %arg10[%get3A_122, %get3A_123] : memref<384x512xf32, #tpu.memory_space<vmem>>, vector<128x512xf32>
      %dot_general3A_125 = arith.constant dense<0.000000e+00> : vector<16x512xf32>
      %dot_general3A_126 = tpu.matmul %mul3A_110, %get3A_124, %dot_general3A_125 {dimension_numbers = #tpu.dot_dimension_numbers<[1], [0], [0], [1], [0, 0, 1, 1], [], []>, transpose_lhs_hint = false} : vector<16x128xf32>, vector<128x512xf32>, vector<16x512xf32> -> vector<16x512xf32>
      %add3A_127 = arith.addf %add3A_121, %dot_general3A_126 : vector<16x512xf32>
      %get3A_128 = arith.constant 0 : index
      %get3A_129 = arith.constant 0 : index
      %get3A_130 = vector.load %arg11[%get3A_128, %get3A_129] : memref<1x512xf32, #tpu.memory_space<vmem>>, vector<1x512xf32>
      %add3A_131 = vector.broadcast %get3A_130 : vector<1x512xf32> to vector<16x512xf32>
      %add3A_132 = arith.addf %add3A_127, %add3A_131 : vector<16x512xf32>
      %max3A_133 = arith.constant 0.000000e+00 : f32
      %max3A_134 = vector.broadcast %max3A_133 : f32 to vector<16x512xf32>
      %max3A_135 = arith.maximumf %add3A_132, %max3A_134 : vector<16x512xf32>
      %get3A_136 = arith.constant 0 : index
      %get3A_137 = arith.constant 0 : index
      %get3A_138 = vector.load %arg12[%get3A_136, %get3A_137] : memref<512x256xf32, #tpu.memory_space<vmem>>, vector<512x256xf32>
      %dot_general3A_139 = arith.constant dense<0.000000e+00> : vector<16x256xf32>
      %dot_general3A_140 = tpu.matmul %max3A_135, %get3A_138, %dot_general3A_139 {dimension_numbers = #tpu.dot_dimension_numbers<[1], [0], [0], [1], [0, 0, 1, 1], [], []>, transpose_lhs_hint = false} : vector<16x512xf32>, vector<512x256xf32>, vector<16x256xf32> -> vector<16x256xf32>
      %get3A_141 = arith.constant 0 : index
      %get3A_142 = arith.constant 0 : index
      %get3A_143 = vector.load %arg13[%get3A_141, %get3A_142] : memref<1x256xf32, #tpu.memory_space<vmem>>, vector<1x256xf32>
      %add3A_144 = vector.broadcast %get3A_143 : vector<1x256xf32> to vector<16x256xf32>
      %add3A_145 = arith.addf %dot_general3A_140, %add3A_144 : vector<16x256xf32>
      %max3A_146 = arith.constant 0.000000e+00 : f32
      %max3A_147 = vector.broadcast %max3A_146 : f32 to vector<16x256xf32>
      %max3A_148 = arith.maximumf %add3A_145, %max3A_147 : vector<16x256xf32>
      %get3A_149 = arith.constant 0 : index
      %get3A_150 = arith.constant 0 : index
      %get3A_151 = vector.load %arg14[%get3A_149, %get3A_150] : memref<256x256xf32, #tpu.memory_space<vmem>>, vector<256x256xf32>
      %dot_general3A_152 = arith.constant dense<0.000000e+00> : vector<16x256xf32>
      %dot_general3A_153 = tpu.matmul %max3A_148, %get3A_151, %dot_general3A_152 {dimension_numbers = #tpu.dot_dimension_numbers<[1], [0], [0], [1], [0, 0, 1, 1], [], []>, transpose_lhs_hint = false} : vector<16x256xf32>, vector<256x256xf32>, vector<16x256xf32> -> vector<16x256xf32>
      %get3A_154 = arith.constant 0 : index
      %get3A_155 = arith.constant 0 : index
      %get3A_156 = vector.load %arg15[%get3A_154, %get3A_155] : memref<1x256xf32, #tpu.memory_space<vmem>>, vector<1x256xf32>
      %add3A_157 = vector.broadcast %get3A_156 : vector<1x256xf32> to vector<16x256xf32>
      %add3A_158 = arith.addf %dot_general3A_153, %add3A_157 : vector<16x256xf32>
      %swap3A_159 = arith.constant 0 : index
      %swap3A_160 = arith.constant 0 : index
      %swap3A_161 = vector.load %arg16[%swap3A_159, %swap3A_160] : memref<16x256xf32, #tpu.memory_space<vmem>>, vector<16x256xf32>
      tpu.vector_store %arg16[%swap3A_159, %swap3A_160], %add3A_158 {strides = array<i32>} : memref<16x256xf32, #tpu.memory_space<vmem>>, vector<16x256xf32>,
    } else {
    }
    return
  }
  func.func @transform_0(%arg0: i32) -> (i32, i32, i32) {
    %c0_i32 = arith.constant 0 : i32
    %c0_i32_0 = arith.constant 0 : i32
    %c0_i32_1 = arith.constant 0 : i32
    return %c0_i32, %arg0, %c0_i32_0 : i32, i32, i32
  }
  func.func @transform_1(%arg0: i32) -> (i32, i32, i32) {
    %c1_i32 = arith.constant 1 : i32
    %c0_i32 = arith.constant 0 : i32
    %c0_i32_0 = arith.constant 0 : i32
    return %c1_i32, %arg0, %c0_i32 : i32, i32, i32
  }
  func.func @transform_2(%arg0: i32) -> (i32, i32) {
    %c0_i32 = arith.constant 0 : i32
    %c0_i32_0 = arith.constant 0 : i32
    return %arg0, %c0_i32 : i32, i32
  }
  func.func @transform_3(%arg0: i32) -> (i32, i32, i32) {
    %c0_i32 = arith.constant 0 : i32
    %c0_i32_0 = arith.constant 0 : i32
    %c0_i32_1 = arith.constant 0 : i32
    return %c0_i32, %arg0, %c0_i32_0 : i32, i32, i32
  }
  func.func @transform_4(%arg0: i32) -> (i32, i32, i32) {
    %c1_i32 = arith.constant 1 : i32
    %c0_i32 = arith.constant 0 : i32
    %c0_i32_0 = arith.constant 0 : i32
    return %c1_i32, %arg0, %c0_i32 : i32, i32, i32
  }
  func.func @transform_5(%arg0: i32) -> (i32, i32) {
    %c0_i32 = arith.constant 0 : i32
    %c0_i32_0 = arith.constant 0 : i32
    %c0_i32_1 = arith.constant 0 : i32
    return %c0_i32, %c0_i32_0 : i32, i32
  }
  func.func @transform_6(%arg0: i32) -> (i32, i32) {
    %c0_i32 = arith.constant 0 : i32
    %c0_i32_0 = arith.constant 0 : i32
    return %arg0, %c0_i32 : i32, i32
  }
  func.func @transform_7(%arg0: i32) -> (i32, i32) {
    %c0_i32 = arith.constant 0 : i32
    %c0_i32_0 = arith.constant 0 : i32
    return %arg0, %c0_i32 : i32, i32
  }
  func.func @transform_8(%arg0: i32) -> (i32, i32, i32) {
    %c0_i32 = arith.constant 0 : i32
    %c0_i32_0 = arith.constant 0 : i32
    %c0_i32_1 = arith.constant 0 : i32
    return %arg0, %c0_i32, %c0_i32_0 : i32, i32, i32
  }
  func.func @transform_9(%arg0: i32) -> (i32, i32) {
    %c0_i32 = arith.constant 0 : i32
    %c0_i32_0 = arith.constant 0 : i32
    %c0_i32_1 = arith.constant 0 : i32
    return %c0_i32, %c0_i32_0 : i32, i32
  }
  func.func @transform_10(%arg0: i32) -> (i32, i32) {
    %c0_i32 = arith.constant 0 : i32
    %c0_i32_0 = arith.constant 0 : i32
    %c0_i32_1 = arith.constant 0 : i32
    return %c0_i32, %c0_i32_0 : i32, i32
  }
  func.func @transform_11(%arg0: i32) -> (i32, i32) {
    %c0_i32 = arith.constant 0 : i32
    %c0_i32_0 = arith.constant 0 : i32
    %c0_i32_1 = arith.constant 0 : i32
    return %c0_i32, %c0_i32_0 : i32, i32
  }
  func.func @transform_12(%arg0: i32) -> (i32, i32) {
    %c0_i32 = arith.constant 0 : i32
    %c0_i32_0 = arith.constant 0 : i32
    %c0_i32_1 = arith.constant 0 : i32
    return %c0_i32, %c0_i32_0 : i32, i32
  }
  func.func @transform_13(%arg0: i32) -> (i32, i32) {
    %c0_i32 = arith.constant 0 : i32
    %c0_i32_0 = arith.constant 0 : i32
    %c0_i32_1 = arith.constant 0 : i32
    return %c0_i32, %c0_i32_0 : i32, i32
  }
  func.func @transform_14(%arg0: i32) -> (i32, i32) {
    %c0_i32 = arith.constant 0 : i32
    %c0_i32_0 = arith.constant 0 : i32
    %c0_i32_1 = arith.constant 0 : i32
    return %c0_i32, %c0_i32_0 : i32, i32
  }
  func.func @transform_15(%arg0: i32) -> (i32, i32) {
    %c0_i32 = arith.constant 0 : i32
    %c0_i32_0 = arith.constant 0 : i32
    %c0_i32_1 = arith.constant 0 : i32
    return %c0_i32, %c0_i32_0 : i32, i32
  }
}

</mosaic_0001>

<sc_bundles>
// kernel: kernel.10.cloned.1.call-start
scs
__scs_entry_jumppad:
0x0: {  	(pc) =	sbr.rel $0x88, $3  }
0x1: {  	(tag) =	ssettag $0x0;
	lr =	simm.s32 $0x1  }
0x2: {  	[smem:$0x3F92] =	sst lr;
	_ =	strace $0xD0000000  }
0x3: {  	_ = 	snop  }
0x4: {  	_ = 	snop  }
0x5: {  	_ = 	snop  }
0x6: {  	_ = 	snop  }
0x7: {  	_ = 	snop  }
__scs_overlays_trampoline_lowered:
0x8: {  	[smem:$0x3FA1] =	sst s0  }
0x9: {  	[smem:$0x3FA2] =	sst s1  }
0xa: {  	[smem:$0x3FA3] =	sst s2  }
0xb: {  	[smem:$0x3FA4] =	sst s3  }
0xc: {  	[smem:$0x3FA5] =	sst s4  }
0xd: {  	[smem:$0x3FA6] =	sst s5  }
0xe: {  	[smem:$0x3FA7] =	sst s6  }
0xf: {  	[smem:$0x3FA8] =	sst s7  }
0x10: {  	[smem:$0x3FA9] =	sst s8  }
0x11: {  	[smem:$0x3FAA] =	sst s9;
	s0 =	simm.s32 @!p0 $0x0  }
0x12: {  	s1 =	sld [smem:$0x3F90];
	s0 =	simm.s32 @p0 $0x1  }
0x13: {  	[smem:$0x3FAB] =	sst s0;
	s0 =	simm.s32 @!p1 $0x0  }
0x14: {  	s2 =	sld [smem:$0x3F8F];
	s0 =	simm.s32 @p1 $0x1  }
0x15: {  	[smem:$0x3FAC] =	sst s0;
	s0 =	simm.s32 @!p2 $0x0  }
0x16: {  	s3 =	sld [smem:$0x3FDB];
	s0 =	simm.s32 @p2 $0x1  }
0x17: {  	s4 =	simm.s32 $0x1BF5;
	[smem:$0x3FAE] =	sst s0  }
0x18: {  	s0 =	sld [smem:$0x3F91];
	_ =	swait.ge [sflag:s4], $0x0  }
0x19: {  	s7 =	sld [smem:$0x3F92]  }
0x1a: {  	s8 =	sadd.s32 $0xFFFFE003, lr  }
0x1b: {  	s9 =	sadd.s32 $0xFFFFFEF7, lr;
	s5 =	simm.s32 $0xFFFFFFFF;
	p2 =	slt.u32 s8, $0xFFFFF086  }
0x1c: {  	p1 =	slt.u32 s9, $0xF7A;
	s5 =	simm.s32 @!p2 $0x0  }
0x1d: {  	s5 =	simm.s32 @p1 $0x1;
	p0 =	seq.s32 s7, s2  }
0x1e: {  	s7 =	smul.u32 @!p0 $0xF7A, s2;
	p2 =	seq.s32 @!p0 s5, $0x0  }
0x1f: {  	s9 =	smul.u32 $0xF7A, s1;
	s8 =	simm.s32 @!p0 $0x1BF5;
	p2 =	por !p2, p0  }
0x20: {  	[sflag:s8] =	ssyncset.s32 @!p0 $0xFFFFF086;
	s6 =	sadd.s32 @!p0 s3, s7;
	s7 =	simm.s32 @!p0 $0x108  }
0x21: {  	s3 =	sadd.s32 s3, s9;
	s6 =	sadd.s32 @!p0 $0x88, s6;
	s7 =	simm.s32 @p2 $0x1082  }
0x22: {  	[simem:s7], [sflag:s8] =	dma.local @!p0 [hbm:s6], $0xF7A  }
0x23: {  	s9 =	sor.u32 $0xD0000000, s2;
	s6 =	simm.s32 $0x108;
	_ =	swait.ge @!p0 [sflag:s8], $0x0  }
0x24: {  	s3 =	sadd.s32 $0x88, s3;
	s6 =	simm.s32 @!p1 $0x1082;
	[sflag:s4] =	ssyncset.s32 $0xFFFFF086  }
0x25: {  	[simem:s6], [sflag:s4] =	dma.local [hbm:s3], $0xF7A  }
0x26: {  	[smem:$0x3F92] =	sst s1;
	(tag) =	ssettag s2;
	_ =	strace s9  }
0x27: {  	s1 =	sld [smem:$0x3FA2]  }
0x28: {  	s2 =	sld [smem:$0x3FA3]  }
0x29: {  	s4 =	sld [smem:$0x3FA5]  }
0x2a: {  	p0 =	seq.s32 s5, $0x0;
	s5 =	sld [smem:$0x3FA6]  }
0x2b: {  	s6 =	sld [smem:$0x3FA7]  }
0x2c: {  	s7 =	sld [smem:$0x3FA8]  }
0x2d: {  	s3 =	simm.s32 $0x108;
	s8 =	sld [smem:$0x3FA9]  }
0x2e: {  	s3 =	simm.s32 @!p0 $0x1082;
	s9 =	sld [smem:$0x3FAA]  }
0x2f: {  	lr =	sadd.s32 s0, s3;
	s0 =	sld [smem:$0x3FA1]  }
0x30: {  	s3 =	sld [smem:$0x3FA4]  }
0x31: {  	[smem:$0x3FAD] =	sst s10  }
0x32: {  	s10 =	sld [smem:$0x3FAB];
	_ =	sdelay $0x3  }
0x33: {  	p0 =	seq.s32 s10, $0x1;
	s10 =	sld [smem:$0x3FAD];
	_ =	sdelay $0x3  }
0x34: {  	[smem:$0x3FAD] =	sst s10  }
0x35: {  	s10 =	sld [smem:$0x3FAC];
	_ =	sdelay $0x3  }
0x36: {  	p1 =	seq.s32 s10, $0x1;
	s10 =	sld [smem:$0x3FAD];
	_ =	sdelay $0x3  }
0x37: {  	[smem:$0x3FAD] =	sst s10  }
0x38: {  	s10 =	sld [smem:$0x3FAE]  }
0x39: {  	_ = 	snop;
	(pc) =	sbr.ind lr, $3  }
0x3a: {  	_ = 	snop  }
0x3b: {  	_ = 	snop  }
0x3c: {  	p2 =	seq.s32 s10, $0x1;
	s10 =	sld [smem:$0x3FAD]  }
0x3d: {  	_ =	shalt  }
0x3e: {  	_ =	shalt  }
0x3f: {  	_ =	shalt  }
0x40: {  	_ =	shalt  }
0x41: {  	_ =	shalt  }
0x42: {  	_ =	shalt  }
0x43: {  	_ =	shalt  }
0x44: {  	_ =	shalt  }
0x45: {  	_ =	shalt  }
0x46: {  	_ =	shalt  }
0x47: {  	_ =	shalt  }
0x48: {  	_ =	shalt  }
0x49: {  	_ =	shalt  }
0x4a: {  	_ =	shalt  }
0x4b: {  	_ =	shalt  }
0x4c: {  	_ =	shalt  }
0x4d: {  	_ =	shalt  }
0x4e: {  	_ =	shalt  }
0x4f: {  	_ =	shalt  }
0x50: {  	_ =	shalt  }
0x51: {  	_ =	shalt  }
0x52: {  	_ =	shalt  }
0x53: {  	_ =	shalt  }
0x54: {  	_ =	shalt  }
0x55: {  	_ =	shalt  }
0x56: {  	_ =	shalt  }
0x57: {  	_ =	shalt  }
0x58: {  	_ =	shalt  }
0x59: {  	_ =	shalt  }
0x5a: {  	_ =	shalt  }
0x5b: {  	_ =	shalt  }
0x5c: {  	_ =	shalt  }
0x5d: {  	_ =	shalt  }
0x5e: {  	_ =	shalt  }
0x5f: {  	_ =	shalt  }
0x60: {  	_ =	shalt  }
0x61: {  	_ =	shalt  }
0x62: {  	_ =	shalt  }
0x63: {  	_ =	shalt  }
0x64: {  	_ =	shalt  }
0x65: {  	_ =	shalt  }
0x66: {  	_ =	shalt  }
0x67: {  	_ =	shalt  }
0x68: {  	_ =	shalt  }
0x69: {  	_ =	shalt  }
0x6a: {  	_ =	shalt  }
0x6b: {  	_ =	shalt  }
0x6c: {  	_ =	shalt  }
0x6d: {  	_ =	shalt  }
0x6e: {  	_ =	shalt  }
0x6f: {  	_ =	shalt  }
0x70: {  	_ =	shalt  }
0x71: {  	_ =	shalt  }
0x72: {  	_ =	shalt  }
0x73: {  	_ =	shalt  }
0x74: {  	_ =	shalt  }
0x75: {  	_ =	shalt  }
0x76: {  	_ =	shalt  }
0x77: {  	_ =	shalt  }
0x78: {  	_ =	shalt  }
0x79: {  	_ =	shalt  }
0x7a: {  	_ =	shalt  }
0x7b: {  	_ =	shalt  }
0x7c: {  	_ =	shalt  }
0x7d: {  	_ =	shalt  }
0x7e: {  	_ =	shalt  }
0x7f: {  	_ =	shalt  }
0x80: {  	_ =	shalt  }
0x81: {  	_ =	shalt  }
0x82: {  	_ =	shalt  }
0x83: {  	_ =	shalt  }
0x84: {  	_ =	shalt  }
0x85: {  	_ =	shalt  }
0x86: {  	_ =	shalt  }
0x87: {  	_ =	shalt  }
.Lfunc_end0:
.L_simem_size_0:
called_computation_lowered:
.L_overlay_start_0:
0x88: {  	s2 =	sld [smem:$0x3FD9]  }
0x89: {  	s3 =	sld [smem:$0x3FFE];
	_ =	sdelay $0x1  }
0x8a: {  	s1 =	srdreg.scid  }
0x8b: {  	s0 =	sand.u32 $0x1, s1  }
0x8c: {  	s16 =	sshll.u32 s0, $0xA;
	s2 =	sadd.s32 s3, s2  }
0x8d: {  	s2 =	sadd.s32 s2, s16  }
0x8e: {  	[smem:$0x3FB9] =	sst s2  }
0x8f: {  	_ = 	snop  }
0x90: {  	(tm) =	ssettm $0x1  }
0x91: {  	s17 =	sld [smem:$0x3FFB];
	_ =	sdelay $0x3  }
0x92: {  	_ =	strace s17  }
0x93: {  	s2 =	sld [smem:$0x3FFC];
	_ =	sdelay $0x3  }
0x94: {  	_ =	strace s2  }
0x95: {  	s2 =	sld [smem:$0x3FFD];
	_ =	sdelay $0x3  }
0x96: {  	_ =	strace s2  }
0x97: {  	_ =	strace $0x8FFFFFFF  }
0x98: {  	s18 =	sld [smem:$0x3FDB];
	_ =	sdelay $0x1  }
0x99: {  	s19 =	simm.s32 $_scs_section_size  }
0x9a: {  	s4 =	simm.s32 $_size__tile_overlayer_lowered;
	s5 =	simm.s32 $_tile_overlayer_lowered  }
0x9b: {  	s22 =	simm.s32 $0x1BFF;
	s21 =	sshll.u32 s5, $0x1;
	s2 =	sadd.s32 s19, s18  }
0x9c: {  	s6 =	simm.s32 $0x0;
	s20 =	sshll.u32 s4, $0x1;
	s4 =	sadd.s32 s21, s2  }
0x9d: {  	[timem:s6], [sflag:s22] =	dma.local [hbm:s4], s20  }
0x9e: {  	_ =	swait.ge [sflag:s22], s20  }
0x9f: {  	s3 =	ssub.s32 $0x0, s20;
	[sflag:s22] =	ssyncset.done $0x0  }
0xa0: {  	[sflag:s22] =	ssyncadd.s32 s3;
	_ =	sdelay $0x1  }
0xa1: {  	s23 =	simm.s32 $0x1B8B  }
0xa2: {  	_ =	swait.ge [sflag:s23], $0x1  }
0xa3: {  	[sflag:s23] =	ssyncset.done $0x0  }
0xa4: {  	s25 =	simm.s32 $0x1B8E;
	s24 =	sld [smem:$0x3FFE];
	[sflag:s23] =	ssyncadd.s32 $0xFFFFFFFF  }
0xa5: {  	s26 =	simm.s32 $execute0_lowered;
	[smem:$0x3FD2] =	sst s25  }
0xa6: {  	s4 =	sshll.u32 s26, $0x1;
	_ =	strace $0x80000046;
	[dreg:$0x1] =	wrdreg $0xFFFFFFFF  }
0xa7: {  	s28 =	simm.s32 $_size_execute0_lowered;
	s2 =	sadd.s32 s2, s4;
	[dreg:$0x0] =	wrdreg $0x0  }
0xa8: {  	s4 =	sshll.u32 s28, $0x1;
	[dreg:$0x2] =	wrdreg s2  }
0xa9: {  	[dreg:$0x3] =	wrdreg s4  }
0xaa: {  	[dreg:$0x4] =	wrdreg $0xC0  }
0xab: {  	_ =	task [dreg:s6], $0x5FFFF  }
0xac: {  	[dreg:$0x1] =	wrdreg $0xFFFFFFFF  }
0xad: {  	[dreg:$0x0] =	wrdreg $0x60  }
0xae: {  	[dreg:$0x2] =	wrdreg s24  }
0xaf: {  	[dreg:$0x3] =	wrdreg $0x50800  }
0xb0: {  	[dreg:$0x4] =	wrdreg $0x9  }
0xb1: {  	_ =	task.clear_ibuf [dreg:s6], $0x5FFFF;
	_ =	strace $0x90000046  }
0xb2: {  	s29 =	simm.s32 $0x9;
	_ =	strace $0x80000048  }
0xb3: {  	_ =	swait.ge [sflag:s29], $0x1  }
0xb4: {  	[sflag:s29] =	ssyncadd.s32 $0xFFFFFFFF  }
0xb5: {  	_ =	strace $0x90000048  }
0xb6: {  	_ =	sfence  }
0xb7: {  	s30 =	sld [smem:$0x0];
	_ =	sdelay $0x2  }
0xb8: {  	s31 =	sshll.u32 s1, $0xD;
	s1 =	sshrl.u32 s1, $0x2  }
0xb9: {  	s3 =	sand.u32 $0x4000, s31;
	s1 =	sadd.s32 s1, s30  }
0xba: {  	s0 =	sor.u32 s3, s0;
	s1 =	sshll.u32 s1, $0x11  }
0xbb: {  	s0 =	sor.u32 s1, s0  }
0xbc: {  	s0 =	sadd.s32 $0x8F2B, s0  }
0xbd: {  	[sflag:s0] =	ssyncadd.remote.s32 $0x1  }
0xbe: {  	_ =	sfence.sel $0xFFFF  }
0xbf: {  	[dreg:$0x0] =	wrdreg $0xFFFFFFFF;
	(pc) =	sbr.abs _section_cstart, $3  }
0xc0: {  	[dreg:$0x1] =	wrdreg $0xFFFFFFFF  }
0xc1: {  	_ =	task.clear_ibuf [dreg:s6], $0x2FFFF;
	_ =	strace $0x9FFFFFFF  }
0xc2: {  	(tm) =	ssettm $0x7FFFFFFF  }
0xc3: {  	_ =	shalt  }
tec
execute0_lowered:
.L_overlay_start_1:
0x0: {  	(tag) =	ssettag $0x1  }
0x1: {  	s0 =	srdreg.scid;
	s5 =	rddreg [dreg:$0x0]  }
0x2: {  	s2 =	rddreg [dreg:$0x1];
	s3 =	simm.s32 $0x0;
	s4 =	sand.u32 $0x1, s0  }
0x3: {  	s23 =	simm.s32 $0x80;
	s0 =	stileid.u32;
	s6 =	smul.u32 $0x27100, s4  }
0x4: {  	s24 =	simm.s32 $0x1;
	s25 =	simm.s32 $0x2880;
	s7 =	smul.u32 $0x2710, s0  }
0x5: {  	s28 =	simm.s32 $0x0;
	[smem:$0x7FF] =	sst s3;
	s26 =	smul.u32 $0x280, s0  }
0x6: {  	_ =	strace $0x80000047;
	s8 =	smul.u32 $0x2800, s4;
	s29 =	ssub.s32 $0x2, s4  }
0x7: {  	s9 =	smul.u32 $0x50000, s0;
	s4 =	sadd.s32 $0x17800, s5;
	s6 =	sadd.s32 s7, s6  }
0x8: {  	s30 =	sshrl.u32 s29, $0x1;
	s7 =	sadd.s32 s26, s8;
	s6 =	sshrl.u32 s6, $0x3  }
0x9: {  	s31 =	sshrl.u32 s9, $0x2;
	s7 =	sshll.u32 s7, $0x4;
	s22 =	sadd.s32 s6, s5  }
0xa: {  	s6 =	ssub.s32 s29, s30;
	s21 =	sadd.s32 s7, s5;
	s5 =	sadd.s32 s31, s2  }
0xb: {  	s26 =	simm.s32 $0x50;
	s6 =	smax.u32 s6, $0x1;
	s7 =	sadd.s32 $0x2800, s5  }
0xc: {  	s8 =	sadd.s32 $0x5000, s5;
	s9 =	sadd.s32 $0x7800, s5;
	s10 =	sadd.s32 $0xA000, s5  }
0xd: {  	s11 =	sadd.s32 $0xC800, s5;
	s12 =	sadd.s32 $0xF000, s5;
	s13 =	sadd.s32 $0x11800, s5  }
0xe: {  	s14 =	sadd.s32 $0x17E00, s21;
	s15 =	sadd.s32 $0x18300, s21;
	s16 =	sadd.s32 $0x18800, s21  }
0xf: {  	s17 =	sadd.s32 $0x18D00, s21;
	s18 =	sadd.s32 $0x19200, s21;
	s19 =	sadd.s32 $0x19700, s21  }
0x10: {  	v0 =	vimm.f32 $0.0e+00;
	s20 =	sadd.s32 $0x19C00, s21;
	s21 =	sadd.s32 $0x1A100, s21;
	s22 =	sadd.s32 $0xDA00, s22  }
.LBB2_1:
0x11: {  	[tilespmem:s23], [sflag:$0x1] =	stream.linear.gather [hbm4b:s4+s3], $0x2800, $0x38;
	[tilespmem:$0x19080] =	vst v63  }
0x12: {  	_ =	swait.ge [sflag:s24], $0x2800  }
0x13: {  	[sflag:s24] =	ssyncset.done $0x0  }
0x14: {  	s29 =	simm.s32 $0x0;
	s30 =	simm.s32 $0x200;
	[sflag:s24] =	ssyncadd.s32 $0xFFFFD800  }
.LBB2_2:
0x15: {  	p0 =	sne.s32 s30, $0x9E00;
	[tilespmem:s29+$0x28F0] =	vst v0  }
0x16: {  	[tilespmem:s29+$0x2880] =	vst v0  }
0x17: {  	[tilespmem:s29+$0x2890] =	vst v0  }
.Ltmp0:
0x18: {  	[tilespmem:s29+$0x28A0] =	vst v0;
	(pc) =	sbr.rel @p0 .LBB2_2-.Ltmp0, $4  }
0x19: {  	[tilespmem:s29+$0x28B0] =	vst v0  }
0x1a: {  	[tilespmem:s29+$0x28C0] =	vst v0  }
0x1b: {  	[tilespmem:s29+$0x28D0] =	vst v0  }
0x1c: {  	[tilespmem:s29+$0x28E0] =	vst v0;
	s29 =	sshra.s32 s30, $0x2;
	s30 =	sadd.s32 $0x200, s30  }
0x1d: {  	[tilespmem:s29+$0x28F0] =	vst v0  }
0x1e: {  	[tilespmem:s29+$0x2880] =	vst v0  }
0x1f: {  	[tilespmem:s29+$0x2890] =	vst v0  }
0x20: {  	[tilespmem:s29+$0x28A0] =	vst v0  }
0x21: {  	[tilespmem:s29+$0x28B0] =	vst v0  }
0x22: {  	[tilespmem:s29+$0x28C0] =	vst v0  }
0x23: {  	[tilespmem:s29+$0x28D0] =	vst v0  }
0x24: {  	[tilespmem:s29+$0x28E0] =	vst v0  }
0x25: {  	[spmem:s5] =	stream.linear.scatter [tilespmem:s25], [sflag:$0x1], $0x2800, $0x38;
	[tilespmem:$0x19080] =	vst v63  }
0x26: {  	_ =	swait.ge [sflag:s24], $0x2800  }
0x27: {  	[sflag:s24] =	ssyncset.done $0x0  }
0x28: {  	[sflag:s24] =	ssyncadd.s32 $0xFFFFD800  }
0x29: {  	[spmem:s7] =	stream.linear.scatter [tilespmem:s25], [sflag:$0x1], $0x2800, $0x38;
	[tilespmem:$0x19080] =	vst v63  }
0x2a: {  	_ =	swait.ge [sflag:s24], $0x2800  }
0x2b: {  	[sflag:s24] =	ssyncset.done $0x0  }
0x2c: {  	[sflag:s24] =	ssyncadd.s32 $0xFFFFD800  }
0x2d: {  	[spmem:s8] =	stream.linear.scatter [tilespmem:s25], [sflag:$0x1], $0x2800, $0x38;
	[tilespmem:$0x19080] =	vst v63  }
0x2e: {  	_ =	swait.ge [sflag:s24], $0x2800  }
0x2f: {  	[sflag:s24] =	ssyncset.done $0x0  }
0x30: {  	[sflag:s24] =	ssyncadd.s32 $0xFFFFD800  }
0x31: {  	[spmem:s9] =	stream.linear.scatter [tilespmem:s25], [sflag:$0x1], $0x2800, $0x38;
	[tilespmem:$0x19080] =	vst v63  }
0x32: {  	_ =	swait.ge [sflag:s24], $0x2800  }
0x33: {  	[sflag:s24] =	ssyncset.done $0x0  }
0x34: {  	[sflag:s24] =	ssyncadd.s32 $0xFFFFD800  }
0x35: {  	[spmem:s10] =	stream.linear.scatter [tilespmem:s25], [sflag:$0x1], $0x2800, $0x38;
	[tilespmem:$0x19080] =	vst v63  }
0x36: {  	_ =	swait.ge [sflag:s24], $0x2800  }
0x37: {  	[sflag:s24] =	ssyncset.done $0x0  }
0x38: {  	[sflag:s24] =	ssyncadd.s32 $0xFFFFD800  }
0x39: {  	[spmem:s11] =	stream.linear.scatter [tilespmem:s25], [sflag:$0x1], $0x2800, $0x38;
	[tilespmem:$0x19080] =	vst v63  }
0x3a: {  	_ =	swait.ge [sflag:s24], $0x2800  }
0x3b: {  	[sflag:s24] =	ssyncset.done $0x0  }
0x3c: {  	[sflag:s24] =	ssyncadd.s32 $0xFFFFD800  }
0x3d: {  	[spmem:s12] =	stream.linear.scatter [tilespmem:s25], [sflag:$0x1], $0x2800, $0x38;
	[tilespmem:$0x19080] =	vst v63  }
0x3e: {  	_ =	swait.ge [sflag:s24], $0x2800  }
0x3f: {  	[sflag:s24] =	ssyncset.done $0x0  }
0x40: {  	[sflag:s24] =	ssyncadd.s32 $0xFFFFD800  }
0x41: {  	[spmem:s13] =	stream.linear.scatter [tilespmem:s25], [sflag:$0x1], $0x2800, $0x38;
	[tilespmem:$0x19080] =	vst v63  }
0x42: {  	_ =	swait.ge [sflag:s24], $0x2800  }
0x43: {  	[sflag:s24] =	ssyncset.done $0x0  }
0x44: {  	[sflag:s24] =	ssyncadd.s32 $0xFFFFD800  }
0x45: {  	s29 =	sadd.s32 $0x0, s22;
	[bflag:$0x0] =	sbarrier.arrive $0xFFFF  }
0x46: {  	[tilespmem:s3], [sflag:$0x1] =	stream.linear.gather [hbm4b:s29+s3], $0x50, $0x38;
	[tilespmem:$0x19080] =	vst v63  }
0x47: {  	_ =	swait.ge [sflag:s24], $0x50  }
0x48: {  	[sflag:s24] =	ssyncset.done $0x0  }
0x49: {  	[sflag:s24] =	ssyncadd.s32 $0xFFFFFFB0  }
0x4a: {  	[spmem:s2] =	stream.indirect.scatter.add.f32 [tilespmem:s23], [sflag:$0x1], $0x80, s3, s26, $0xb8;
	[tilespmem:$0x19080] =	vst v63  }
0x4b: {  	_ =	swait.ge [sflag:s24], $0x2800  }
0x4c: {  	s30 =	simm.s32 $0x14;
	s29 =	simm.s32 $0xA;
	[sflag:s24] =	ssyncset.done $0x0  }
.LBB2_4:
0x4d: {  	s31 =	sadd.s32 s29, s22  }
0x4e: {  	[sflag:s24] =	ssyncadd.s32 $0xFFFFD800;
	s29 =	smov.u32 s30;
	s1 =	sadd.s32 $0xA, s30  }
0x4f: {  	[tilespmem:s3], [sflag:$0x1] =	stream.linear.gather [hbm4b:s31+s3], $0x50, $0x38;
	[tilespmem:$0x19080] =	vst v63  }
0x50: {  	p0 =	sne.s32 s30, $0x4D8;
	_ =	swait.ge [sflag:s24], $0x50  }
.Ltmp1:
0x51: {  	[sflag:s24] =	ssyncset.done $0x0;
	(pc) =	sbr.rel @p0 .LBB2_4-.Ltmp1, $4  }
0x52: {  	[sflag:s24] =	ssyncadd.s32 $0xFFFFFFB0  }
0x53: {  	[spmem:s2] =	stream.indirect.scatter.add.f32 [tilespmem:s23], [sflag:$0x1], $0x80, s3, s26, $0xb8;
	[tilespmem:$0x19080] =	vst v63  }
0x54: {  	_ =	swait.ge [sflag:s24], $0x2800  }
0x55: {  	s30 =	smov.u32 s1;
	[sflag:s24] =	ssyncset.done $0x0  }
0x56: {  	s1 =	sadd.s32 s29, s22;
	[sflag:s24] =	ssyncadd.s32 $0xFFFFD800  }
0x57: {  	[tilespmem:s3], [sflag:$0x1] =	stream.linear.gather [hbm4b:s1+s3], $0x50, $0x38;
	[tilespmem:$0x19080] =	vst v63  }
0x58: {  	_ =	swait.ge [sflag:s24], $0x50  }
0x59: {  	[sflag:s24] =	ssyncset.done $0x0  }
0x5a: {  	[sflag:s24] =	ssyncadd.s32 $0xFFFFFFB0  }
0x5b: {  	[spmem:s2] =	stream.indirect.scatter.add.f32 [tilespmem:s23], [sflag:$0x1], $0x80, s3, s26, $0xb8;
	[tilespmem:$0x19080] =	vst v63  }
0x5c: {  	_ =	swait.ge [sflag:s24], $0x2800  }
0x5d: {  	[sflag:s24] =	ssyncset.done $0x0  }
0x5e: {  	[sflag:s24] =	ssyncadd.s32 $0xFFFFD800  }
0x5f: {  	[bflag:$0x0] =	sbarrier.arrive $0xFFFF  }
0x60: {  	[tilespmem:s25], [sflag:$0x1] =	stream.linear.gather [spmem:s5], $0x2800, $0x38;
	[tilespmem:$0x19080] =	vst v63  }
0x61: {  	_ =	swait.ge [sflag:s24], $0x2800  }
0x62: {  	[sflag:s24] =	ssyncset.done $0x0  }
0x63: {  	[sflag:s24] =	ssyncadd.s32 $0xFFFFD800  }
0x64: {  	[hbm4b:s14+s3] =	stream.linear.scatter [tilespmem:s25], [sflag:$0x1], $0x2800, $0x38;
	[tilespmem:$0x19080] =	vst v63  }
0x65: {  	_ =	swait.ge [sflag:s24], $0x2800  }
0x66: {  	[sflag:s24] =	ssyncset.done $0x0  }
0x67: {  	[sflag:s24] =	ssyncadd.s32 $0xFFFFD800  }
0x68: {  	[tilespmem:s25], [sflag:$0x1] =	stream.linear.gather [spmem:s7], $0x2800, $0x38;
	[tilespmem:$0x19080] =	vst v63  }
0x69: {  	_ =	swait.ge [sflag:s24], $0x2800  }
0x6a: {  	[sflag:s24] =	ssyncset.done $0x0  }
0x6b: {  	[sflag:s24] =	ssyncadd.s32 $0xFFFFD800  }
0x6c: {  	[hbm4b:s15+s3] =	stream.linear.scatter [tilespmem:s25], [sflag:$0x1], $0x2800, $0x38;
	[tilespmem:$0x19080] =	vst v63  }
0x6d: {  	_ =	swait.ge [sflag:s24], $0x2800  }
0x6e: {  	[sflag:s24] =	ssyncset.done $0x0  }
0x6f: {  	[sflag:s24] =	ssyncadd.s32 $0xFFFFD800  }
0x70: {  	[tilespmem:s25], [sflag:$0x1] =	stream.linear.gather [spmem:s8], $0x2800, $0x38;
	[tilespmem:$0x19080] =	vst v63  }
0x71: {  	_ =	swait.ge [sflag:s24], $0x2800  }
0x72: {  	[sflag:s24] =	ssyncset.done $0x0  }
0x73: {  	[sflag:s24] =	ssyncadd.s32 $0xFFFFD800  }
0x74: {  	[hbm4b:s16+s3] =	stream.linear.scatter [tilespmem:s25], [sflag:$0x1], $0x2800, $0x38;
	[tilespmem:$0x19080] =	vst v63  }
0x75: {  	_ =	swait.ge [sflag:s24], $0x2800  }
0x76: {  	[sflag:s24] =	ssyncset.done $0x0  }
0x77: {  	[sflag:s24] =	ssyncadd.s32 $0xFFFFD800  }
0x78: {  	[tilespmem:s25], [sflag:$0x1] =	stream.linear.gather [spmem:s9], $0x2800, $0x38;
	[tilespmem:$0x19080] =	vst v63  }
0x79: {  	_ =	swait.ge [sflag:s24], $0x2800  }
0x7a: {  	[sflag:s24] =	ssyncset.done $0x0  }
0x7b: {  	[sflag:s24] =	ssyncadd.s32 $0xFFFFD800  }
0x7c: {  	[hbm4b:s17+s3] =	stream.linear.scatter [tilespmem:s25], [sflag:$0x1], $0x2800, $0x38;
	[tilespmem:$0x19080] =	vst v63  }
0x7d: {  	_ =	swait.ge [sflag:s24], $0x2800  }
0x7e: {  	[sflag:s24] =	ssyncset.done $0x0  }
0x7f: {  	[sflag:s24] =	ssyncadd.s32 $0xFFFFD800  }
0x80: {  	[tilespmem:s25], [sflag:$0x1] =	stream.linear.gather [spmem:s10], $0x2800, $0x38;
	[tilespmem:$0x19080] =	vst v63  }
0x81: {  	_ =	swait.ge [sflag:s24], $0x2800  }
0x82: {  	[sflag:s24] =	ssyncset.done $0x0  }
0x83: {  	[sflag:s24] =	ssyncadd.s32 $0xFFFFD800  }
0x84: {  	[hbm4b:s18+s3] =	stream.linear.scatter [tilespmem:s25], [sflag:$0x1], $0x2800, $0x38;
	[tilespmem:$0x19080] =	vst v63  }
0x85: {  	_ =	swait.ge [sflag:s24], $0x2800  }
0x86: {  	[sflag:s24] =	ssyncset.done $0x0  }
0x87: {  	[sflag:s24] =	ssyncadd.s32 $0xFFFFD800  }
0x88: {  	[tilespmem:s25], [sflag:$0x1] =	stream.linear.gather [spmem:s11], $0x2800, $0x38;
	[tilespmem:$0x19080] =	vst v63  }
0x89: {  	_ =	swait.ge [sflag:s24], $0x2800  }
0x8a: {  	[sflag:s24] =	ssyncset.done $0x0  }
0x8b: {  	[sflag:s24] =	ssyncadd.s32 $0xFFFFD800  }
0x8c: {  	[hbm4b:s19+s3] =	stream.linear.scatter [tilespmem:s25], [sflag:$0x1], $0x2800, $0x38;
	[tilespmem:$0x19080] =	vst v63  }
0x8d: {  	_ =	swait.ge [sflag:s24], $0x2800  }
0x8e: {  	[sflag:s24] =	ssyncset.done $0x0  }
0x8f: {  	[sflag:s24] =	ssyncadd.s32 $0xFFFFD800  }
0x90: {  	[tilespmem:s25], [sflag:$0x1] =	stream.linear.gather [spmem:s12], $0x2800, $0x38;
	[tilespmem:$0x19080] =	vst v63  }
0x91: {  	_ =	swait.ge [sflag:s24], $0x2800  }
0x92: {  	[sflag:s24] =	ssyncset.done $0x0  }
0x93: {  	[sflag:s24] =	ssyncadd.s32 $0xFFFFD800  }
0x94: {  	[hbm4b:s20+s3] =	stream.linear.scatter [tilespmem:s25], [sflag:$0x1], $0x2800, $0x38;
	[tilespmem:$0x19080] =	vst v63  }
0x95: {  	_ =	swait.ge [sflag:s24], $0x2800  }
0x96: {  	[sflag:s24] =	ssyncset.done $0x0  }
0x97: {  	[sflag:s24] =	ssyncadd.s32 $0xFFFFD800  }
0x98: {  	[tilespmem:s25], [sflag:$0x1] =	stream.linear.gather [spmem:s13], $0x2800, $0x38;
	[tilespmem:$0x19080] =	vst v63  }
0x99: {  	s28 =	sadd.s32 $0x1, s28;
	_ =	swait.ge [sflag:s24], $0x2800  }
0x9a: {  	p0 =	sne.s32 s28, s6;
	[sflag:s24] =	ssyncset.done $0x0  }
.Ltmp2:
0x9b: {  	[sflag:s24] =	ssyncadd.s32 $0xFFFFD800;
	(pc) =	sbr.rel @p0 .LBB2_1-.Ltmp2, $4  }
0x9c: {  	[hbm4b:s21+s3] =	stream.linear.scatter [tilespmem:s25], [sflag:$0x1], $0x2800, $0x38;
	[tilespmem:$0x19080] =	vst v63  }
0x9d: {  	_ =	swait.ge [sflag:s24], $0x2800  }
0x9e: {  	[sflag:s24] =	ssyncset.done $0x0  }
0x9f: {  	[sflag:s24] =	ssyncadd.s32 $0xFFFFD800  }
0xa0: {  	_ =	sfence.sel $0x180000  }
0xa1: {  	[bflag:$0x0] =	sbarrier.arrive $0xFFFF  }
0xa2: {  	_ =	strace $0x90000047  }
0xa3: {  	[bflag:$0x2] =	sbarrier.arrive $0xFFFF  }
0xa4: {  	p0 =	sne.s32 s0, $0x0;
	s0 =	rddreg [dreg:$0x2]  }
0xa5: {  	s0 =	sadd.s32 @!p0 $0x100000, s0  }
0xa6: {  	[sflag:s0] =	ssyncadd.tile.s32 @!p0 $0x1;
	_ =	shalt  }
.Lfunc_end2:
_tile_overlayer_lowered:
.L_overlay_start_2:
0xa7: {  	(tag) =	ssettag $0x2  }
0xa8: {  	s0 =	rddreg [dreg:$0x0];
	s2 =	stileid.u32  }
0xa9: {  	s1 =	rddreg [dreg:$0x1];
	p0 =	sne.s32 s2, $0x0  }
0xaa: {  	s3 =	rddreg [dreg:$0x2];
	[bflag:$0x3] =	sbarrier.arrive $0xFFFF;
	s2 =	simm.s32 @!p0 $0x1C01  }
0xab: {  	[timem:s3], [sflag:s2] =	dma.local @!p0 [hbm:s0], s1  }
0xac: {  	s0 =	simm.s32 @!p0 $0x1  }
0xad: {  	_ =	swait.ge @!p0 [sflag:s0], s1  }
0xae: {  	s1 =	ssub.s32 @!p0 $0x0, s1;
	[sflag:s0] =	ssyncset.done @!p0 $0x0  }
0xaf: {  	[sflag:s0] =	ssyncadd.s32 @!p0 s1  }
0xb0: {  	[bflag:$0x3] =	sbarrier.arrive $0xFFFF  }
0xb1: {  	_ =	shalt  }

// kernel: kernel.13.cloned.1.call-start
scs
__scs_entry_jumppad:
0x0: {  	(pc) =	sbr.rel $0x88, $3  }
0x1: {  	(tag) =	ssettag $0x0;
	lr =	simm.s32 $0x1  }
0x2: {  	[smem:$0x3F92] =	sst lr;
	_ =	strace $0xD0000000  }
0x3: {  	_ = 	snop  }
0x4: {  	_ = 	snop  }
0x5: {  	_ = 	snop  }
0x6: {  	_ = 	snop  }
0x7: {  	_ = 	snop  }
__scs_overlays_trampoline_lowered:
0x8: {  	[smem:$0x3FA1] =	sst s0  }
0x9: {  	[smem:$0x3FA2] =	sst s1  }
0xa: {  	[smem:$0x3FA3] =	sst s2  }
0xb: {  	[smem:$0x3FA4] =	sst s3  }
0xc: {  	[smem:$0x3FA5] =	sst s4  }
0xd: {  	[smem:$0x3FA6] =	sst s5  }
0xe: {  	[smem:$0x3FA7] =	sst s6  }
0xf: {  	[smem:$0x3FA8] =	sst s7  }
0x10: {  	[smem:$0x3FA9] =	sst s8  }
0x11: {  	[smem:$0x3FAA] =	sst s9;
	s0 =	simm.s32 @!p0 $0x0  }
0x12: {  	s1 =	sld [smem:$0x3F90];
	s0 =	simm.s32 @p0 $0x1  }
0x13: {  	[smem:$0x3FAB] =	sst s0;
	s0 =	simm.s32 @!p1 $0x0  }
0x14: {  	s2 =	sld [smem:$0x3F8F];
	s0 =	simm.s32 @p1 $0x1  }
0x15: {  	[smem:$0x3FAC] =	sst s0;
	s0 =	simm.s32 @!p2 $0x0  }
0x16: {  	s3 =	sld [smem:$0x3FDB];
	s0 =	simm.s32 @p2 $0x1  }
0x17: {  	s4 =	simm.s32 $0x1BF5;
	[smem:$0x3FAE] =	sst s0  }
0x18: {  	s0 =	sld [smem:$0x3F91];
	_ =	swait.ge [sflag:s4], $0x0  }
0x19: {  	s7 =	sld [smem:$0x3F92]  }
0x1a: {  	s8 =	sadd.s32 $0xFFFFE003, lr  }
0x1b: {  	s9 =	sadd.s32 $0xFFFFFEF7, lr;
	s5 =	simm.s32 $0xFFFFFFFF;
	p2 =	slt.u32 s8, $0xFFFFF086  }
0x1c: {  	p1 =	slt.u32 s9, $0xF7A;
	s5 =	simm.s32 @!p2 $0x0  }
0x1d: {  	s5 =	simm.s32 @p1 $0x1;
	p0 =	seq.s32 s7, s2  }
0x1e: {  	s7 =	smul.u32 @!p0 $0xF7A, s2;
	p2 =	seq.s32 @!p0 s5, $0x0  }
0x1f: {  	s9 =	smul.u32 $0xF7A, s1;
	s8 =	simm.s32 @!p0 $0x1BF5;
	p2 =	por !p2, p0  }
0x20: {  	[sflag:s8] =	ssyncset.s32 @!p0 $0xFFFFF086;
	s6 =	sadd.s32 @!p0 s3, s7;
	s7 =	simm.s32 @!p0 $0x108  }
0x21: {  	s3 =	sadd.s32 s3, s9;
	s6 =	sadd.s32 @!p0 $0x88, s6;
	s7 =	simm.s32 @p2 $0x1082  }
0x22: {  	[simem:s7], [sflag:s8] =	dma.local @!p0 [hbm:s6], $0xF7A  }
0x23: {  	s9 =	sor.u32 $0xD0000000, s2;
	s6 =	simm.s32 $0x108;
	_ =	swait.ge @!p0 [sflag:s8], $0x0  }
0x24: {  	s3 =	sadd.s32 $0x88, s3;
	s6 =	simm.s32 @!p1 $0x1082;
	[sflag:s4] =	ssyncset.s32 $0xFFFFF086  }
0x25: {  	[simem:s6], [sflag:s4] =	dma.local [hbm:s3], $0xF7A  }
0x26: {  	[smem:$0x3F92] =	sst s1;
	(tag) =	ssettag s2;
	_ =	strace s9  }
0x27: {  	s1 =	sld [smem:$0x3FA2]  }
0x28: {  	s2 =	sld [smem:$0x3FA3]  }
0x29: {  	s4 =	sld [smem:$0x3FA5]  }
0x2a: {  	p0 =	seq.s32 s5, $0x0;
	s5 =	sld [smem:$0x3FA6]  }
0x2b: {  	s6 =	sld [smem:$0x3FA7]  }
0x2c: {  	s7 =	sld [smem:$0x3FA8]  }
0x2d: {  	s3 =	simm.s32 $0x108;
	s8 =	sld [smem:$0x3FA9]  }
0x2e: {  	s3 =	simm.s32 @!p0 $0x1082;
	s9 =	sld [smem:$0x3FAA]  }
0x2f: {  	lr =	sadd.s32 s0, s3;
	s0 =	sld [smem:$0x3FA1]  }
0x30: {  	s3 =	sld [smem:$0x3FA4]  }
0x31: {  	[smem:$0x3FAD] =	sst s10  }
0x32: {  	s10 =	sld [smem:$0x3FAB];
	_ =	sdelay $0x3  }
0x33: {  	p0 =	seq.s32 s10, $0x1;
	s10 =	sld [smem:$0x3FAD];
	_ =	sdelay $0x3  }
0x34: {  	[smem:$0x3FAD] =	sst s10  }
0x35: {  	s10 =	sld [smem:$0x3FAC];
	_ =	sdelay $0x3  }
0x36: {  	p1 =	seq.s32 s10, $0x1;
	s10 =	sld [smem:$0x3FAD];
	_ =	sdelay $0x3  }
0x37: {  	[smem:$0x3FAD] =	sst s10  }
0x38: {  	s10 =	sld [smem:$0x3FAE]  }
0x39: {  	_ = 	snop;
	(pc) =	sbr.ind lr, $3  }
0x3a: {  	_ = 	snop  }
0x3b: {  	_ = 	snop  }
0x3c: {  	p2 =	seq.s32 s10, $0x1;
	s10 =	sld [smem:$0x3FAD]  }
0x3d: {  	_ =	shalt  }
0x3e: {  	_ =	shalt  }
0x3f: {  	_ =	shalt  }
0x40: {  	_ =	shalt  }
0x41: {  	_ =	shalt  }
0x42: {  	_ =	shalt  }
0x43: {  	_ =	shalt  }
0x44: {  	_ =	shalt  }
0x45: {  	_ =	shalt  }
0x46: {  	_ =	shalt  }
0x47: {  	_ =	shalt  }
0x48: {  	_ =	shalt  }
0x49: {  	_ =	shalt  }
0x4a: {  	_ =	shalt  }
0x4b: {  	_ =	shalt  }
0x4c: {  	_ =	shalt  }
0x4d: {  	_ =	shalt  }
0x4e: {  	_ =	shalt  }
0x4f: {  	_ =	shalt  }
0x50: {  	_ =	shalt  }
0x51: {  	_ =	shalt  }
0x52: {  	_ =	shalt  }
0x53: {  	_ =	shalt  }
0x54: {  	_ =	shalt  }
0x55: {  	_ =	shalt  }
0x56: {  	_ =	shalt  }
0x57: {  	_ =	shalt  }
0x58: {  	_ =	shalt  }
0x59: {  	_ =	shalt  }
0x5a: {  	_ =	shalt  }
0x5b: {  	_ =	shalt  }
0x5c: {  	_ =	shalt  }
0x5d: {  	_ =	shalt  }
0x5e: {  	_ =	shalt  }
0x5f: {  	_ =	shalt  }
0x60: {  	_ =	shalt  }
0x61: {  	_ =	shalt  }
0x62: {  	_ =	shalt  }
0x63: {  	_ =	shalt  }
0x64: {  	_ =	shalt  }
0x65: {  	_ =	shalt  }
0x66: {  	_ =	shalt  }
0x67: {  	_ =	shalt  }
0x68: {  	_ =	shalt  }
0x69: {  	_ =	shalt  }
0x6a: {  	_ =	shalt  }
0x6b: {  	_ =	shalt  }
0x6c: {  	_ =	shalt  }
0x6d: {  	_ =	shalt  }
0x6e: {  	_ =	shalt  }
0x6f: {  	_ =	shalt  }
0x70: {  	_ =	shalt  }
0x71: {  	_ =	shalt  }
0x72: {  	_ =	shalt  }
0x73: {  	_ =	shalt  }
0x74: {  	_ =	shalt  }
0x75: {  	_ =	shalt  }
0x76: {  	_ =	shalt  }
0x77: {  	_ =	shalt  }
0x78: {  	_ =	shalt  }
0x79: {  	_ =	shalt  }
0x7a: {  	_ =	shalt  }
0x7b: {  	_ =	shalt  }
0x7c: {  	_ =	shalt  }
0x7d: {  	_ =	shalt  }
0x7e: {  	_ =	shalt  }
0x7f: {  	_ =	shalt  }
0x80: {  	_ =	shalt  }
0x81: {  	_ =	shalt  }
0x82: {  	_ =	shalt  }
0x83: {  	_ =	shalt  }
0x84: {  	_ =	shalt  }
0x85: {  	_ =	shalt  }
0x86: {  	_ =	shalt  }
0x87: {  	_ =	shalt  }
.Lfunc_end0:
.L_simem_size_0:
called_computation.1_lowered:
.L_overlay_start_0:
0x88: {  	s2 =	sld [smem:$0x3FD9]  }
0x89: {  	s3 =	sld [smem:$0x3FFE];
	_ =	sdelay $0x1  }
0x8a: {  	s1 =	srdreg.scid  }
0x8b: {  	s0 =	sand.u32 $0x1, s1  }
0x8c: {  	s16 =	sshll.u32 s0, $0xA;
	s2 =	sadd.s32 s3, s2  }
0x8d: {  	s2 =	sadd.s32 s2, s16  }
0x8e: {  	[smem:$0x3FB9] =	sst s2  }
0x8f: {  	_ = 	snop  }
0x90: {  	(tm) =	ssettm $0x1  }
0x91: {  	s17 =	sld [smem:$0x3FFB];
	_ =	sdelay $0x3  }
0x92: {  	_ =	strace s17  }
0x93: {  	s2 =	sld [smem:$0x3FFC];
	_ =	sdelay $0x3  }
0x94: {  	_ =	strace s2  }
0x95: {  	s2 =	sld [smem:$0x3FFD];
	_ =	sdelay $0x3  }
0x96: {  	_ =	strace s2  }
0x97: {  	_ =	strace $0x8FFFFFFF  }
0x98: {  	s18 =	sld [smem:$0x3FDB];
	_ =	sdelay $0x1  }
0x99: {  	s19 =	simm.s32 $_scs_section_size  }
0x9a: {  	s4 =	simm.s32 $_size__tile_overlayer_lowered;
	s5 =	simm.s32 $_tile_overlayer_lowered  }
0x9b: {  	s22 =	simm.s32 $0x1BFF;
	s21 =	sshll.u32 s5, $0x1;
	s2 =	sadd.s32 s19, s18  }
0x9c: {  	s6 =	simm.s32 $0x0;
	s20 =	sshll.u32 s4, $0x1;
	s4 =	sadd.s32 s21, s2  }
0x9d: {  	[timem:s6], [sflag:s22] =	dma.local [hbm:s4], s20  }
0x9e: {  	_ =	swait.ge [sflag:s22], s20  }
0x9f: {  	s3 =	ssub.s32 $0x0, s20;
	[sflag:s22] =	ssyncset.done $0x0  }
0xa0: {  	[sflag:s22] =	ssyncadd.s32 s3;
	_ =	sdelay $0x1  }
0xa1: {  	s23 =	simm.s32 $0x1B8B  }
0xa2: {  	_ =	swait.ge [sflag:s23], $0x1  }
0xa3: {  	[sflag:s23] =	ssyncset.done $0x0  }
0xa4: {  	s25 =	simm.s32 $0x1B8E;
	s24 =	sld [smem:$0x3FFE];
	[sflag:s23] =	ssyncadd.s32 $0xFFFFFFFF  }
0xa5: {  	s26 =	simm.s32 $execute0_lowered;
	[smem:$0x3FD2] =	sst s25  }
0xa6: {  	s4 =	sshll.u32 s26, $0x1;
	_ =	strace $0x80000049;
	[dreg:$0x1] =	wrdreg $0xFFFFFFFF  }
0xa7: {  	s28 =	simm.s32 $_size_execute0_lowered;
	s2 =	sadd.s32 s2, s4;
	[dreg:$0x0] =	wrdreg $0x0  }
0xa8: {  	s4 =	sshll.u32 s28, $0x1;
	[dreg:$0x2] =	wrdreg s2  }
0xa9: {  	[dreg:$0x3] =	wrdreg s4  }
0xaa: {  	[dreg:$0x4] =	wrdreg $0xC0  }
0xab: {  	_ =	task [dreg:s6], $0x5FFFF  }
0xac: {  	[dreg:$0x1] =	wrdreg $0xFFFFFFFF  }
0xad: {  	[dreg:$0x0] =	wrdreg $0x60  }
0xae: {  	[dreg:$0x2] =	wrdreg s24  }
0xaf: {  	[dreg:$0x3] =	wrdreg $0x51000  }
0xb0: {  	[dreg:$0x4] =	wrdreg $0x9  }
0xb1: {  	_ =	task.clear_ibuf [dreg:s6], $0x5FFFF;
	_ =	strace $0x90000049  }
0xb2: {  	s29 =	simm.s32 $0x9;
	_ =	strace $0x8000004B  }
0xb3: {  	_ =	swait.ge [sflag:s29], $0x1  }
0xb4: {  	[sflag:s29] =	ssyncadd.s32 $0xFFFFFFFF  }
0xb5: {  	_ =	strace $0x9000004B  }
0xb6: {  	_ =	sfence  }
0xb7: {  	s30 =	sld [smem:$0x0];
	_ =	sdelay $0x2  }
0xb8: {  	s31 =	sshll.u32 s1, $0xD;
	s1 =	sshrl.u32 s1, $0x2  }
0xb9: {  	s3 =	sand.u32 $0x4000, s31;
	s1 =	sadd.s32 s1, s30  }
0xba: {  	s0 =	sor.u32 s3, s0;
	s1 =	sshll.u32 s1, $0x11  }
0xbb: {  	s0 =	sor.u32 s1, s0  }
0xbc: {  	s0 =	sadd.s32 $0x8F2B, s0  }
0xbd: {  	[sflag:s0] =	ssyncadd.remote.s32 $0x1  }
0xbe: {  	_ =	sfence.sel $0xFFFF  }
0xbf: {  	[dreg:$0x0] =	wrdreg $0xFFFFFFFF;
	(pc) =	sbr.abs _section_cstart, $3  }
0xc0: {  	[dreg:$0x1] =	wrdreg $0xFFFFFFFF  }
0xc1: {  	_ =	task.clear_ibuf [dreg:s6], $0x2FFFF;
	_ =	strace $0x9FFFFFFF  }
0xc2: {  	(tm) =	ssettm $0x7FFFFFFF  }
0xc3: {  	_ =	shalt  }
tec
execute0_lowered:
.L_overlay_start_1:
0x0: {  	(tag) =	ssettag $0x1  }
0x1: {  	s0 =	rddreg [dreg:$0x0]  }
0x2: {  	s1 =	rddreg [dreg:$0x1];
	s8 =	stileid.u32  }
0x3: {  	s2 =	srdreg.scid;
	s6 =	smul.u32 $0x2710, s8  }
0x4: {  	s3 =	simm.s32 $0x0;
	s28 =	simm.s32 $0x50;
	s7 =	smul.u32 $0x280, s8  }
0x5: {  	s29 =	simm.s32 $0x100;
	s2 =	sand.u32 $0x1, s2;
	s8 =	smul.u32 $0x50000, s8  }
0x6: {  	s30 =	simm.s32 $0x1;
	s31 =	simm.s32 $0x0;
	s5 =	smul.u32 $0x27100, s2  }
0x7: {  	[smem:$0x7FF] =	sst s3;
	s20 =	smul.u32 $0x2800, s2;
	s2 =	ssub.s32 $0x2, s2  }
0x8: {  	s4 =	sadd.s32 $0x67E00, s0;
	_ =	strace $0x8000004A;
	s22 =	sshrl.u32 s2, $0x1  }
0x9: {  	s24 =	sshrl.u32 s8, $0x2;
	s5 =	sadd.s32 s6, s5;
	s2 =	ssub.s32 s2, s22  }
0xa: {  	s21 =	sadd.s32 s7, s20;
	s5 =	sshrl.u32 s5, $0x3;
	s2 =	smax.u32 s2, $0x1  }
0xb: {  	s23 =	sadd.s32 s5, s0;
	s5 =	sshll.u32 s21, $0x4;
	[dreg:$0x3] =	wrdreg s2  }
0xc: {  	s0 =	sadd.s32 s5, s0;
	s5 =	sadd.s32 s24, s1;
	s22 =	sadd.s32 $0xDA00, s23  }
0xd: {  	s23 =	sadd.s32 $0x3C00, s23;
	s24 =	simm.s32 $0x2900;
	s7 =	sadd.s32 $0x2800, s5  }
0xe: {  	s8 =	sadd.s32 $0x5000, s5;
	s9 =	sadd.s32 $0x7800, s5;
	s10 =	sadd.s32 $0xA000, s5  }
0xf: {  	s11 =	sadd.s32 $0xC800, s5;
	s12 =	sadd.s32 $0xF000, s5;
	s13 =	sadd.s32 $0x11800, s5  }
0x10: {  	s25 =	sadd.s32 $0x8F000, s0;
	s26 =	sadd.s32 $0x8F500, s0;
	s16 =	sadd.s32 $0x8FA00, s0  }
0x11: {  	s17 =	sadd.s32 $0x8FF00, s0;
	s18 =	sadd.s32 $0x90400, s0;
	s19 =	sadd.s32 $0x90900, s0  }
0x12: {  	s20 =	sadd.s32 $0x90E00, s0;
	s21 =	sadd.s32 $0x91300, s0;
	[dreg:$0x4] =	wrdreg s25  }
0x13: {  	v0 =	vimm.f32 $0.0e+00;
	[dreg:$0x5] =	wrdreg s26;
	s25 =	simm.s32 $0x2;
	s26 =	simm.s32 $0x80  }
.LBB2_1:
0x14: {  	s0 =	simm.s32 $0x0;
	s2 =	simm.s32 $0x200  }
.LBB2_2:
0x15: {  	p0 =	sne.s32 s2, $0x9E00;
	[tilespmem:s0+$0x2970] =	vst v0  }
0x16: {  	[tilespmem:s0+$0x2900] =	vst v0  }
0x17: {  	[tilespmem:s0+$0x2910] =	vst v0  }
.Ltmp0:
0x18: {  	[tilespmem:s0+$0x2920] =	vst v0;
	(pc) =	sbr.rel @p0 .LBB2_2-.Ltmp0, $4  }
0x19: {  	[tilespmem:s0+$0x2930] =	vst v0  }
0x1a: {  	[tilespmem:s0+$0x2940] =	vst v0  }
0x1b: {  	[tilespmem:s0+$0x2950] =	vst v0  }
0x1c: {  	[tilespmem:s0+$0x2960] =	vst v0;
	s0 =	sshra.s32 s2, $0x2;
	s2 =	sadd.s32 $0x200, s2  }
0x1d: {  	[tilespmem:s0+$0x2970] =	vst v0  }
0x1e: {  	[tilespmem:s0+$0x2900] =	vst v0  }
0x1f: {  	[tilespmem:s0+$0x2910] =	vst v0  }
0x20: {  	[tilespmem:s0+$0x2920] =	vst v0  }
0x21: {  	[tilespmem:s0+$0x2930] =	vst v0  }
0x22: {  	[tilespmem:s0+$0x2940] =	vst v0  }
0x23: {  	[tilespmem:s0+$0x2950] =	vst v0  }
0x24: {  	[tilespmem:s0+$0x2960] =	vst v0  }
0x25: {  	[spmem:s5] =	stream.linear.scatter [tilespmem:s24], [sflag:$0x2], $0x2800, $0x38;
	[tilespmem:$0x19100] =	vst v63  }
0x26: {  	_ =	swait.ge [sflag:s25], $0x2800  }
0x27: {  	[sflag:s25] =	ssyncset.done $0x0  }
0x28: {  	[sflag:s25] =	ssyncadd.s32 $0xFFFFD800  }
0x29: {  	[spmem:s7] =	stream.linear.scatter [tilespmem:s24], [sflag:$0x2], $0x2800, $0x38;
	[tilespmem:$0x19100] =	vst v63  }
0x2a: {  	_ =	swait.ge [sflag:s25], $0x2800  }
0x2b: {  	[sflag:s25] =	ssyncset.done $0x0  }
0x2c: {  	[sflag:s25] =	ssyncadd.s32 $0xFFFFD800  }
0x2d: {  	[spmem:s8] =	stream.linear.scatter [tilespmem:s24], [sflag:$0x2], $0x2800, $0x38;
	[tilespmem:$0x19100] =	vst v63  }
0x2e: {  	_ =	swait.ge [sflag:s25], $0x2800  }
0x2f: {  	[sflag:s25] =	ssyncset.done $0x0  }
0x30: {  	[sflag:s25] =	ssyncadd.s32 $0xFFFFD800  }
0x31: {  	[spmem:s9] =	stream.linear.scatter [tilespmem:s24], [sflag:$0x2], $0x2800, $0x38;
	[tilespmem:$0x19100] =	vst v63  }
0x32: {  	_ =	swait.ge [sflag:s25], $0x2800  }
0x33: {  	[sflag:s25] =	ssyncset.done $0x0  }
0x34: {  	[sflag:s25] =	ssyncadd.s32 $0xFFFFD800  }
0x35: {  	[spmem:s10] =	stream.linear.scatter [tilespmem:s24], [sflag:$0x2], $0x2800, $0x38;
	[tilespmem:$0x19100] =	vst v63  }
0x36: {  	_ =	swait.ge [sflag:s25], $0x2800  }
0x37: {  	[sflag:s25] =	ssyncset.done $0x0  }
0x38: {  	[sflag:s25] =	ssyncadd.s32 $0xFFFFD800  }
0x39: {  	[spmem:s11] =	stream.linear.scatter [tilespmem:s24], [sflag:$0x2], $0x2800, $0x38;
	[tilespmem:$0x19100] =	vst v63  }
0x3a: {  	_ =	swait.ge [sflag:s25], $0x2800  }
0x3b: {  	[sflag:s25] =	ssyncset.done $0x0  }
0x3c: {  	[sflag:s25] =	ssyncadd.s32 $0xFFFFD800  }
0x3d: {  	[spmem:s12] =	stream.linear.scatter [tilespmem:s24], [sflag:$0x2], $0x2800, $0x38;
	[tilespmem:$0x19100] =	vst v63  }
0x3e: {  	_ =	swait.ge [sflag:s25], $0x2800  }
0x3f: {  	[sflag:s25] =	ssyncset.done $0x0  }
0x40: {  	[sflag:s25] =	ssyncadd.s32 $0xFFFFD800  }
0x41: {  	[spmem:s13] =	stream.linear.scatter [tilespmem:s24], [sflag:$0x2], $0x2800, $0x38;
	[tilespmem:$0x19100] =	vst v63  }
0x42: {  	_ =	swait.ge [sflag:s25], $0x2800  }
0x43: {  	[sflag:s25] =	ssyncset.done $0x0  }
0x44: {  	[sflag:s25] =	ssyncadd.s32 $0xFFFFD800  }
0x45: {  	s14 =	sadd.s32 $0x0, s23;
	[bflag:$0x0] =	sbarrier.arrive $0xFFFF  }
0x46: {  	[tilespmem:s3], [sflag:$0x2] =	stream.linear.gather [hbm4b:s14+s3], $0x50, $0x38;
	[tilespmem:$0x19100] =	vst v63  }
0x47: {  	_ =	swait.ge [sflag:s25], $0x50  }
0x48: {  	[sflag:s25] =	ssyncset.done $0x0  }
0x49: {  	s15 =	sadd.s32 $0x0, s22;
	[sflag:s25] =	ssyncadd.s32 $0xFFFFFFB0  }
0x4a: {  	[tilespmem:s26], [sflag:$0x2] =	stream.linear.gather [hbm4b:s15+s3], $0x50, $0x38;
	[tilespmem:$0x19100] =	vst v63  }
0x4b: {  	_ =	swait.ge [sflag:s25], $0x50  }
0x4c: {  	[sflag:s25] =	ssyncset.done $0x0  }
0x4d: {  	[sflag:s25] =	ssyncadd.s32 $0xFFFFFFB0  }
0x4e: {  	[tilespmem:s29], [sflag:$0x1] =	stream.indirect.gather [hbm4b:s4+s28], $0x80, s3, s28, $0xb8;
	[tilespmem:$0x19100] =	vst v63  }
0x4f: {  	_ =	swait.ge [sflag:s30], $0x2800  }
0x50: {  	[sflag:s30] =	ssyncset.done $0x0  }
0x51: {  	[sflag:s30] =	ssyncadd.s32 $0xFFFFD800  }
0x52: {  	[spmem:s1] =	stream.indirect.scatter.add.f32 [tilespmem:s29], [sflag:$0x2], $0x80, s26, s28, $0xb8;
	[tilespmem:$0x19100] =	vst v63  }
0x53: {  	_ =	swait.ge [sflag:s25], $0x2800  }
0x54: {  	s0 =	simm.s32 $0xA;
	s2 =	simm.s32 $0x14;
	[sflag:s25] =	ssyncset.done $0x0  }
.LBB2_4:
0x55: {  	s6 =	sadd.s32 s0, s23  }
0x56: {  	[sflag:s25] =	ssyncadd.s32 $0xFFFFD800;
	s14 =	smov.u32 s2;
	s15 =	sadd.s32 $0xA, s2  }
0x57: {  	[tilespmem:s3], [sflag:$0x2] =	stream.linear.gather [hbm4b:s6+s3], $0x50, $0x38;
	[tilespmem:$0x19100] =	vst v63  }
0x58: {  	p0 =	sne.s32 s2, $0x4D8;
	_ =	swait.ge [sflag:s25], $0x50  }
0x59: {  	[sflag:s25] =	ssyncset.done $0x0  }
0x5a: {  	s2 =	sadd.s32 s0, s22;
	s0 =	smov.u32 s14;
	[sflag:s25] =	ssyncadd.s32 $0xFFFFFFB0  }
0x5b: {  	[tilespmem:s26], [sflag:$0x2] =	stream.linear.gather [hbm4b:s2+s3], $0x50, $0x38;
	[tilespmem:$0x19100] =	vst v63  }
0x5c: {  	_ =	swait.ge [sflag:s25], $0x50  }
0x5d: {  	[sflag:s25] =	ssyncset.done $0x0  }
0x5e: {  	[sflag:s25] =	ssyncadd.s32 $0xFFFFFFB0  }
0x5f: {  	[tilespmem:s29], [sflag:$0x1] =	stream.indirect.gather [hbm4b:s4+s28], $0x80, s3, s28, $0xb8;
	[tilespmem:$0x19100] =	vst v63  }
0x60: {  	_ =	swait.ge [sflag:s30], $0x2800  }
.Ltmp1:
0x61: {  	[sflag:s30] =	ssyncset.done $0x0;
	(pc) =	sbr.rel @p0 .LBB2_4-.Ltmp1, $4  }
0x62: {  	[sflag:s30] =	ssyncadd.s32 $0xFFFFD800  }
0x63: {  	[spmem:s1] =	stream.indirect.scatter.add.f32 [tilespmem:s29], [sflag:$0x2], $0x80, s26, s28, $0xb8;
	[tilespmem:$0x19100] =	vst v63  }
0x64: {  	_ =	swait.ge [sflag:s25], $0x2800  }
0x65: {  	s2 =	smov.u32 s15;
	[sflag:s25] =	ssyncset.done $0x0  }
0x66: {  	s2 =	sadd.s32 s0, s23;
	[sflag:s25] =	ssyncadd.s32 $0xFFFFD800  }
0x67: {  	[tilespmem:s3], [sflag:$0x2] =	stream.linear.gather [hbm4b:s2+s3], $0x50, $0x38;
	[tilespmem:$0x19100] =	vst v63  }
0x68: {  	_ =	swait.ge [sflag:s25], $0x50  }
0x69: {  	[sflag:s25] =	ssyncset.done $0x0  }
0x6a: {  	s2 =	sadd.s32 s0, s22;
	[sflag:s25] =	ssyncadd.s32 $0xFFFFFFB0  }
0x6b: {  	[tilespmem:s26], [sflag:$0x2] =	stream.linear.gather [hbm4b:s2+s3], $0x50, $0x38;
	[tilespmem:$0x19100] =	vst v63  }
0x6c: {  	_ =	swait.ge [sflag:s25], $0x50  }
0x6d: {  	[sflag:s25] =	ssyncset.done $0x0  }
0x6e: {  	[sflag:s25] =	ssyncadd.s32 $0xFFFFFFB0  }
0x6f: {  	[tilespmem:s29], [sflag:$0x1] =	stream.indirect.gather [hbm4b:s4+s28], $0x80, s3, s28, $0xb8;
	[tilespmem:$0x19100] =	vst v63  }
0x70: {  	_ =	swait.ge [sflag:s30], $0x2800  }
0x71: {  	[sflag:s30] =	ssyncset.done $0x0  }
0x72: {  	[sflag:s30] =	ssyncadd.s32 $0xFFFFD800  }
0x73: {  	[spmem:s1] =	stream.indirect.scatter.add.f32 [tilespmem:s29], [sflag:$0x2], $0x80, s26, s28, $0xb8;
	[tilespmem:$0x19100] =	vst v63  }
0x74: {  	_ =	swait.ge [sflag:s25], $0x2800  }
0x75: {  	[sflag:s25] =	ssyncset.done $0x0  }
0x76: {  	[sflag:s25] =	ssyncadd.s32 $0xFFFFD800  }
0x77: {  	[bflag:$0x0] =	sbarrier.arrive $0xFFFF  }
0x78: {  	[tilespmem:s24], [sflag:$0x2] =	stream.linear.gather [spmem:s5], $0x2800, $0x38;
	[tilespmem:$0x19100] =	vst v63  }
0x79: {  	_ =	swait.ge [sflag:s25], $0x2800  }
0x7a: {  	[sflag:s25] =	ssyncset.done $0x0  }
0x7b: {  	s6 =	rddreg [dreg:$0x4];
	[sflag:s25] =	ssyncadd.s32 $0xFFFFD800  }
0x7c: {  	[hbm4b:s6+s3] =	stream.linear.scatter [tilespmem:s24], [sflag:$0x2], $0x2800, $0x38;
	[tilespmem:$0x19100] =	vst v63  }
0x7d: {  	_ =	swait.ge [sflag:s25], $0x2800  }
0x7e: {  	[sflag:s25] =	ssyncset.done $0x0  }
0x7f: {  	[sflag:s25] =	ssyncadd.s32 $0xFFFFD800  }
0x80: {  	[tilespmem:s24], [sflag:$0x2] =	stream.linear.gather [spmem:s7], $0x2800, $0x38;
	[tilespmem:$0x19100] =	vst v63  }
0x81: {  	_ =	swait.ge [sflag:s25], $0x2800  }
0x82: {  	[sflag:s25] =	ssyncset.done $0x0  }
0x83: {  	s14 =	rddreg [dreg:$0x5];
	[sflag:s25] =	ssyncadd.s32 $0xFFFFD800  }
0x84: {  	[hbm4b:s14+s3] =	stream.linear.scatter [tilespmem:s24], [sflag:$0x2], $0x2800, $0x38;
	[tilespmem:$0x19100] =	vst v63  }
0x85: {  	_ =	swait.ge [sflag:s25], $0x2800  }
0x86: {  	[sflag:s25] =	ssyncset.done $0x0  }
0x87: {  	[sflag:s25] =	ssyncadd.s32 $0xFFFFD800  }
0x88: {  	[tilespmem:s24], [sflag:$0x2] =	stream.linear.gather [spmem:s8], $0x2800, $0x38;
	[tilespmem:$0x19100] =	vst v63  }
0x89: {  	_ =	swait.ge [sflag:s25], $0x2800  }
0x8a: {  	[sflag:s25] =	ssyncset.done $0x0  }
0x8b: {  	[sflag:s25] =	ssyncadd.s32 $0xFFFFD800  }
0x8c: {  	[hbm4b:s16+s3] =	stream.linear.scatter [tilespmem:s24], [sflag:$0x2], $0x2800, $0x38;
	[tilespmem:$0x19100] =	vst v63  }
0x8d: {  	_ =	swait.ge [sflag:s25], $0x2800  }
0x8e: {  	[sflag:s25] =	ssyncset.done $0x0  }
0x8f: {  	[sflag:s25] =	ssyncadd.s32 $0xFFFFD800  }
0x90: {  	[tilespmem:s24], [sflag:$0x2] =	stream.linear.gather [spmem:s9], $0x2800, $0x38;
	[tilespmem:$0x19100] =	vst v63  }
0x91: {  	_ =	swait.ge [sflag:s25], $0x2800  }
0x92: {  	[sflag:s25] =	ssyncset.done $0x0  }
0x93: {  	[sflag:s25] =	ssyncadd.s32 $0xFFFFD800  }
0x94: {  	[hbm4b:s17+s3] =	stream.linear.scatter [tilespmem:s24], [sflag:$0x2], $0x2800, $0x38;
	[tilespmem:$0x19100] =	vst v63  }
0x95: {  	_ =	swait.ge [sflag:s25], $0x2800  }
0x96: {  	[sflag:s25] =	ssyncset.done $0x0  }
0x97: {  	[sflag:s25] =	ssyncadd.s32 $0xFFFFD800  }
0x98: {  	[tilespmem:s24], [sflag:$0x2] =	stream.linear.gather [spmem:s10], $0x2800, $0x38;
	[tilespmem:$0x19100] =	vst v63  }
0x99: {  	_ =	swait.ge [sflag:s25], $0x2800  }
0x9a: {  	[sflag:s25] =	ssyncset.done $0x0  }
0x9b: {  	[sflag:s25] =	ssyncadd.s32 $0xFFFFD800  }
0x9c: {  	[hbm4b:s18+s3] =	stream.linear.scatter [tilespmem:s24], [sflag:$0x2], $0x2800, $0x38;
	[tilespmem:$0x19100] =	vst v63  }
0x9d: {  	_ =	swait.ge [sflag:s25], $0x2800  }
0x9e: {  	[sflag:s25] =	ssyncset.done $0x0  }
0x9f: {  	[sflag:s25] =	ssyncadd.s32 $0xFFFFD800  }
0xa0: {  	[tilespmem:s24], [sflag:$0x2] =	stream.linear.gather [spmem:s11], $0x2800, $0x38;
	[tilespmem:$0x19100] =	vst v63  }
0xa1: {  	_ =	swait.ge [sflag:s25], $0x2800  }
0xa2: {  	[sflag:s25] =	ssyncset.done $0x0  }
0xa3: {  	[sflag:s25] =	ssyncadd.s32 $0xFFFFD800  }
0xa4: {  	[hbm4b:s19+s3] =	stream.linear.scatter [tilespmem:s24], [sflag:$0x2], $0x2800, $0x38;
	[tilespmem:$0x19100] =	vst v63  }
0xa5: {  	_ =	swait.ge [sflag:s25], $0x2800  }
0xa6: {  	[sflag:s25] =	ssyncset.done $0x0  }
0xa7: {  	[sflag:s25] =	ssyncadd.s32 $0xFFFFD800  }
0xa8: {  	[tilespmem:s24], [sflag:$0x2] =	stream.linear.gather [spmem:s12], $0x2800, $0x38;
	[tilespmem:$0x19100] =	vst v63  }
0xa9: {  	_ =	swait.ge [sflag:s25], $0x2800  }
0xaa: {  	[sflag:s25] =	ssyncset.done $0x0  }
0xab: {  	[sflag:s25] =	ssyncadd.s32 $0xFFFFD800  }
0xac: {  	[hbm4b:s20+s3] =	stream.linear.scatter [tilespmem:s24], [sflag:$0x2], $0x2800, $0x38;
	[tilespmem:$0x19100] =	vst v63  }
0xad: {  	_ =	swait.ge [sflag:s25], $0x2800  }
0xae: {  	[sflag:s25] =	ssyncset.done $0x0  }
0xaf: {  	[sflag:s25] =	ssyncadd.s32 $0xFFFFD800  }
0xb0: {  	[tilespmem:s24], [sflag:$0x2] =	stream.linear.gather [spmem:s13], $0x2800, $0x38;
	[tilespmem:$0x19100] =	vst v63  }
0xb1: {  	_ =	swait.ge [sflag:s25], $0x2800  }
0xb2: {  	[sflag:s25] =	ssyncset.done $0x0  }
0xb3: {  	[sflag:s25] =	ssyncadd.s32 $0xFFFFD800  }
0xb4: {  	[hbm4b:s21+s3] =	stream.linear.scatter [tilespmem:s24], [sflag:$0x2], $0x2800, $0x38;
	[tilespmem:$0x19100] =	vst v63  }
0xb5: {  	_ =	swait.ge [sflag:s25], $0x2800  }
0xb6: {  	s31 =	sadd.s32 $0x1, s31;
	s15 =	rddreg [dreg:$0x3]  }
0xb7: {  	p0 =	sne.s32 s31, s15  }
.Ltmp2:
0xb8: {  	_ = 	snop;
	(pc) =	sbr.rel @p0 .LBB2_1-.Ltmp2, $3  }
0xb9: {  	_ =	sdelay $0x1  }
0xba: {  	[sflag:s25] =	ssyncset.done $0x0  }
0xbb: {  	[sflag:s25] =	ssyncadd.s32 $0xFFFFD800  }
0xbc: {  	_ =	sfence.sel $0x180000  }
0xbd: {  	[bflag:$0x0] =	sbarrier.arrive $0xFFFF  }
0xbe: {  	_ =	strace $0x9000004A  }
0xbf: {  	s0 =	stileid.u32;
	[bflag:$0x2] =	sbarrier.arrive $0xFFFF  }
0xc0: {  	p0 =	sne.s32 s0, $0x0;
	s0 =	rddreg [dreg:$0x2]  }
0xc1: {  	s0 =	sadd.s32 @!p0 $0x100000, s0  }
0xc2: {  	[sflag:s0] =	ssyncadd.tile.s32 @!p0 $0x1;
	_ =	shalt  }
.Lfunc_end2:
_tile_overlayer_lowered:
.L_overlay_start_2:
0xc3: {  	(tag) =	ssettag $0x2  }
0xc4: {  	s0 =	rddreg [dreg:$0x0];
	s2 =	stileid.u32  }
0xc5: {  	s1 =	rddreg [dreg:$0x1];
	p0 =	sne.s32 s2, $0x0  }
0xc6: {  	s3 =	rddreg [dreg:$0x2];
	[bflag:$0x3] =	sbarrier.arrive $0xFFFF;
	s2 =	simm.s32 @!p0 $0x1C02  }
0xc7: {  	[timem:s3], [sflag:s2] =	dma.local @!p0 [hbm:s0], s1  }
0xc8: {  	s0 =	simm.s32 @!p0 $0x2  }
0xc9: {  	_ =	swait.ge @!p0 [sflag:s0], s1  }
0xca: {  	s1 =	ssub.s32 @!p0 $0x0, s1;
	[sflag:s0] =	ssyncset.done @!p0 $0x0  }
0xcb: {  	[sflag:s0] =	ssyncadd.s32 @!p0 s1  }
0xcc: {  	[bflag:$0x3] =	sbarrier.arrive $0xFFFF  }
0xcd: {  	_ =	shalt  }

// kernel: kernel.16.cloned.1.call-start
scs
__scs_entry_jumppad:
0x0: {  	(pc) =	sbr.rel $0x88, $3  }
0x1: {  	(tag) =	ssettag $0x0;
	lr =	simm.s32 $0x1  }
0x2: {  	[smem:$0x3F92] =	sst lr;
	_ =	strace $0xD0000000  }
0x3: {  	_ = 	snop  }
0x4: {  	_ = 	snop  }
0x5: {  	_ = 	snop  }
0x6: {  	_ = 	snop  }
0x7: {  	_ = 	snop  }
__scs_overlays_trampoline_lowered:
0x8: {  	[smem:$0x3FA1] =	sst s0  }
0x9: {  	[smem:$0x3FA2] =	sst s1  }
0xa: {  	[smem:$0x3FA3] =	sst s2  }
0xb: {  	[smem:$0x3FA4] =	sst s3  }
0xc: {  	[smem:$0x3FA5] =	sst s4  }
0xd: {  	[smem:$0x3FA6] =	sst s5  }
0xe: {  	[smem:$0x3FA7] =	sst s6  }
0xf: {  	[smem:$0x3FA8] =	sst s7  }
0x10: {  	[smem:$0x3FA9] =	sst s8  }
0x11: {  	[smem:$0x3FAA] =	sst s9;
	s0 =	simm.s32 @!p0 $0x0  }
0x12: {  	s1 =	sld [smem:$0x3F90];
	s0 =	simm.s32 @p0 $0x1  }
0x13: {  	[smem:$0x3FAB] =	sst s0;
	s0 =	simm.s32 @!p1 $0x0  }
0x14: {  	s2 =	sld [smem:$0x3F8F];
	s0 =	simm.s32 @p1 $0x1  }
0x15: {  	[smem:$0x3FAC] =	sst s0;
	s0 =	simm.s32 @!p2 $0x0  }
0x16: {  	s3 =	sld [smem:$0x3FDB];
	s0 =	simm.s32 @p2 $0x1  }
0x17: {  	s4 =	simm.s32 $0x1BF5;
	[smem:$0x3FAE] =	sst s0  }
0x18: {  	s0 =	sld [smem:$0x3F91];
	_ =	swait.ge [sflag:s4], $0x0  }
0x19: {  	s7 =	sld [smem:$0x3F92]  }
0x1a: {  	s8 =	sadd.s32 $0xFFFFE003, lr  }
0x1b: {  	s9 =	sadd.s32 $0xFFFFFEF7, lr;
	s5 =	simm.s32 $0xFFFFFFFF;
	p2 =	slt.u32 s8, $0xFFFFF086  }
0x1c: {  	p1 =	slt.u32 s9, $0xF7A;
	s5 =	simm.s32 @!p2 $0x0  }
0x1d: {  	s5 =	simm.s32 @p1 $0x1;
	p0 =	seq.s32 s7, s2  }
0x1e: {  	s7 =	smul.u32 @!p0 $0xF7A, s2;
	p2 =	seq.s32 @!p0 s5, $0x0  }
0x1f: {  	s9 =	smul.u32 $0xF7A, s1;
	s8 =	simm.s32 @!p0 $0x1BF5;
	p2 =	por !p2, p0  }
0x20: {  	[sflag:s8] =	ssyncset.s32 @!p0 $0xFFFFF086;
	s6 =	sadd.s32 @!p0 s3, s7;
	s7 =	simm.s32 @!p0 $0x108  }
0x21: {  	s3 =	sadd.s32 s3, s9;
	s6 =	sadd.s32 @!p0 $0x88, s6;
	s7 =	simm.s32 @p2 $0x1082  }
0x22: {  	[simem:s7], [sflag:s8] =	dma.local @!p0 [hbm:s6], $0xF7A  }
0x23: {  	s9 =	sor.u32 $0xD0000000, s2;
	s6 =	simm.s32 $0x108;
	_ =	swait.ge @!p0 [sflag:s8], $0x0  }
0x24: {  	s3 =	sadd.s32 $0x88, s3;
	s6 =	simm.s32 @!p1 $0x1082;
	[sflag:s4] =	ssyncset.s32 $0xFFFFF086  }
0x25: {  	[simem:s6], [sflag:s4] =	dma.local [hbm:s3], $0xF7A  }
0x26: {  	[smem:$0x3F92] =	sst s1;
	(tag) =	ssettag s2;
	_ =	strace s9  }
0x27: {  	s1 =	sld [smem:$0x3FA2]  }
0x28: {  	s2 =	sld [smem:$0x3FA3]  }
0x29: {  	s4 =	sld [smem:$0x3FA5]  }
0x2a: {  	p0 =	seq.s32 s5, $0x0;
	s5 =	sld [smem:$0x3FA6]  }
0x2b: {  	s6 =	sld [smem:$0x3FA7]  }
0x2c: {  	s7 =	sld [smem:$0x3FA8]  }
0x2d: {  	s3 =	simm.s32 $0x108;
	s8 =	sld [smem:$0x3FA9]  }
0x2e: {  	s3 =	simm.s32 @!p0 $0x1082;
	s9 =	sld [smem:$0x3FAA]  }
0x2f: {  	lr =	sadd.s32 s0, s3;
	s0 =	sld [smem:$0x3FA1]  }
0x30: {  	s3 =	sld [smem:$0x3FA4]  }
0x31: {  	[smem:$0x3FAD] =	sst s10  }
0x32: {  	s10 =	sld [smem:$0x3FAB];
	_ =	sdelay $0x3  }
0x33: {  	p0 =	seq.s32 s10, $0x1;
	s10 =	sld [smem:$0x3FAD];
	_ =	sdelay $0x3  }
0x34: {  	[smem:$0x3FAD] =	sst s10  }
0x35: {  	s10 =	sld [smem:$0x3FAC];
	_ =	sdelay $0x3  }
0x36: {  	p1 =	seq.s32 s10, $0x1;
	s10 =	sld [smem:$0x3FAD];
	_ =	sdelay $0x3  }
0x37: {  	[smem:$0x3FAD] =	sst s10  }
0x38: {  	s10 =	sld [smem:$0x3FAE]  }
0x39: {  	_ = 	snop;
	(pc) =	sbr.ind lr, $3  }
0x3a: {  	_ = 	snop  }
0x3b: {  	_ = 	snop  }
0x3c: {  	p2 =	seq.s32 s10, $0x1;
	s10 =	sld [smem:$0x3FAD]  }
0x3d: {  	_ =	shalt  }
0x3e: {  	_ =	shalt  }
0x3f: {  	_ =	shalt  }
0x40: {  	_ =	shalt  }
0x41: {  	_ =	shalt  }
0x42: {  	_ =	shalt  }
0x43: {  	_ =	shalt  }
0x44: {  	_ =	shalt  }
0x45: {  	_ =	shalt  }
0x46: {  	_ =	shalt  }
0x47: {  	_ =	shalt  }
0x48: {  	_ =	shalt  }
0x49: {  	_ =	shalt  }
0x4a: {  	_ =	shalt  }
0x4b: {  	_ =	shalt  }
0x4c: {  	_ =	shalt  }
0x4d: {  	_ =	shalt  }
0x4e: {  	_ =	shalt  }
0x4f: {  	_ =	shalt  }
0x50: {  	_ =	shalt  }
0x51: {  	_ =	shalt  }
0x52: {  	_ =	shalt  }
0x53: {  	_ =	shalt  }
0x54: {  	_ =	shalt  }
0x55: {  	_ =	shalt  }
0x56: {  	_ =	shalt  }
0x57: {  	_ =	shalt  }
0x58: {  	_ =	shalt  }
0x59: {  	_ =	shalt  }
0x5a: {  	_ =	shalt  }
0x5b: {  	_ =	shalt  }
0x5c: {  	_ =	shalt  }
0x5d: {  	_ =	shalt  }
0x5e: {  	_ =	shalt  }
0x5f: {  	_ =	shalt  }
0x60: {  	_ =	shalt  }
0x61: {  	_ =	shalt  }
0x62: {  	_ =	shalt  }
0x63: {  	_ =	shalt  }
0x64: {  	_ =	shalt  }
0x65: {  	_ =	shalt  }
0x66: {  	_ =	shalt  }
0x67: {  	_ =	shalt  }
0x68: {  	_ =	shalt  }
0x69: {  	_ =	shalt  }
0x6a: {  	_ =	shalt  }
0x6b: {  	_ =	shalt  }
0x6c: {  	_ =	shalt  }
0x6d: {  	_ =	shalt  }
0x6e: {  	_ =	shalt  }
0x6f: {  	_ =	shalt  }
0x70: {  	_ =	shalt  }
0x71: {  	_ =	shalt  }
0x72: {  	_ =	shalt  }
0x73: {  	_ =	shalt  }
0x74: {  	_ =	shalt  }
0x75: {  	_ =	shalt  }
0x76: {  	_ =	shalt  }
0x77: {  	_ =	shalt  }
0x78: {  	_ =	shalt  }
0x79: {  	_ =	shalt  }
0x7a: {  	_ =	shalt  }
0x7b: {  	_ =	shalt  }
0x7c: {  	_ =	shalt  }
0x7d: {  	_ =	shalt  }
0x7e: {  	_ =	shalt  }
0x7f: {  	_ =	shalt  }
0x80: {  	_ =	shalt  }
0x81: {  	_ =	shalt  }
0x82: {  	_ =	shalt  }
0x83: {  	_ =	shalt  }
0x84: {  	_ =	shalt  }
0x85: {  	_ =	shalt  }
0x86: {  	_ =	shalt  }
0x87: {  	_ =	shalt  }
.Lfunc_end0:
.L_simem_size_0:
called_computation.2_lowered:
.L_overlay_start_0:
0x88: {  	s2 =	sld [smem:$0x3FD9]  }
0x89: {  	s3 =	sld [smem:$0x3FFE];
	_ =	sdelay $0x1  }
0x8a: {  	s1 =	srdreg.scid  }
0x8b: {  	s0 =	sand.u32 $0x1, s1  }
0x8c: {  	s16 =	sshll.u32 s0, $0xA;
	s2 =	sadd.s32 s3, s2  }
0x8d: {  	s2 =	sadd.s32 s2, s16  }
0x8e: {  	[smem:$0x3FB9] =	sst s2  }
0x8f: {  	_ = 	snop  }
0x90: {  	(tm) =	ssettm $0x1  }
0x91: {  	s17 =	sld [smem:$0x3FFB];
	_ =	sdelay $0x3  }
0x92: {  	_ =	strace s17  }
0x93: {  	s2 =	sld [smem:$0x3FFC];
	_ =	sdelay $0x3  }
0x94: {  	_ =	strace s2  }
0x95: {  	s2 =	sld [smem:$0x3FFD];
	_ =	sdelay $0x3  }
0x96: {  	_ =	strace s2  }
0x97: {  	_ =	strace $0x8FFFFFFF  }
0x98: {  	s18 =	sld [smem:$0x3FDB];
	_ =	sdelay $0x1  }
0x99: {  	s19 =	simm.s32 $_scs_section_size  }
0x9a: {  	s4 =	simm.s32 $_size__tile_overlayer_lowered;
	s5 =	simm.s32 $_tile_overlayer_lowered  }
0x9b: {  	s22 =	simm.s32 $0x1BFF;
	s21 =	sshll.u32 s5, $0x1;
	s2 =	sadd.s32 s19, s18  }
0x9c: {  	s6 =	simm.s32 $0x0;
	s20 =	sshll.u32 s4, $0x1;
	s4 =	sadd.s32 s21, s2  }
0x9d: {  	[timem:s6], [sflag:s22] =	dma.local [hbm:s4], s20  }
0x9e: {  	_ =	swait.ge [sflag:s22], s20  }
0x9f: {  	s3 =	ssub.s32 $0x0, s20;
	[sflag:s22] =	ssyncset.done $0x0  }
0xa0: {  	[sflag:s22] =	ssyncadd.s32 s3;
	_ =	sdelay $0x1  }
0xa1: {  	s23 =	simm.s32 $0x1B8B  }
0xa2: {  	_ =	swait.ge [sflag:s23], $0x1  }
0xa3: {  	[sflag:s23] =	ssyncset.done $0x0  }
0xa4: {  	s25 =	simm.s32 $0x1B8E;
	s24 =	sld [smem:$0x3FFE];
	[sflag:s23] =	ssyncadd.s32 $0xFFFFFFFF  }
0xa5: {  	s26 =	simm.s32 $execute0_lowered;
	[smem:$0x3FD2] =	sst s25  }
0xa6: {  	s4 =	sshll.u32 s26, $0x1;
	_ =	strace $0x8000004C;
	[dreg:$0x1] =	wrdreg $0xFFFFFFFF  }
0xa7: {  	s28 =	simm.s32 $_size_execute0_lowered;
	s2 =	sadd.s32 s2, s4;
	[dreg:$0x0] =	wrdreg $0x0  }
0xa8: {  	s4 =	sshll.u32 s28, $0x1;
	[dreg:$0x2] =	wrdreg s2  }
0xa9: {  	[dreg:$0x3] =	wrdreg s4  }
0xaa: {  	[dreg:$0x4] =	wrdreg $0xC0  }
0xab: {  	_ =	task [dreg:s6], $0x5FFFF  }
0xac: {  	[dreg:$0x1] =	wrdreg $0xFFFFFFFF  }
0xad: {  	[dreg:$0x0] =	wrdreg $0x60  }
0xae: {  	[dreg:$0x2] =	wrdreg s24  }
0xaf: {  	[dreg:$0x3] =	wrdreg $0x51000  }
0xb0: {  	[dreg:$0x4] =	wrdreg $0x9  }
0xb1: {  	_ =	task.clear_ibuf [dreg:s6], $0x5FFFF;
	_ =	strace $0x9000004C  }
0xb2: {  	s29 =	simm.s32 $0x9;
	_ =	strace $0x8000004E  }
0xb3: {  	_ =	swait.ge [sflag:s29], $0x1  }
0xb4: {  	[sflag:s29] =	ssyncadd.s32 $0xFFFFFFFF  }
0xb5: {  	_ =	strace $0x9000004E  }
0xb6: {  	_ =	sfence  }
0xb7: {  	s30 =	sld [smem:$0x0];
	_ =	sdelay $0x2  }
0xb8: {  	s31 =	sshll.u32 s1, $0xD;
	s1 =	sshrl.u32 s1, $0x2  }
0xb9: {  	s3 =	sand.u32 $0x4000, s31;
	s1 =	sadd.s32 s1, s30  }
0xba: {  	s0 =	sor.u32 s3, s0;
	s1 =	sshll.u32 s1, $0x11  }
0xbb: {  	s0 =	sor.u32 s1, s0  }
0xbc: {  	s0 =	sadd.s32 $0x8F2B, s0  }
0xbd: {  	[sflag:s0] =	ssyncadd.remote.s32 $0x1  }
0xbe: {  	_ =	sfence.sel $0xFFFF  }
0xbf: {  	[dreg:$0x0] =	wrdreg $0xFFFFFFFF;
	(pc) =	sbr.abs _section_cstart, $3  }
0xc0: {  	[dreg:$0x1] =	wrdreg $0xFFFFFFFF  }
0xc1: {  	_ =	task.clear_ibuf [dreg:s6], $0x2FFFF;
	_ =	strace $0x9FFFFFFF  }
0xc2: {  	(tm) =	ssettm $0x7FFFFFFF  }
0xc3: {  	_ =	shalt  }
tec
execute0_lowered:
.L_overlay_start_1:
0x0: {  	(tag) =	ssettag $0x1  }
0x1: {  	s0 =	rddreg [dreg:$0x0]  }
0x2: {  	s1 =	rddreg [dreg:$0x1];
	s8 =	stileid.u32  }
0x3: {  	s2 =	srdreg.scid;
	s6 =	smul.u32 $0x2710, s8  }
0x4: {  	s3 =	simm.s32 $0x0;
	s28 =	simm.s32 $0x50;
	s7 =	smul.u32 $0x280, s8  }
0x5: {  	s29 =	simm.s32 $0x100;
	s2 =	sand.u32 $0x1, s2;
	s8 =	smul.u32 $0x50000, s8  }
0x6: {  	s30 =	simm.s32 $0x1;
	s31 =	simm.s32 $0x0;
	s5 =	smul.u32 $0x27100, s2  }
0x7: {  	[smem:$0x7FF] =	sst s3;
	s20 =	smul.u32 $0x2800, s2;
	s2 =	ssub.s32 $0x2, s2  }
0x8: {  	s4 =	sadd.s32 $0x67E00, s0;
	_ =	strace $0x8000004D;
	s22 =	sshrl.u32 s2, $0x1  }
0x9: {  	s24 =	sshrl.u32 s8, $0x2;
	s5 =	sadd.s32 s6, s5;
	s2 =	ssub.s32 s2, s22  }
0xa: {  	s21 =	sadd.s32 s7, s20;
	s5 =	sshrl.u32 s5, $0x3;
	s2 =	smax.u32 s2, $0x1  }
0xb: {  	s23 =	sadd.s32 s5, s0;
	s5 =	sshll.u32 s21, $0x4;
	[dreg:$0x3] =	wrdreg s2  }
0xc: {  	s0 =	sadd.s32 s5, s0;
	s5 =	sadd.s32 s24, s1;
	s22 =	sadd.s32 $0xDA00, s23  }
0xd: {  	s23 =	sadd.s32 $0x3C00, s23;
	s24 =	simm.s32 $0x2900;
	s7 =	sadd.s32 $0x2800, s5  }
0xe: {  	s8 =	sadd.s32 $0x5000, s5;
	s9 =	sadd.s32 $0x7800, s5;
	s10 =	sadd.s32 $0xA000, s5  }
0xf: {  	s11 =	sadd.s32 $0xC800, s5;
	s12 =	sadd.s32 $0xF000, s5;
	s13 =	sadd.s32 $0x11800, s5  }
0x10: {  	s25 =	sadd.s32 $0x8F000, s0;
	s26 =	sadd.s32 $0x8F500, s0;
	s16 =	sadd.s32 $0x8FA00, s0  }
0x11: {  	s17 =	sadd.s32 $0x8FF00, s0;
	s18 =	sadd.s32 $0x90400, s0;
	s19 =	sadd.s32 $0x90900, s0  }
0x12: {  	s20 =	sadd.s32 $0x90E00, s0;
	s21 =	sadd.s32 $0x91300, s0;
	[dreg:$0x4] =	wrdreg s25  }
0x13: {  	v0 =	vimm.f32 $0.0e+00;
	[dreg:$0x5] =	wrdreg s26;
	s25 =	simm.s32 $0x2;
	s26 =	simm.s32 $0x80  }
.LBB2_1:
0x14: {  	s0 =	simm.s32 $0x0;
	s2 =	simm.s32 $0x200  }
.LBB2_2:
0x15: {  	p0 =	sne.s32 s2, $0x9E00;
	[tilespmem:s0+$0x2970] =	vst v0  }
0x16: {  	[tilespmem:s0+$0x2900] =	vst v0  }
0x17: {  	[tilespmem:s0+$0x2910] =	vst v0  }
.Ltmp0:
0x18: {  	[tilespmem:s0+$0x2920] =	vst v0;
	(pc) =	sbr.rel @p0 .LBB2_2-.Ltmp0, $4  }
0x19: {  	[tilespmem:s0+$0x2930] =	vst v0  }
0x1a: {  	[tilespmem:s0+$0x2940] =	vst v0  }
0x1b: {  	[tilespmem:s0+$0x2950] =	vst v0  }
0x1c: {  	[tilespmem:s0+$0x2960] =	vst v0;
	s0 =	sshra.s32 s2, $0x2;
	s2 =	sadd.s32 $0x200, s2  }
0x1d: {  	[tilespmem:s0+$0x2970] =	vst v0  }
0x1e: {  	[tilespmem:s0+$0x2900] =	vst v0  }
0x1f: {  	[tilespmem:s0+$0x2910] =	vst v0  }
0x20: {  	[tilespmem:s0+$0x2920] =	vst v0  }
0x21: {  	[tilespmem:s0+$0x2930] =	vst v0  }
0x22: {  	[tilespmem:s0+$0x2940] =	vst v0  }
0x23: {  	[tilespmem:s0+$0x2950] =	vst v0  }
0x24: {  	[tilespmem:s0+$0x2960] =	vst v0  }
0x25: {  	[spmem:s5] =	stream.linear.scatter [tilespmem:s24], [sflag:$0x2], $0x2800, $0x38;
	[tilespmem:$0x19100] =	vst v63  }
0x26: {  	_ =	swait.ge [sflag:s25], $0x2800  }
0x27: {  	[sflag:s25] =	ssyncset.done $0x0  }
0x28: {  	[sflag:s25] =	ssyncadd.s32 $0xFFFFD800  }
0x29: {  	[spmem:s7] =	stream.linear.scatter [tilespmem:s24], [sflag:$0x2], $0x2800, $0x38;
	[tilespmem:$0x19100] =	vst v63  }
0x2a: {  	_ =	swait.ge [sflag:s25], $0x2800  }
0x2b: {  	[sflag:s25] =	ssyncset.done $0x0  }
0x2c: {  	[sflag:s25] =	ssyncadd.s32 $0xFFFFD800  }
0x2d: {  	[spmem:s8] =	stream.linear.scatter [tilespmem:s24], [sflag:$0x2], $0x2800, $0x38;
	[tilespmem:$0x19100] =	vst v63  }
0x2e: {  	_ =	swait.ge [sflag:s25], $0x2800  }
0x2f: {  	[sflag:s25] =	ssyncset.done $0x0  }
0x30: {  	[sflag:s25] =	ssyncadd.s32 $0xFFFFD800  }
0x31: {  	[spmem:s9] =	stream.linear.scatter [tilespmem:s24], [sflag:$0x2], $0x2800, $0x38;
	[tilespmem:$0x19100] =	vst v63  }
0x32: {  	_ =	swait.ge [sflag:s25], $0x2800  }
0x33: {  	[sflag:s25] =	ssyncset.done $0x0  }
0x34: {  	[sflag:s25] =	ssyncadd.s32 $0xFFFFD800  }
0x35: {  	[spmem:s10] =	stream.linear.scatter [tilespmem:s24], [sflag:$0x2], $0x2800, $0x38;
	[tilespmem:$0x19100] =	vst v63  }
0x36: {  	_ =	swait.ge [sflag:s25], $0x2800  }
0x37: {  	[sflag:s25] =	ssyncset.done $0x0  }
0x38: {  	[sflag:s25] =	ssyncadd.s32 $0xFFFFD800  }
0x39: {  	[spmem:s11] =	stream.linear.scatter [tilespmem:s24], [sflag:$0x2], $0x2800, $0x38;
	[tilespmem:$0x19100] =	vst v63  }
0x3a: {  	_ =	swait.ge [sflag:s25], $0x2800  }
0x3b: {  	[sflag:s25] =	ssyncset.done $0x0  }
0x3c: {  	[sflag:s25] =	ssyncadd.s32 $0xFFFFD800  }
0x3d: {  	[spmem:s12] =	stream.linear.scatter [tilespmem:s24], [sflag:$0x2], $0x2800, $0x38;
	[tilespmem:$0x19100] =	vst v63  }
0x3e: {  	_ =	swait.ge [sflag:s25], $0x2800  }
0x3f: {  	[sflag:s25] =	ssyncset.done $0x0  }
0x40: {  	[sflag:s25] =	ssyncadd.s32 $0xFFFFD800  }
0x41: {  	[spmem:s13] =	stream.linear.scatter [tilespmem:s24], [sflag:$0x2], $0x2800, $0x38;
	[tilespmem:$0x19100] =	vst v63  }
0x42: {  	_ =	swait.ge [sflag:s25], $0x2800  }
0x43: {  	[sflag:s25] =	ssyncset.done $0x0  }
0x44: {  	[sflag:s25] =	ssyncadd.s32 $0xFFFFD800  }
0x45: {  	s14 =	sadd.s32 $0x0, s23;
	[bflag:$0x0] =	sbarrier.arrive $0xFFFF  }
0x46: {  	[tilespmem:s3], [sflag:$0x2] =	stream.linear.gather [hbm4b:s14+s3], $0x50, $0x38;
	[tilespmem:$0x19100] =	vst v63  }
0x47: {  	_ =	swait.ge [sflag:s25], $0x50  }
0x48: {  	[sflag:s25] =	ssyncset.done $0x0  }
0x49: {  	s15 =	sadd.s32 $0x0, s22;
	[sflag:s25] =	ssyncadd.s32 $0xFFFFFFB0  }
0x4a: {  	[tilespmem:s26], [sflag:$0x2] =	stream.linear.gather [hbm4b:s15+s3], $0x50, $0x38;
	[tilespmem:$0x19100] =	vst v63  }
0x4b: {  	_ =	swait.ge [sflag:s25], $0x50  }
0x4c: {  	[sflag:s25] =	ssyncset.done $0x0  }
0x4d: {  	[sflag:s25] =	ssyncadd.s32 $0xFFFFFFB0  }
0x4e: {  	[tilespmem:s29], [sflag:$0x1] =	stream.indirect.gather [hbm4b:s4+s28], $0x80, s3, s28, $0xb8;
	[tilespmem:$0x19100] =	vst v63  }
0x4f: {  	_ =	swait.ge [sflag:s30], $0x2800  }
0x50: {  	[sflag:s30] =	ssyncset.done $0x0  }
0x51: {  	[sflag:s30] =	ssyncadd.s32 $0xFFFFD800  }
0x52: {  	[spmem:s1] =	stream.indirect.scatter.add.f32 [tilespmem:s29], [sflag:$0x2], $0x80, s26, s28, $0xb8;
	[tilespmem:$0x19100] =	vst v63  }
0x53: {  	_ =	swait.ge [sflag:s25], $0x2800  }
0x54: {  	s0 =	simm.s32 $0xA;
	s2 =	simm.s32 $0x14;
	[sflag:s25] =	ssyncset.done $0x0  }
.LBB2_4:
0x55: {  	s6 =	sadd.s32 s0, s23  }
0x56: {  	[sflag:s25] =	ssyncadd.s32 $0xFFFFD800;
	s14 =	smov.u32 s2;
	s15 =	sadd.s32 $0xA, s2  }
0x57: {  	[tilespmem:s3], [sflag:$0x2] =	stream.linear.gather [hbm4b:s6+s3], $0x50, $0x38;
	[tilespmem:$0x19100] =	vst v63  }
0x58: {  	p0 =	sne.s32 s2, $0x4D8;
	_ =	swait.ge [sflag:s25], $0x50  }
0x59: {  	[sflag:s25] =	ssyncset.done $0x0  }
0x5a: {  	s2 =	sadd.s32 s0, s22;
	s0 =	smov.u32 s14;
	[sflag:s25] =	ssyncadd.s32 $0xFFFFFFB0  }
0x5b: {  	[tilespmem:s26], [sflag:$0x2] =	stream.linear.gather [hbm4b:s2+s3], $0x50, $0x38;
	[tilespmem:$0x19100] =	vst v63  }
0x5c: {  	_ =	swait.ge [sflag:s25], $0x50  }
0x5d: {  	[sflag:s25] =	ssyncset.done $0x0  }
0x5e: {  	[sflag:s25] =	ssyncadd.s32 $0xFFFFFFB0  }
0x5f: {  	[tilespmem:s29], [sflag:$0x1] =	stream.indirect.gather [hbm4b:s4+s28], $0x80, s3, s28, $0xb8;
	[tilespmem:$0x19100] =	vst v63  }
0x60: {  	_ =	swait.ge [sflag:s30], $0x2800  }
.Ltmp1:
0x61: {  	[sflag:s30] =	ssyncset.done $0x0;
	(pc) =	sbr.rel @p0 .LBB2_4-.Ltmp1, $4  }
0x62: {  	[sflag:s30] =	ssyncadd.s32 $0xFFFFD800  }
0x63: {  	[spmem:s1] =	stream.indirect.scatter.add.f32 [tilespmem:s29], [sflag:$0x2], $0x80, s26, s28, $0xb8;
	[tilespmem:$0x19100] =	vst v63  }
0x64: {  	_ =	swait.ge [sflag:s25], $0x2800  }
0x65: {  	s2 =	smov.u32 s15;
	[sflag:s25] =	ssyncset.done $0x0  }
0x66: {  	s2 =	sadd.s32 s0, s23;
	[sflag:s25] =	ssyncadd.s32 $0xFFFFD800  }
0x67: {  	[tilespmem:s3], [sflag:$0x2] =	stream.linear.gather [hbm4b:s2+s3], $0x50, $0x38;
	[tilespmem:$0x19100] =	vst v63  }
0x68: {  	_ =	swait.ge [sflag:s25], $0x50  }
0x69: {  	[sflag:s25] =	ssyncset.done $0x0  }
0x6a: {  	s2 =	sadd.s32 s0, s22;
	[sflag:s25] =	ssyncadd.s32 $0xFFFFFFB0  }
0x6b: {  	[tilespmem:s26], [sflag:$0x2] =	stream.linear.gather [hbm4b:s2+s3], $0x50, $0x38;
	[tilespmem:$0x19100] =	vst v63  }
0x6c: {  	_ =	swait.ge [sflag:s25], $0x50  }
0x6d: {  	[sflag:s25] =	ssyncset.done $0x0  }
0x6e: {  	[sflag:s25] =	ssyncadd.s32 $0xFFFFFFB0  }
0x6f: {  	[tilespmem:s29], [sflag:$0x1] =	stream.indirect.gather [hbm4b:s4+s28], $0x80, s3, s28, $0xb8;
	[tilespmem:$0x19100] =	vst v63  }
0x70: {  	_ =	swait.ge [sflag:s30], $0x2800  }
0x71: {  	[sflag:s30] =	ssyncset.done $0x0  }
0x72: {  	[sflag:s30] =	ssyncadd.s32 $0xFFFFD800  }
0x73: {  	[spmem:s1] =	stream.indirect.scatter.add.f32 [tilespmem:s29], [sflag:$0x2], $0x80, s26, s28, $0xb8;
	[tilespmem:$0x19100] =	vst v63  }
0x74: {  	_ =	swait.ge [sflag:s25], $0x2800  }
0x75: {  	[sflag:s25] =	ssyncset.done $0x0  }
0x76: {  	[sflag:s25] =	ssyncadd.s32 $0xFFFFD800  }
0x77: {  	[bflag:$0x0] =	sbarrier.arrive $0xFFFF  }
0x78: {  	[tilespmem:s24], [sflag:$0x2] =	stream.linear.gather [spmem:s5], $0x2800, $0x38;
	[tilespmem:$0x19100] =	vst v63  }
0x79: {  	_ =	swait.ge [sflag:s25], $0x2800  }
0x7a: {  	[sflag:s25] =	ssyncset.done $0x0  }
0x7b: {  	s6 =	rddreg [dreg:$0x4];
	[sflag:s25] =	ssyncadd.s32 $0xFFFFD800  }
0x7c: {  	[hbm4b:s6+s3] =	stream.linear.scatter [tilespmem:s24], [sflag:$0x2], $0x2800, $0x38;
	[tilespmem:$0x19100] =	vst v63  }
0x7d: {  	_ =	swait.ge [sflag:s25], $0x2800  }
0x7e: {  	[sflag:s25] =	ssyncset.done $0x0  }
0x7f: {  	[sflag:s25] =	ssyncadd.s32 $0xFFFFD800  }
0x80: {  	[tilespmem:s24], [sflag:$0x2] =	stream.linear.gather [spmem:s7], $0x2800, $0x38;
	[tilespmem:$0x19100] =	vst v63  }
0x81: {  	_ =	swait.ge [sflag:s25], $0x2800  }
0x82: {  	[sflag:s25] =	ssyncset.done $0x0  }
0x83: {  	s14 =	rddreg [dreg:$0x5];
	[sflag:s25] =	ssyncadd.s32 $0xFFFFD800  }
0x84: {  	[hbm4b:s14+s3] =	stream.linear.scatter [tilespmem:s24], [sflag:$0x2], $0x2800, $0x38;
	[tilespmem:$0x19100] =	vst v63  }
0x85: {  	_ =	swait.ge [sflag:s25], $0x2800  }
0x86: {  	[sflag:s25] =	ssyncset.done $0x0  }
0x87: {  	[sflag:s25] =	ssyncadd.s32 $0xFFFFD800  }
0x88: {  	[tilespmem:s24], [sflag:$0x2] =	stream.linear.gather [spmem:s8], $0x2800, $0x38;
	[tilespmem:$0x19100] =	vst v63  }
0x89: {  	_ =	swait.ge [sflag:s25], $0x2800  }
0x8a: {  	[sflag:s25] =	ssyncset.done $0x0  }
0x8b: {  	[sflag:s25] =	ssyncadd.s32 $0xFFFFD800  }
0x8c: {  	[hbm4b:s16+s3] =	stream.linear.scatter [tilespmem:s24], [sflag:$0x2], $0x2800, $0x38;
	[tilespmem:$0x19100] =	vst v63  }
0x8d: {  	_ =	swait.ge [sflag:s25], $0x2800  }
0x8e: {  	[sflag:s25] =	ssyncset.done $0x0  }
0x8f: {  	[sflag:s25] =	ssyncadd.s32 $0xFFFFD800  }
0x90: {  	[tilespmem:s24], [sflag:$0x2] =	stream.linear.gather [spmem:s9], $0x2800, $0x38;
	[tilespmem:$0x19100] =	vst v63  }
0x91: {  	_ =	swait.ge [sflag:s25], $0x2800  }
0x92: {  	[sflag:s25] =	ssyncset.done $0x0  }
0x93: {  	[sflag:s25] =	ssyncadd.s32 $0xFFFFD800  }
0x94: {  	[hbm4b:s17+s3] =	stream.linear.scatter [tilespmem:s24], [sflag:$0x2], $0x2800, $0x38;
	[tilespmem:$0x19100] =	vst v63  }
0x95: {  	_ =	swait.ge [sflag:s25], $0x2800  }
0x96: {  	[sflag:s25] =	ssyncset.done $0x0  }
0x97: {  	[sflag:s25] =	ssyncadd.s32 $0xFFFFD800  }
0x98: {  	[tilespmem:s24], [sflag:$0x2] =	stream.linear.gather [spmem:s10], $0x2800, $0x38;
	[tilespmem:$0x19100] =	vst v63  }
0x99: {  	_ =	swait.ge [sflag:s25], $0x2800  }
0x9a: {  	[sflag:s25] =	ssyncset.done $0x0  }
0x9b: {  	[sflag:s25] =	ssyncadd.s32 $0xFFFFD800  }
0x9c: {  	[hbm4b:s18+s3] =	stream.linear.scatter [tilespmem:s24], [sflag:$0x2], $0x2800, $0x38;
	[tilespmem:$0x19100] =	vst v63  }
0x9d: {  	_ =	swait.ge [sflag:s25], $0x2800  }
0x9e: {  	[sflag:s25] =	ssyncset.done $0x0  }
0x9f: {  	[sflag:s25] =	ssyncadd.s32 $0xFFFFD800  }
0xa0: {  	[tilespmem:s24], [sflag:$0x2] =	stream.linear.gather [spmem:s11], $0x2800, $0x38;
	[tilespmem:$0x19100] =	vst v63  }
0xa1: {  	_ =	swait.ge [sflag:s25], $0x2800  }
0xa2: {  	[sflag:s25] =	ssyncset.done $0x0  }
0xa3: {  	[sflag:s25] =	ssyncadd.s32 $0xFFFFD800  }
0xa4: {  	[hbm4b:s19+s3] =	stream.linear.scatter [tilespmem:s24], [sflag:$0x2], $0x2800, $0x38;
	[tilespmem:$0x19100] =	vst v63  }
0xa5: {  	_ =	swait.ge [sflag:s25], $0x2800  }
0xa6: {  	[sflag:s25] =	ssyncset.done $0x0  }
0xa7: {  	[sflag:s25] =	ssyncadd.s32 $0xFFFFD800  }
0xa8: {  	[tilespmem:s24], [sflag:$0x2] =	stream.linear.gather [spmem:s12], $0x2800, $0x38;
	[tilespmem:$0x19100] =	vst v63  }
0xa9: {  	_ =	swait.ge [sflag:s25], $0x2800  }
0xaa: {  	[sflag:s25] =	ssyncset.done $0x0  }
0xab: {  	[sflag:s25] =	ssyncadd.s32 $0xFFFFD800  }
0xac: {  	[hbm4b:s20+s3] =	stream.linear.scatter [tilespmem:s24], [sflag:$0x2], $0x2800, $0x38;
	[tilespmem:$0x19100] =	vst v63  }
0xad: {  	_ =	swait.ge [sflag:s25], $0x2800  }
0xae: {  	[sflag:s25] =	ssyncset.done $0x0  }
0xaf: {  	[sflag:s25] =	ssyncadd.s32 $0xFFFFD800  }
0xb0: {  	[tilespmem:s24], [sflag:$0x2] =	stream.linear.gather [spmem:s13], $0x2800, $0x38;
	[tilespmem:$0x19100] =	vst v63  }
0xb1: {  	_ =	swait.ge [sflag:s25], $0x2800  }
0xb2: {  	[sflag:s25] =	ssyncset.done $0x0  }
0xb3: {  	[sflag:s25] =	ssyncadd.s32 $0xFFFFD800  }
0xb4: {  	[hbm4b:s21+s3] =	stream.linear.scatter [tilespmem:s24], [sflag:$0x2], $0x2800, $0x38;
	[tilespmem:$0x19100] =	vst v63  }
0xb5: {  	_ =	swait.ge [sflag:s25], $0x2800  }
0xb6: {  	s31 =	sadd.s32 $0x1, s31;
	s15 =	rddreg [dreg:$0x3]  }
0xb7: {  	p0 =	sne.s32 s31, s15  }
.Ltmp2:
0xb8: {  	_ = 	snop;
	(pc) =	sbr.rel @p0 .LBB2_1-.Ltmp2, $3  }
0xb9: {  	_ =	sdelay $0x1  }
0xba: {  	[sflag:s25] =	ssyncset.done $0x0  }
0xbb: {  	[sflag:s25] =	ssyncadd.s32 $0xFFFFD800  }
0xbc: {  	_ =	sfence.sel $0x180000  }
0xbd: {  	[bflag:$0x0] =	sbarrier.arrive $0xFFFF  }
0xbe: {  	_ =	strace $0x9000004D  }
0xbf: {  	s0 =	stileid.u32;
	[bflag:$0x2] =	sbarrier.arrive $0xFFFF  }
0xc0: {  	p0 =	sne.s32 s0, $0x0;
	s0 =	rddreg [dreg:$0x2]  }
0xc1: {  	s0 =	sadd.s32 @!p0 $0x100000, s0  }
0xc2: {  	[sflag:s0] =	ssyncadd.tile.s32 @!p0 $0x1;
	_ =	shalt  }
.Lfunc_end2:
_tile_overlayer_lowered:
.L_overlay_start_2:
0xc3: {  	(tag) =	ssettag $0x2  }
0xc4: {  	s0 =	rddreg [dreg:$0x0];
	s2 =	stileid.u32  }
0xc5: {  	s1 =	rddreg [dreg:$0x1];
	p0 =	sne.s32 s2, $0x0  }
0xc6: {  	s3 =	rddreg [dreg:$0x2];
	[bflag:$0x3] =	sbarrier.arrive $0xFFFF;
	s2 =	simm.s32 @!p0 $0x1C02  }
0xc7: {  	[timem:s3], [sflag:s2] =	dma.local @!p0 [hbm:s0], s1  }
0xc8: {  	s0 =	simm.s32 @!p0 $0x2  }
0xc9: {  	_ =	swait.ge @!p0 [sflag:s0], s1  }
0xca: {  	s1 =	ssub.s32 @!p0 $0x0, s1;
	[sflag:s0] =	ssyncset.done @!p0 $0x0  }
0xcb: {  	[sflag:s0] =	ssyncadd.s32 @!p0 s1  }
0xcc: {  	[bflag:$0x3] =	sbarrier.arrive $0xFFFF  }
0xcd: {  	_ =	shalt  }

// kernel: kernel.19.cloned.1.call-start
scs
__scs_entry_jumppad:
0x0: {  	(pc) =	sbr.rel $0x88, $3  }
0x1: {  	(tag) =	ssettag $0x0;
	lr =	simm.s32 $0x1  }
0x2: {  	[smem:$0x3F92] =	sst lr;
	_ =	strace $0xD0000000  }
0x3: {  	_ = 	snop  }
0x4: {  	_ = 	snop  }
0x5: {  	_ = 	snop  }
0x6: {  	_ = 	snop  }
0x7: {  	_ = 	snop  }
__scs_overlays_trampoline_lowered:
0x8: {  	[smem:$0x3FA1] =	sst s0  }
0x9: {  	[smem:$0x3FA2] =	sst s1  }
0xa: {  	[smem:$0x3FA3] =	sst s2  }
0xb: {  	[smem:$0x3FA4] =	sst s3  }
0xc: {  	[smem:$0x3FA5] =	sst s4  }
0xd: {  	[smem:$0x3FA6] =	sst s5  }
0xe: {  	[smem:$0x3FA7] =	sst s6  }
0xf: {  	[smem:$0x3FA8] =	sst s7  }
0x10: {  	[smem:$0x3FA9] =	sst s8  }
0x11: {  	[smem:$0x3FAA] =	sst s9;
	s0 =	simm.s32 @!p0 $0x0  }
0x12: {  	s1 =	sld [smem:$0x3F90];
	s0 =	simm.s32 @p0 $0x1  }
0x13: {  	[smem:$0x3FAB] =	sst s0;
	s0 =	simm.s32 @!p1 $0x0  }
0x14: {  	s2 =	sld [smem:$0x3F8F];
	s0 =	simm.s32 @p1 $0x1  }
0x15: {  	[smem:$0x3FAC] =	sst s0;
	s0 =	simm.s32 @!p2 $0x0  }
0x16: {  	s3 =	sld [smem:$0x3FDB];
	s0 =	simm.s32 @p2 $0x1  }
0x17: {  	s4 =	simm.s32 $0x1BF5;
	[smem:$0x3FAE] =	sst s0  }
0x18: {  	s0 =	sld [smem:$0x3F91];
	_ =	swait.ge [sflag:s4], $0x0  }
0x19: {  	s7 =	sld [smem:$0x3F92]  }
0x1a: {  	s8 =	sadd.s32 $0xFFFFE003, lr  }
0x1b: {  	s9 =	sadd.s32 $0xFFFFFEF7, lr;
	s5 =	simm.s32 $0xFFFFFFFF;
	p2 =	slt.u32 s8, $0xFFFFF086  }
0x1c: {  	p1 =	slt.u32 s9, $0xF7A;
	s5 =	simm.s32 @!p2 $0x0  }
0x1d: {  	s5 =	simm.s32 @p1 $0x1;
	p0 =	seq.s32 s7, s2  }
0x1e: {  	s7 =	smul.u32 @!p0 $0xF7A, s2;
	p2 =	seq.s32 @!p0 s5, $0x0  }
0x1f: {  	s9 =	smul.u32 $0xF7A, s1;
	s8 =	simm.s32 @!p0 $0x1BF5;
	p2 =	por !p2, p0  }
0x20: {  	[sflag:s8] =	ssyncset.s32 @!p0 $0xFFFFF086;
	s6 =	sadd.s32 @!p0 s3, s7;
	s7 =	simm.s32 @!p0 $0x108  }
0x21: {  	s3 =	sadd.s32 s3, s9;
	s6 =	sadd.s32 @!p0 $0x88, s6;
	s7 =	simm.s32 @p2 $0x1082  }
0x22: {  	[simem:s7], [sflag:s8] =	dma.local @!p0 [hbm:s6], $0xF7A  }
0x23: {  	s9 =	sor.u32 $0xD0000000, s2;
	s6 =	simm.s32 $0x108;
	_ =	swait.ge @!p0 [sflag:s8], $0x0  }
0x24: {  	s3 =	sadd.s32 $0x88, s3;
	s6 =	simm.s32 @!p1 $0x1082;
	[sflag:s4] =	ssyncset.s32 $0xFFFFF086  }
0x25: {  	[simem:s6], [sflag:s4] =	dma.local [hbm:s3], $0xF7A  }
0x26: {  	[smem:$0x3F92] =	sst s1;
	(tag) =	ssettag s2;
	_ =	strace s9  }
0x27: {  	s1 =	sld [smem:$0x3FA2]  }
0x28: {  	s2 =	sld [smem:$0x3FA3]  }
0x29: {  	s4 =	sld [smem:$0x3FA5]  }
0x2a: {  	p0 =	seq.s32 s5, $0x0;
	s5 =	sld [smem:$0x3FA6]  }
0x2b: {  	s6 =	sld [smem:$0x3FA7]  }
0x2c: {  	s7 =	sld [smem:$0x3FA8]  }
0x2d: {  	s3 =	simm.s32 $0x108;
	s8 =	sld [smem:$0x3FA9]  }
0x2e: {  	s3 =	simm.s32 @!p0 $0x1082;
	s9 =	sld [smem:$0x3FAA]  }
0x2f: {  	lr =	sadd.s32 s0, s3;
	s0 =	sld [smem:$0x3FA1]  }
0x30: {  	s3 =	sld [smem:$0x3FA4]  }
0x31: {  	[smem:$0x3FAD] =	sst s10  }
0x32: {  	s10 =	sld [smem:$0x3FAB];
	_ =	sdelay $0x3  }
0x33: {  	p0 =	seq.s32 s10, $0x1;
	s10 =	sld [smem:$0x3FAD];
	_ =	sdelay $0x3  }
0x34: {  	[smem:$0x3FAD] =	sst s10  }
0x35: {  	s10 =	sld [smem:$0x3FAC];
	_ =	sdelay $0x3  }
0x36: {  	p1 =	seq.s32 s10, $0x1;
	s10 =	sld [smem:$0x3FAD];
	_ =	sdelay $0x3  }
0x37: {  	[smem:$0x3FAD] =	sst s10  }
0x38: {  	s10 =	sld [smem:$0x3FAE]  }
0x39: {  	_ = 	snop;
	(pc) =	sbr.ind lr, $3  }
0x3a: {  	_ = 	snop  }
0x3b: {  	_ = 	snop  }
0x3c: {  	p2 =	seq.s32 s10, $0x1;
	s10 =	sld [smem:$0x3FAD]  }
0x3d: {  	_ =	shalt  }
0x3e: {  	_ =	shalt  }
0x3f: {  	_ =	shalt  }
0x40: {  	_ =	shalt  }
0x41: {  	_ =	shalt  }
0x42: {  	_ =	shalt  }
0x43: {  	_ =	shalt  }
0x44: {  	_ =	shalt  }
0x45: {  	_ =	shalt  }
0x46: {  	_ =	shalt  }
0x47: {  	_ =	shalt  }
0x48: {  	_ =	shalt  }
0x49: {  	_ =	shalt  }
0x4a: {  	_ =	shalt  }
0x4b: {  	_ =	shalt  }
0x4c: {  	_ =	shalt  }
0x4d: {  	_ =	shalt  }
0x4e: {  	_ =	shalt  }
0x4f: {  	_ =	shalt  }
0x50: {  	_ =	shalt  }
0x51: {  	_ =	shalt  }
0x52: {  	_ =	shalt  }
0x53: {  	_ =	shalt  }
0x54: {  	_ =	shalt  }
0x55: {  	_ =	shalt  }
0x56: {  	_ =	shalt  }
0x57: {  	_ =	shalt  }
0x58: {  	_ =	shalt  }
0x59: {  	_ =	shalt  }
0x5a: {  	_ =	shalt  }
0x5b: {  	_ =	shalt  }
0x5c: {  	_ =	shalt  }
0x5d: {  	_ =	shalt  }
0x5e: {  	_ =	shalt  }
0x5f: {  	_ =	shalt  }
0x60: {  	_ =	shalt  }
0x61: {  	_ =	shalt  }
0x62: {  	_ =	shalt  }
0x63: {  	_ =	shalt  }
0x64: {  	_ =	shalt  }
0x65: {  	_ =	shalt  }
0x66: {  	_ =	shalt  }
0x67: {  	_ =	shalt  }
0x68: {  	_ =	shalt  }
0x69: {  	_ =	shalt  }
0x6a: {  	_ =	shalt  }
0x6b: {  	_ =	shalt  }
0x6c: {  	_ =	shalt  }
0x6d: {  	_ =	shalt  }
0x6e: {  	_ =	shalt  }
0x6f: {  	_ =	shalt  }
0x70: {  	_ =	shalt  }
0x71: {  	_ =	shalt  }
0x72: {  	_ =	shalt  }
0x73: {  	_ =	shalt  }
0x74: {  	_ =	shalt  }
0x75: {  	_ =	shalt  }
0x76: {  	_ =	shalt  }
0x77: {  	_ =	shalt  }
0x78: {  	_ =	shalt  }
0x79: {  	_ =	shalt  }
0x7a: {  	_ =	shalt  }
0x7b: {  	_ =	shalt  }
0x7c: {  	_ =	shalt  }
0x7d: {  	_ =	shalt  }
0x7e: {  	_ =	shalt  }
0x7f: {  	_ =	shalt  }
0x80: {  	_ =	shalt  }
0x81: {  	_ =	shalt  }
0x82: {  	_ =	shalt  }
0x83: {  	_ =	shalt  }
0x84: {  	_ =	shalt  }
0x85: {  	_ =	shalt  }
0x86: {  	_ =	shalt  }
0x87: {  	_ =	shalt  }
.Lfunc_end0:
.L_simem_size_0:
called_computation.3_lowered:
.L_overlay_start_0:
0x88: {  	s2 =	sld [smem:$0x3FD9]  }
0x89: {  	s3 =	sld [smem:$0x3FFE];
	_ =	sdelay $0x1  }
0x8a: {  	s1 =	srdreg.scid  }
0x8b: {  	s0 =	sand.u32 $0x1, s1  }
0x8c: {  	s16 =	sshll.u32 s0, $0xA;
	s2 =	sadd.s32 s3, s2  }
0x8d: {  	s2 =	sadd.s32 s2, s16  }
0x8e: {  	[smem:$0x3FB9] =	sst s2  }
0x8f: {  	_ = 	snop  }
0x90: {  	(tm) =	ssettm $0x1  }
0x91: {  	s17 =	sld [smem:$0x3FFB];
	_ =	sdelay $0x3  }
0x92: {  	_ =	strace s17  }
0x93: {  	s2 =	sld [smem:$0x3FFC];
	_ =	sdelay $0x3  }
0x94: {  	_ =	strace s2  }
0x95: {  	s2 =	sld [smem:$0x3FFD];
	_ =	sdelay $0x3  }
0x96: {  	_ =	strace s2  }
0x97: {  	_ =	strace $0x8FFFFFFF  }
0x98: {  	s18 =	sld [smem:$0x3FDB];
	_ =	sdelay $0x1  }
0x99: {  	s19 =	simm.s32 $_scs_section_size  }
0x9a: {  	s4 =	simm.s32 $_size__tile_overlayer_lowered;
	s5 =	simm.s32 $_tile_overlayer_lowered  }
0x9b: {  	s22 =	simm.s32 $0x1BFF;
	s21 =	sshll.u32 s5, $0x1;
	s2 =	sadd.s32 s19, s18  }
0x9c: {  	s6 =	simm.s32 $0x0;
	s20 =	sshll.u32 s4, $0x1;
	s4 =	sadd.s32 s21, s2  }
0x9d: {  	[timem:s6], [sflag:s22] =	dma.local [hbm:s4], s20  }
0x9e: {  	_ =	swait.ge [sflag:s22], s20  }
0x9f: {  	s3 =	ssub.s32 $0x0, s20;
	[sflag:s22] =	ssyncset.done $0x0  }
0xa0: {  	[sflag:s22] =	ssyncadd.s32 s3;
	_ =	sdelay $0x1  }
0xa1: {  	s23 =	simm.s32 $0x1B8B  }
0xa2: {  	_ =	swait.ge [sflag:s23], $0x1  }
0xa3: {  	[sflag:s23] =	ssyncset.done $0x0  }
0xa4: {  	s25 =	simm.s32 $0x1B8E;
	s24 =	sld [smem:$0x3FFE];
	[sflag:s23] =	ssyncadd.s32 $0xFFFFFFFF  }
0xa5: {  	s26 =	simm.s32 $execute0_lowered;
	[smem:$0x3FD2] =	sst s25  }
0xa6: {  	s4 =	sshll.u32 s26, $0x1;
	_ =	strace $0x8000004F;
	[dreg:$0x1] =	wrdreg $0xFFFFFFFF  }
0xa7: {  	s28 =	simm.s32 $_size_execute0_lowered;
	s2 =	sadd.s32 s2, s4;
	[dreg:$0x0] =	wrdreg $0x0  }
0xa8: {  	s4 =	sshll.u32 s28, $0x1;
	[dreg:$0x2] =	wrdreg s2  }
0xa9: {  	[dreg:$0x3] =	wrdreg s4  }
0xaa: {  	[dreg:$0x4] =	wrdreg $0xC0  }
0xab: {  	_ =	task [dreg:s6], $0x5FFFF  }
0xac: {  	[dreg:$0x1] =	wrdreg $0xFFFFFFFF  }
0xad: {  	[dreg:$0x0] =	wrdreg $0x60  }
0xae: {  	[dreg:$0x2] =	wrdreg s24  }
0xaf: {  	[dreg:$0x3] =	wrdreg $0x51000  }
0xb0: {  	[dreg:$0x4] =	wrdreg $0x9  }
0xb1: {  	_ =	task.clear_ibuf [dreg:s6], $0x5FFFF;
	_ =	strace $0x9000004F  }
0xb2: {  	s29 =	simm.s32 $0x9;
	_ =	strace $0x80000051  }
0xb3: {  	_ =	swait.ge [sflag:s29], $0x1  }
0xb4: {  	[sflag:s29] =	ssyncadd.s32 $0xFFFFFFFF  }
0xb5: {  	_ =	strace $0x90000051  }
0xb6: {  	_ =	sfence  }
0xb7: {  	s30 =	sld [smem:$0x0];
	_ =	sdelay $0x2  }
0xb8: {  	s31 =	sshll.u32 s1, $0xD;
	s1 =	sshrl.u32 s1, $0x2  }
0xb9: {  	s3 =	sand.u32 $0x4000, s31;
	s1 =	sadd.s32 s1, s30  }
0xba: {  	s0 =	sor.u32 s3, s0;
	s1 =	sshll.u32 s1, $0x11  }
0xbb: {  	s0 =	sor.u32 s1, s0  }
0xbc: {  	s0 =	sadd.s32 $0x8F2B, s0  }
0xbd: {  	[sflag:s0] =	ssyncadd.remote.s32 $0x1  }
0xbe: {  	_ =	sfence.sel $0xFFFF  }
0xbf: {  	[dreg:$0x0] =	wrdreg $0xFFFFFFFF;
	(pc) =	sbr.abs _section_cstart, $3  }
0xc0: {  	[dreg:$0x1] =	wrdreg $0xFFFFFFFF  }
0xc1: {  	_ =	task.clear_ibuf [dreg:s6], $0x2FFFF;
	_ =	strace $0x9FFFFFFF  }
0xc2: {  	(tm) =	ssettm $0x7FFFFFFF  }
0xc3: {  	_ =	shalt  }
tec
execute0_lowered:
.L_overlay_start_1:
0x0: {  	(tag) =	ssettag $0x1  }
0x1: {  	s0 =	rddreg [dreg:$0x0]  }
0x2: {  	s1 =	rddreg [dreg:$0x1];
	s8 =	stileid.u32  }
0x3: {  	s2 =	srdreg.scid;
	s6 =	smul.u32 $0x2710, s8  }
0x4: {  	s3 =	simm.s32 $0x0;
	s28 =	simm.s32 $0x50;
	s7 =	smul.u32 $0x280, s8  }
0x5: {  	s29 =	simm.s32 $0x100;
	s2 =	sand.u32 $0x1, s2;
	s8 =	smul.u32 $0x50000, s8  }
0x6: {  	s30 =	simm.s32 $0x1;
	s31 =	simm.s32 $0x0;
	s5 =	smul.u32 $0x27100, s2  }
0x7: {  	[smem:$0x7FF] =	sst s3;
	s20 =	smul.u32 $0x2800, s2;
	s2 =	ssub.s32 $0x2, s2  }
0x8: {  	s4 =	sadd.s32 $0x67E00, s0;
	_ =	strace $0x80000050;
	s22 =	sshrl.u32 s2, $0x1  }
0x9: {  	s24 =	sshrl.u32 s8, $0x2;
	s5 =	sadd.s32 s6, s5;
	s2 =	ssub.s32 s2, s22  }
0xa: {  	s21 =	sadd.s32 s7, s20;
	s5 =	sshrl.u32 s5, $0x3;
	s2 =	smax.u32 s2, $0x1  }
0xb: {  	s23 =	sadd.s32 s5, s0;
	s5 =	sshll.u32 s21, $0x4;
	[dreg:$0x3] =	wrdreg s2  }
0xc: {  	s0 =	sadd.s32 s5, s0;
	s5 =	sadd.s32 s24, s1;
	s22 =	sadd.s32 $0xDA00, s23  }
0xd: {  	s23 =	sadd.s32 $0x3C00, s23;
	s24 =	simm.s32 $0x2900;
	s7 =	sadd.s32 $0x2800, s5  }
0xe: {  	s8 =	sadd.s32 $0x5000, s5;
	s9 =	sadd.s32 $0x7800, s5;
	s10 =	sadd.s32 $0xA000, s5  }
0xf: {  	s11 =	sadd.s32 $0xC800, s5;
	s12 =	sadd.s32 $0xF000, s5;
	s13 =	sadd.s32 $0x11800, s5  }
0x10: {  	s25 =	sadd.s32 $0x8F000, s0;
	s26 =	sadd.s32 $0x8F500, s0;
	s16 =	sadd.s32 $0x8FA00, s0  }
0x11: {  	s17 =	sadd.s32 $0x8FF00, s0;
	s18 =	sadd.s32 $0x90400, s0;
	s19 =	sadd.s32 $0x90900, s0  }
0x12: {  	s20 =	sadd.s32 $0x90E00, s0;
	s21 =	sadd.s32 $0x91300, s0;
	[dreg:$0x4] =	wrdreg s25  }
0x13: {  	v0 =	vimm.f32 $0.0e+00;
	[dreg:$0x5] =	wrdreg s26;
	s25 =	simm.s32 $0x2;
	s26 =	simm.s32 $0x80  }
.LBB2_1:
0x14: {  	s0 =	simm.s32 $0x0;
	s2 =	simm.s32 $0x200  }
.LBB2_2:
0x15: {  	p0 =	sne.s32 s2, $0x9E00;
	[tilespmem:s0+$0x2970] =	vst v0  }
0x16: {  	[tilespmem:s0+$0x2900] =	vst v0  }
0x17: {  	[tilespmem:s0+$0x2910] =	vst v0  }
.Ltmp0:
0x18: {  	[tilespmem:s0+$0x2920] =	vst v0;
	(pc) =	sbr.rel @p0 .LBB2_2-.Ltmp0, $4  }
0x19: {  	[tilespmem:s0+$0x2930] =	vst v0  }
0x1a: {  	[tilespmem:s0+$0x2940] =	vst v0  }
0x1b: {  	[tilespmem:s0+$0x2950] =	vst v0  }
0x1c: {  	[tilespmem:s0+$0x2960] =	vst v0;
	s0 =	sshra.s32 s2, $0x2;
	s2 =	sadd.s32 $0x200, s2  }
0x1d: {  	[tilespmem:s0+$0x2970] =	vst v0  }
0x1e: {  	[tilespmem:s0+$0x2900] =	vst v0  }
0x1f: {  	[tilespmem:s0+$0x2910] =	vst v0  }
0x20: {  	[tilespmem:s0+$0x2920] =	vst v0  }
0x21: {  	[tilespmem:s0+$0x2930] =	vst v0  }
0x22: {  	[tilespmem:s0+$0x2940] =	vst v0  }
0x23: {  	[tilespmem:s0+$0x2950] =	vst v0  }
0x24: {  	[tilespmem:s0+$0x2960] =	vst v0  }
0x25: {  	[spmem:s5] =	stream.linear.scatter [tilespmem:s24], [sflag:$0x2], $0x2800, $0x38;
	[tilespmem:$0x19100] =	vst v63  }
0x26: {  	_ =	swait.ge [sflag:s25], $0x2800  }
0x27: {  	[sflag:s25] =	ssyncset.done $0x0  }
0x28: {  	[sflag:s25] =	ssyncadd.s32 $0xFFFFD800  }
0x29: {  	[spmem:s7] =	stream.linear.scatter [tilespmem:s24], [sflag:$0x2], $0x2800, $0x38;
	[tilespmem:$0x19100] =	vst v63  }
0x2a: {  	_ =	swait.ge [sflag:s25], $0x2800  }
0x2b: {  	[sflag:s25] =	ssyncset.done $0x0  }
0x2c: {  	[sflag:s25] =	ssyncadd.s32 $0xFFFFD800  }
0x2d: {  	[spmem:s8] =	stream.linear.scatter [tilespmem:s24], [sflag:$0x2], $0x2800, $0x38;
	[tilespmem:$0x19100] =	vst v63  }
0x2e: {  	_ =	swait.ge [sflag:s25], $0x2800  }
0x2f: {  	[sflag:s25] =	ssyncset.done $0x0  }
0x30: {  	[sflag:s25] =	ssyncadd.s32 $0xFFFFD800  }
0x31: {  	[spmem:s9] =	stream.linear.scatter [tilespmem:s24], [sflag:$0x2], $0x2800, $0x38;
	[tilespmem:$0x19100] =	vst v63  }
0x32: {  	_ =	swait.ge [sflag:s25], $0x2800  }
0x33: {  	[sflag:s25] =	ssyncset.done $0x0  }
0x34: {  	[sflag:s25] =	ssyncadd.s32 $0xFFFFD800  }
0x35: {  	[spmem:s10] =	stream.linear.scatter [tilespmem:s24], [sflag:$0x2], $0x2800, $0x38;
	[tilespmem:$0x19100] =	vst v63  }
0x36: {  	_ =	swait.ge [sflag:s25], $0x2800  }
0x37: {  	[sflag:s25] =	ssyncset.done $0x0  }
0x38: {  	[sflag:s25] =	ssyncadd.s32 $0xFFFFD800  }
0x39: {  	[spmem:s11] =	stream.linear.scatter [tilespmem:s24], [sflag:$0x2], $0x2800, $0x38;
	[tilespmem:$0x19100] =	vst v63  }
0x3a: {  	_ =	swait.ge [sflag:s25], $0x2800  }
0x3b: {  	[sflag:s25] =	ssyncset.done $0x0  }
0x3c: {  	[sflag:s25] =	ssyncadd.s32 $0xFFFFD800  }
0x3d: {  	[spmem:s12] =	stream.linear.scatter [tilespmem:s24], [sflag:$0x2], $0x2800, $0x38;
	[tilespmem:$0x19100] =	vst v63  }
0x3e: {  	_ =	swait.ge [sflag:s25], $0x2800  }
0x3f: {  	[sflag:s25] =	ssyncset.done $0x0  }
0x40: {  	[sflag:s25] =	ssyncadd.s32 $0xFFFFD800  }
0x41: {  	[spmem:s13] =	stream.linear.scatter [tilespmem:s24], [sflag:$0x2], $0x2800, $0x38;
	[tilespmem:$0x19100] =	vst v63  }
0x42: {  	_ =	swait.ge [sflag:s25], $0x2800  }
0x43: {  	[sflag:s25] =	ssyncset.done $0x0  }
0x44: {  	[sflag:s25] =	ssyncadd.s32 $0xFFFFD800  }
0x45: {  	s14 =	sadd.s32 $0x0, s23;
	[bflag:$0x0] =	sbarrier.arrive $0xFFFF  }
0x46: {  	[tilespmem:s3], [sflag:$0x2] =	stream.linear.gather [hbm4b:s14+s3], $0x50, $0x38;
	[tilespmem:$0x19100] =	vst v63  }
0x47: {  	_ =	swait.ge [sflag:s25], $0x50  }
0x48: {  	[sflag:s25] =	ssyncset.done $0x0  }
0x49: {  	s15 =	sadd.s32 $0x0, s22;
	[sflag:s25] =	ssyncadd.s32 $0xFFFFFFB0  }
0x4a: {  	[tilespmem:s26], [sflag:$0x2] =	stream.linear.gather [hbm4b:s15+s3], $0x50, $0x38;
	[tilespmem:$0x19100] =	vst v63  }
0x4b: {  	_ =	swait.ge [sflag:s25], $0x50  }
0x4c: {  	[sflag:s25] =	ssyncset.done $0x0  }
0x4d: {  	[sflag:s25] =	ssyncadd.s32 $0xFFFFFFB0  }
0x4e: {  	[tilespmem:s29], [sflag:$0x1] =	stream.indirect.gather [hbm4b:s4+s28], $0x80, s3, s28, $0xb8;
	[tilespmem:$0x19100] =	vst v63  }
0x4f: {  	_ =	swait.ge [sflag:s30], $0x2800  }
0x50: {  	[sflag:s30] =	ssyncset.done $0x0  }
0x51: {  	[sflag:s30] =	ssyncadd.s32 $0xFFFFD800  }
0x52: {  	[spmem:s1] =	stream.indirect.scatter.add.f32 [tilespmem:s29], [sflag:$0x2], $0x80, s26, s28, $0xb8;
	[tilespmem:$0x19100] =	vst v63  }
0x53: {  	_ =	swait.ge [sflag:s25], $0x2800  }
0x54: {  	s0 =	simm.s32 $0xA;
	s2 =	simm.s32 $0x14;
	[sflag:s25] =	ssyncset.done $0x0  }
.LBB2_4:
0x55: {  	s6 =	sadd.s32 s0, s23  }
0x56: {  	[sflag:s25] =	ssyncadd.s32 $0xFFFFD800;
	s14 =	smov.u32 s2;
	s15 =	sadd.s32 $0xA, s2  }
0x57: {  	[tilespmem:s3], [sflag:$0x2] =	stream.linear.gather [hbm4b:s6+s3], $0x50, $0x38;
	[tilespmem:$0x19100] =	vst v63  }
0x58: {  	p0 =	sne.s32 s2, $0x4D8;
	_ =	swait.ge [sflag:s25], $0x50  }
0x59: {  	[sflag:s25] =	ssyncset.done $0x0  }
0x5a: {  	s2 =	sadd.s32 s0, s22;
	s0 =	smov.u32 s14;
	[sflag:s25] =	ssyncadd.s32 $0xFFFFFFB0  }
0x5b: {  	[tilespmem:s26], [sflag:$0x2] =	stream.linear.gather [hbm4b:s2+s3], $0x50, $0x38;
	[tilespmem:$0x19100] =	vst v63  }
0x5c: {  	_ =	swait.ge [sflag:s25], $0x50  }
0x5d: {  	[sflag:s25] =	ssyncset.done $0x0  }
0x5e: {  	[sflag:s25] =	ssyncadd.s32 $0xFFFFFFB0  }
0x5f: {  	[tilespmem:s29], [sflag:$0x1] =	stream.indirect.gather [hbm4b:s4+s28], $0x80, s3, s28, $0xb8;
	[tilespmem:$0x19100] =	vst v63  }
0x60: {  	_ =	swait.ge [sflag:s30], $0x2800  }
.Ltmp1:
0x61: {  	[sflag:s30] =	ssyncset.done $0x0;
	(pc) =	sbr.rel @p0 .LBB2_4-.Ltmp1, $4  }
0x62: {  	[sflag:s30] =	ssyncadd.s32 $0xFFFFD800  }
0x63: {  	[spmem:s1] =	stream.indirect.scatter.add.f32 [tilespmem:s29], [sflag:$0x2], $0x80, s26, s28, $0xb8;
	[tilespmem:$0x19100] =	vst v63  }
0x64: {  	_ =	swait.ge [sflag:s25], $0x2800  }
0x65: {  	s2 =	smov.u32 s15;
	[sflag:s25] =	ssyncset.done $0x0  }
0x66: {  	s2 =	sadd.s32 s0, s23;
	[sflag:s25] =	ssyncadd.s32 $0xFFFFD800  }
0x67: {  	[tilespmem:s3], [sflag:$0x2] =	stream.linear.gather [hbm4b:s2+s3], $0x50, $0x38;
	[tilespmem:$0x19100] =	vst v63  }
0x68: {  	_ =	swait.ge [sflag:s25], $0x50  }
0x69: {  	[sflag:s25] =	ssyncset.done $0x0  }
0x6a: {  	s2 =	sadd.s32 s0, s22;
	[sflag:s25] =	ssyncadd.s32 $0xFFFFFFB0  }
0x6b: {  	[tilespmem:s26], [sflag:$0x2] =	stream.linear.gather [hbm4b:s2+s3], $0x50, $0x38;
	[tilespmem:$0x19100] =	vst v63  }
0x6c: {  	_ =	swait.ge [sflag:s25], $0x50  }
0x6d: {  	[sflag:s25] =	ssyncset.done $0x0  }
0x6e: {  	[sflag:s25] =	ssyncadd.s32 $0xFFFFFFB0  }
0x6f: {  	[tilespmem:s29], [sflag:$0x1] =	stream.indirect.gather [hbm4b:s4+s28], $0x80, s3, s28, $0xb8;
	[tilespmem:$0x19100] =	vst v63  }
0x70: {  	_ =	swait.ge [sflag:s30], $0x2800  }
0x71: {  	[sflag:s30] =	ssyncset.done $0x0  }
0x72: {  	[sflag:s30] =	ssyncadd.s32 $0xFFFFD800  }
0x73: {  	[spmem:s1] =	stream.indirect.scatter.add.f32 [tilespmem:s29], [sflag:$0x2], $0x80, s26, s28, $0xb8;
	[tilespmem:$0x19100] =	vst v63  }
0x74: {  	_ =	swait.ge [sflag:s25], $0x2800  }
0x75: {  	[sflag:s25] =	ssyncset.done $0x0  }
0x76: {  	[sflag:s25] =	ssyncadd.s32 $0xFFFFD800  }
0x77: {  	[bflag:$0x0] =	sbarrier.arrive $0xFFFF  }
0x78: {  	[tilespmem:s24], [sflag:$0x2] =	stream.linear.gather [spmem:s5], $0x2800, $0x38;
	[tilespmem:$0x19100] =	vst v63  }
0x79: {  	_ =	swait.ge [sflag:s25], $0x2800  }
0x7a: {  	[sflag:s25] =	ssyncset.done $0x0  }
0x7b: {  	s6 =	rddreg [dreg:$0x4];
	[sflag:s25] =	ssyncadd.s32 $0xFFFFD800  }
0x7c: {  	[hbm4b:s6+s3] =	stream.linear.scatter [tilespmem:s24], [sflag:$0x2], $0x2800, $0x38;
	[tilespmem:$0x19100] =	vst v63  }
0x7d: {  	_ =	swait.ge [sflag:s25], $0x2800  }
0x7e: {  	[sflag:s25] =	ssyncset.done $0x0  }
0x7f: {  	[sflag:s25] =	ssyncadd.s32 $0xFFFFD800  }
0x80: {  	[tilespmem:s24], [sflag:$0x2] =	stream.linear.gather [spmem:s7], $0x2800, $0x38;
	[tilespmem:$0x19100] =	vst v63  }
0x81: {  	_ =	swait.ge [sflag:s25], $0x2800  }
0x82: {  	[sflag:s25] =	ssyncset.done $0x0  }
0x83: {  	s14 =	rddreg [dreg:$0x5];
	[sflag:s25] =	ssyncadd.s32 $0xFFFFD800  }
0x84: {  	[hbm4b:s14+s3] =	stream.linear.scatter [tilespmem:s24], [sflag:$0x2], $0x2800, $0x38;
	[tilespmem:$0x19100] =	vst v63  }
0x85: {  	_ =	swait.ge [sflag:s25], $0x2800  }
0x86: {  	[sflag:s25] =	ssyncset.done $0x0  }
0x87: {  	[sflag:s25] =	ssyncadd.s32 $0xFFFFD800  }
0x88: {  	[tilespmem:s24], [sflag:$0x2] =	stream.linear.gather [spmem:s8], $0x2800, $0x38;
	[tilespmem:$0x19100] =	vst v63  }
0x89: {  	_ =	swait.ge [sflag:s25], $0x2800  }
0x8a: {  	[sflag:s25] =	ssyncset.done $0x0  }
0x8b: {  	[sflag:s25] =	ssyncadd.s32 $0xFFFFD800  }
0x8c: {  	[hbm4b:s16+s3] =	stream.linear.scatter [tilespmem:s24], [sflag:$0x2], $0x2800, $0x38;
	[tilespmem:$0x19100] =	vst v63  }
0x8d: {  	_ =	swait.ge [sflag:s25], $0x2800  }
0x8e: {  	[sflag:s25] =	ssyncset.done $0x0  }
0x8f: {  	[sflag:s25] =	ssyncadd.s32 $0xFFFFD800  }
0x90: {  	[tilespmem:s24], [sflag:$0x2] =	stream.linear.gather [spmem:s9], $0x2800, $0x38;
	[tilespmem:$0x19100] =	vst v63  }
0x91: {  	_ =	swait.ge [sflag:s25], $0x2800  }
0x92: {  	[sflag:s25] =	ssyncset.done $0x0  }
0x93: {  	[sflag:s25] =	ssyncadd.s32 $0xFFFFD800  }
0x94: {  	[hbm4b:s17+s3] =	stream.linear.scatter [tilespmem:s24], [sflag:$0x2], $0x2800, $0x38;
	[tilespmem:$0x19100] =	vst v63  }
0x95: {  	_ =	swait.ge [sflag:s25], $0x2800  }
0x96: {  	[sflag:s25] =	ssyncset.done $0x0  }
0x97: {  	[sflag:s25] =	ssyncadd.s32 $0xFFFFD800  }
0x98: {  	[tilespmem:s24], [sflag:$0x2] =	stream.linear.gather [spmem:s10], $0x2800, $0x38;
	[tilespmem:$0x19100] =	vst v63  }
0x99: {  	_ =	swait.ge [sflag:s25], $0x2800  }
0x9a: {  	[sflag:s25] =	ssyncset.done $0x0  }
0x9b: {  	[sflag:s25] =	ssyncadd.s32 $0xFFFFD800  }
0x9c: {  	[hbm4b:s18+s3] =	stream.linear.scatter [tilespmem:s24], [sflag:$0x2], $0x2800, $0x38;
	[tilespmem:$0x19100] =	vst v63  }
0x9d: {  	_ =	swait.ge [sflag:s25], $0x2800  }
0x9e: {  	[sflag:s25] =	ssyncset.done $0x0  }
0x9f: {  	[sflag:s25] =	ssyncadd.s32 $0xFFFFD800  }
0xa0: {  	[tilespmem:s24], [sflag:$0x2] =	stream.linear.gather [spmem:s11], $0x2800, $0x38;
	[tilespmem:$0x19100] =	vst v63  }
0xa1: {  	_ =	swait.ge [sflag:s25], $0x2800  }
0xa2: {  	[sflag:s25] =	ssyncset.done $0x0  }
0xa3: {  	[sflag:s25] =	ssyncadd.s32 $0xFFFFD800  }
0xa4: {  	[hbm4b:s19+s3] =	stream.linear.scatter [tilespmem:s24], [sflag:$0x2], $0x2800, $0x38;
	[tilespmem:$0x19100] =	vst v63  }
0xa5: {  	_ =	swait.ge [sflag:s25], $0x2800  }
0xa6: {  	[sflag:s25] =	ssyncset.done $0x0  }
0xa7: {  	[sflag:s25] =	ssyncadd.s32 $0xFFFFD800  }
0xa8: {  	[tilespmem:s24], [sflag:$0x2] =	stream.linear.gather [spmem:s12], $0x2800, $0x38;
	[tilespmem:$0x19100] =	vst v63  }
0xa9: {  	_ =	swait.ge [sflag:s25], $0x2800  }
0xaa: {  	[sflag:s25] =	ssyncset.done $0x0  }
0xab: {  	[sflag:s25] =	ssyncadd.s32 $0xFFFFD800  }
0xac: {  	[hbm4b:s20+s3] =	stream.linear.scatter [tilespmem:s24], [sflag:$0x2], $0x2800, $0x38;
	[tilespmem:$0x19100] =	vst v63  }
0xad: {  	_ =	swait.ge [sflag:s25], $0x2800  }
0xae: {  	[sflag:s25] =	ssyncset.done $0x0  }
0xaf: {  	[sflag:s25] =	ssyncadd.s32 $0xFFFFD800  }
0xb0: {  	[tilespmem:s24], [sflag:$0x2] =	stream.linear.gather [spmem:s13], $0x2800, $0x38;
	[tilespmem:$0x19100] =	vst v63  }
0xb1: {  	_ =	swait.ge [sflag:s25], $0x2800  }
0xb2: {  	[sflag:s25] =	ssyncset.done $0x0  }
0xb3: {  	[sflag:s25] =	ssyncadd.s32 $0xFFFFD800  }
0xb4: {  	[hbm4b:s21+s3] =	stream.linear.scatter [tilespmem:s24], [sflag:$0x2], $0x2800, $0x38;
	[tilespmem:$0x19100] =	vst v63  }
0xb5: {  	_ =	swait.ge [sflag:s25], $0x2800  }
0xb6: {  	s31 =	sadd.s32 $0x1, s31;
	s15 =	rddreg [dreg:$0x3]  }
0xb7: {  	p0 =	sne.s32 s31, s15  }
.Ltmp2:
0xb8: {  	_ = 	snop;
	(pc) =	sbr.rel @p0 .LBB2_1-.Ltmp2, $3  }
0xb9: {  	_ =	sdelay $0x1  }
0xba: {  	[sflag:s25] =	ssyncset.done $0x0  }
0xbb: {  	[sflag:s25] =	ssyncadd.s32 $0xFFFFD800  }
0xbc: {  	_ =	sfence.sel $0x180000  }
0xbd: {  	[bflag:$0x0] =	sbarrier.arrive $0xFFFF  }
0xbe: {  	_ =	strace $0x90000050  }
0xbf: {  	s0 =	stileid.u32;
	[bflag:$0x2] =	sbarrier.arrive $0xFFFF  }
0xc0: {  	p0 =	sne.s32 s0, $0x0;
	s0 =	rddreg [dreg:$0x2]  }
0xc1: {  	s0 =	sadd.s32 @!p0 $0x100000, s0  }
0xc2: {  	[sflag:s0] =	ssyncadd.tile.s32 @!p0 $0x1;
	_ =	shalt  }
.Lfunc_end2:
_tile_overlayer_lowered:
.L_overlay_start_2:
0xc3: {  	(tag) =	ssettag $0x2  }
0xc4: {  	s0 =	rddreg [dreg:$0x0];
	s2 =	stileid.u32  }
0xc5: {  	s1 =	rddreg [dreg:$0x1];
	p0 =	sne.s32 s2, $0x0  }
0xc6: {  	s3 =	rddreg [dreg:$0x2];
	[bflag:$0x3] =	sbarrier.arrive $0xFFFF;
	s2 =	simm.s32 @!p0 $0x1C02  }
0xc7: {  	[timem:s3], [sflag:s2] =	dma.local @!p0 [hbm:s0], s1  }
0xc8: {  	s0 =	simm.s32 @!p0 $0x2  }
0xc9: {  	_ =	swait.ge @!p0 [sflag:s0], s1  }
0xca: {  	s1 =	ssub.s32 @!p0 $0x0, s1;
	[sflag:s0] =	ssyncset.done @!p0 $0x0  }
0xcb: {  	[sflag:s0] =	ssyncadd.s32 @!p0 s1  }
0xcc: {  	[bflag:$0x3] =	sbarrier.arrive $0xFFFF  }
0xcd: {  	_ =	shalt  }

</sc_bundles>
